<compile_context>
chip_gen: v7x
topology: tpu7x:2x2x1
jax: 0.10.2.dev20260603
libtpu: 0.0.44.dev20260713+nightly
codegen_flags: <defaults>
</compile_context>

<pallas_src>
import functools

import jax
import jax.numpy as jnp
from jax import lax
from jax.experimental import pallas as pl
from jax.experimental.pallas import tpu as pltpu
from jax.experimental.pallas import tpu_sc as plsc

B = 8
NV = 4096
NG = 256
NC = B * NG
NW = 32
NH = NV // 2
RPW = NH // NW
CH = 8
NCHUNK = RPW // CH
EPS = 1e-6



_MESH = plsc.VectorSubcoreMesh(core_axis_name="c", subcore_axis_name="s")


def _make_scgather(h):
    @functools.partial(
        pl.kernel,
        mesh=_MESH,
        compiler_params=pltpu.CompilerParams(needs_layout_passes=False),
        out_type=jax.ShapeDtypeStruct((NH, NC // 2), jnp.int32),
        scratch_types=[
            pltpu.VMEM((CH, NV), jnp.float32),
            pltpu.VMEM((CH, NV), jnp.float32),
            pltpu.VMEM((CH, NC // 2), jnp.int32),
            pltpu.VMEM((CH, NC // 2), jnp.int32),
            pltpu.VMEM((NC,), jnp.int32),
            pltpu.SemaphoreType.DMA,
            pltpu.SemaphoreType.DMA,
            pltpu.SemaphoreType.DMA,
            pltpu.SemaphoreType.DMA,
        ],
    )
    def _scgather(dis_hbm, gt_hbm, g_out,
                  rowbuf0, rowbuf1, stage0, stage1, idxbuf,
                  insem0, insem1, outsem0, outsem1):
        c = lax.axis_index("c")
        s = lax.axis_index("s")
        wid = c * 16 + s
        r0 = h * NH + wid * RPW
        o0 = wid * RPW

        pltpu.sync_copy(gt_hbm, idxbuf)

        rowbufs = (rowbuf0, rowbuf1)
        stages = (stage0, stage1)
        insems = (insem0, insem1)
        outsems = (outsem0, outsem1)
        rsplats = [jnp.full((16,), r, dtype=jnp.int32) for r in range(CH)]

        def start_in(ci, buf, sem):
            pltpu.async_copy(dis_hbm.at[pl.ds(r0 + ci * CH, CH)], buf, sem)

        start_in(0, rowbufs[0], insems[0])

        def chunk_pair(half, _):
            for p in range(2):
                ci = half * 2 + p
                nxt = (p + 1) % 2

                @pl.when(ci + 1 < NCHUNK)
                def _start(ci=ci, nxt=nxt):
                    start_in(ci + 1, rowbufs[nxt], insems[nxt])

                pltpu.make_async_copy(
                    dis_hbm.at[pl.ds(r0 + ci * CH, CH)], rowbufs[p], insems[p]
                ).wait()
                @pl.when(ci >= 2)
                def _drain(ci=ci, p=p):
                    pltpu.make_async_copy(
                        stages[p], g_out.at[pl.ds(o0 + (ci - 2) * CH, CH)],
                        outsems[p],
                    ).wait()

                def k_body(k2, __, p=p):
                    for u in range(2):
                        k = (k2 * 2 + u) * 2
                        cvec0 = idxbuf[pl.ds(k * 16, 16)]
                        cvec1 = idxbuf[pl.ds((k + 1) * 16, 16)]
                        for r in range(CH):
                            ga = plsc.load_gather(
                                rowbufs[p], [rsplats[r], cvec0])
                            gb = plsc.load_gather(
                                rowbufs[p], [rsplats[r], cvec1])
                            packed = plsc.bitcast(
                                plsc.pack(
                                    ga, gb,
                                    format=plsc.PackFormat.INTERLEAVED),
                                jnp.int32)
                            stages[p][r, pl.ds(k * 8, 16)] = packed
                    return __

                lax.fori_loop(0, NC // 64, k_body, jnp.int32(0))
                pltpu.async_copy(
                    stages[p], g_out.at[pl.ds(o0 + ci * CH, CH)], outsems[p])
            return jnp.int32(0)

        lax.fori_loop(0, NCHUNK // 2, chunk_pair, jnp.int32(0))

        for p in range(2):
            ci = NCHUNK - 2 + p
            pltpu.make_async_copy(
                stages[p], g_out.at[pl.ds(o0 + ci * CH, CH)], outsems[p]
            ).wait()

    return _scgather


_scgather0 = _make_scgather(0)
_scgather1 = _make_scgather(1)



def _prep_body(pmap_ref, dis_ref, pmt_ref, qt_ref, nest_ref, m_ref):
    i = pl.program_id(0)
    nsteps = pl.num_programs(0)
    blockmax = jnp.max(dis_ref[...])
    prev = jnp.where(i == 0, -jnp.inf, m_ref[0, 0])
    cur = jnp.maximum(prev, blockmax)
    m_ref[0, 0] = cur

    @pl.when(i == nsteps - 1)
    def _():
        fp = jnp.sqrt(jnp.sum(pmap_ref[...] * pmap_ref[...], axis=2))
        pmax = jnp.max(fp, axis=1, keepdims=True)
        pm = fp / pmax
        pmt = pm.T
        pmt_ref[...] = pmt
        qt_ref[...] = (1.0 - pmt) * cur + EPS
        nest_ref[...] = jnp.sum(pm, axis=1)[None, :]


def _prep(prob_map, dis_matrix):
    blk = 512
    grid = NV // blk
    return pl.pallas_call(
        _prep_body,
        grid=(grid,),
        compiler_params=pltpu.CompilerParams(
            vmem_limit_bytes=100 * 1024 * 1024),
        in_specs=[
            pl.BlockSpec((B, NV, 4), lambda i: (0, 0, 0)),
            pl.BlockSpec((blk, NV), lambda i: (i, 0)),
        ],
        out_specs=[
            pl.BlockSpec((NV, B), lambda i: (0, 0)),
            pl.BlockSpec((NV, B), lambda i: (0, 0)),
            pl.BlockSpec((1, B), lambda i: (0, 0)),
            pl.BlockSpec((1, 1), lambda i: (0, 0), memory_space=pltpu.SMEM),
        ],
        out_shape=[
            jax.ShapeDtypeStruct((NV, B), jnp.float32),
            jax.ShapeDtypeStruct((NV, B), jnp.float32),
            jax.ShapeDtypeStruct((1, B), jnp.float32),
            jax.ShapeDtypeStruct((1, 1), jnp.float32),
        ],
    )(prob_map, dis_matrix)



_FBLK = 512
_FSTEPS = NH // _FBLK


def _acc_block(g_ref, pmt_ref, qt_ref):
    hg = NG // 2
    pmt = pmt_ref[...]
    qt = qt_ref[...]
    pme = jnp.concatenate(
        [jnp.broadcast_to(pmt[:, b:b + 1], (_FBLK, hg)) for b in range(B)],
        axis=1)
    qe = jnp.concatenate(
        [jnp.broadcast_to(qt[:, b:b + 1], (_FBLK, hg)) for b in range(B)],
        axis=1)
    g32 = g_ref[...]
    ga = lax.bitcast_convert_type(
        lax.shift_left(g32, 16), jnp.float32)
    gb = lax.bitcast_convert_type(
        lax.bitwise_and(g32, jnp.int32(-65536)), jnp.float32)
    reca = 1.0 / (ga * pme + qe)
    recb = 1.0 / (gb * pme + qe)
    cs_blk = jnp.concatenate(
        [jnp.sum(reca, axis=0, keepdims=True),
         jnp.sum(recb, axis=0, keepdims=True)], axis=1)
    gmin = jnp.minimum(
        jnp.min(ga.reshape(_FBLK, B, hg), axis=2),
        jnp.min(gb.reshape(_FBLK, B, hg), axis=2))
    t1_blk = jnp.sum(pmt * gmin, axis=0, keepdims=True)
    return cs_blk, t1_blk


def _final0_body(g_ref, pmt_ref, qt_ref, cs_out, t1_out):
    i = pl.program_id(0)
    cs_blk, t1_blk = _acc_block(g_ref, pmt_ref, qt_ref)
    cs_prev = jnp.where(i == 0, 0.0, cs_out[...])
    cs_out[...] = cs_prev + cs_blk
    t1_prev = jnp.where(i == 0, 0.0, t1_out[...])
    t1_out[...] = t1_prev + t1_blk


def _final0(g, pmt, qt):
    return pl.pallas_call(
        _final0_body,
        grid=(_FSTEPS,),
        in_specs=[
            pl.BlockSpec((_FBLK, NC // 2), lambda i: (i, 0)),
            pl.BlockSpec((_FBLK, B), lambda i: (i, 0)),
            pl.BlockSpec((_FBLK, B), lambda i: (i, 0)),
        ],
        out_specs=[
            pl.BlockSpec((1, NC), lambda i: (0, 0)),
            pl.BlockSpec((1, B), lambda i: (0, 0)),
        ],
        out_shape=[
            jax.ShapeDtypeStruct((1, NC), jnp.float32),
            jax.ShapeDtypeStruct((1, B), jnp.float32),
        ],
    )(g, pmt, qt)


def _final1_body(g_ref, pmt_ref, qt_ref, cs_in, t1_in, nest_ref, out_ref,
                 cs_scr, t1_scr):
    i = pl.program_id(0)
    cs_blk, t1_blk = _acc_block(g_ref, pmt_ref, qt_ref)
    cs_prev = jnp.where(i == 0, cs_in[...], cs_scr[...])
    cs_scr[...] = cs_prev + cs_blk
    t1_prev = jnp.where(i == 0, t1_in[...], t1_scr[...])
    t1_scr[...] = t1_prev + t1_blk

    @pl.when(i == _FSTEPS - 1)
    def _():
        term2 = jnp.sum(float(NV) / cs_scr[...]) * (1.0 / (NG * B))
        term1 = jnp.sum(t1_scr[...] / (nest_ref[...] + EPS)) * (1.0 / B)
        out_ref[0, 0] = term1 + term2


def _final1(g, pmt, qt, cs0, t10, nest):
    return pl.pallas_call(
        _final1_body,
        grid=(_FSTEPS,),
        in_specs=[
            pl.BlockSpec((_FBLK, NC // 2), lambda i: (i, 0)),
            pl.BlockSpec((_FBLK, B), lambda i: (i + _FSTEPS, 0)),
            pl.BlockSpec((_FBLK, B), lambda i: (i + _FSTEPS, 0)),
            pl.BlockSpec((1, NC), lambda i: (0, 0)),
            pl.BlockSpec((1, B), lambda i: (0, 0)),
            pl.BlockSpec((1, B), lambda i: (0, 0)),
        ],
        out_specs=pl.BlockSpec((1, 1), lambda i: (0, 0),
                               memory_space=pltpu.SMEM),
        out_shape=jax.ShapeDtypeStruct((1, 1), jnp.float32),
        scratch_shapes=[
            pltpu.VMEM((1, NC), jnp.float32),
            pltpu.VMEM((1, B), jnp.float32),
        ],
    )(g, pmt, qt, cs0, t10, nest)


def kernel(prob_map, gt, dis_matrix):
    gt_flat = gt.reshape(-1)
    g0 = _scgather0(dis_matrix, gt_flat)
    g1 = _scgather1(dis_matrix, gt_flat)
    pmt, qt, nest, _m = _prep(prob_map, dis_matrix)
    cs0, t10 = _final0(g0, pmt[:NH], qt[:NH])
    res = _final1(g1, pmt, qt, cs0, t10, nest)
    return res[0, 0]

# --- scband reference (transcript-rebuilt; emitter-appended) ---
"""Pipeline reference for scband-weighted-hausdorff-distance-not-working-7997229105885 (READ-ONLY COPY).

The authoritative reference and input builder live on the scoring server;
editing this copy changes nothing except your own understanding.
"""

import jax, jax.numpy as jnp
import numpy as np


def setup_inputs(seed: int = 0) -> dict:
    key = jax.random.key(seed)
    k1, k2, k3 = jax.random.split(key, 3)
    prob_map = jax.random.uniform(k1, (8, 4096, 4), dtype=jnp.float32)
    gt = jax.random.randint(k2, (8, 256), 0, 4096, dtype=jnp.int32)
    dis_matrix = jax.random.uniform(k3, (4096, 4096), dtype=jnp.float32) * 10.0
    return {"prob_map": prob_map, "gt": gt, "dis_matrix": dis_matrix}


def reference(prob_map, gt, dis_matrix):
    eps = 1e-06
    alpha = -1.0
    max_dist = jnp.max(dis_matrix)
    # flatten channels via L2 norm: (B, NVoxels)
    flatten_prob_map = jnp.linalg.norm(prob_map, axis=2)

    def per_batch(pm_b, gt_b):
        pm = pm_b / jax.lax.stop_gradient(jnp.max(pm_b))
        # gather columns of the distance matrix: (NVoxels, n_gt)
        d_matrix = dis_matrix[:, gt_b]
        n_est_pts = jnp.sum(pm)
        term_1 = (1.0 / (n_est_pts + eps)) * jnp.sum(pm * jnp.min(d_matrix, axis=1))
        inner_term2 = pm[:, None] * d_matrix + ((1.0 - pm) * max_dist)[:, None]
        term_2 = jnp.mean(jnp.mean((inner_term2 + eps) ** alpha, axis=0) ** (1.0 / alpha))
        return term_1, term_2

    terms_1, terms_2 = jax.vmap(per_batch)(flatten_prob_map, gt)
    res = jnp.mean(terms_1) + jnp.mean(terms_2)
    return res

if __name__ == "__main__":
    import jax
    _d = setup_inputs()
    print(jax.jit(kernel)(*tuple(_d.values())))

</pallas_src>

<mosaic_0001>
#map = affine_map<(d0, d1) -> (0, 0)>
#map1 = affine_map<(d0, d1) -> (0)>
module attributes {stable_mosaic.version = 14 : i64} {
  func.func @_scgather(%arg0: i32, %arg1: i32, %arg2: memref<4096x4096xf32, #tpu.memory_space<hbm>>, %arg3: memref<2048xi32, #tpu.memory_space<hbm>>, %arg4: memref<2048x1024xi32, #tpu.memory_space<hbm>>, %arg5: memref<8x4096xf32, #tpu.memory_space<vmem>>, %arg6: memref<8x4096xf32, #tpu.memory_space<vmem>>, %arg7: memref<8x1024xi32, #tpu.memory_space<vmem>>, %arg8: memref<8x1024xi32, #tpu.memory_space<vmem>>, %arg9: memref<2048xi32, #tpu.memory_space<vmem>>, %arg10: memref<!tpu.dma_semaphore, #tpu.memory_space<semaphore_mem>>, %arg11: memref<!tpu.dma_semaphore, #tpu.memory_space<semaphore_mem>>, %arg12: memref<!tpu.dma_semaphore, #tpu.memory_space<semaphore_mem>>, %arg13: memref<!tpu.dma_semaphore, #tpu.memory_space<semaphore_mem>>) attributes {dimension_semantics = [#tpu.dimension_semantics<core_parallel>, #tpu.dimension_semantics<subcore_parallel>], iteration_bounds = array<i64: 2, 16>, scalar_prefetch = 0 : i64, scratch_operands = 9 : i64, tpu.core_type = #tpu.core_type<sc_vector_subcore>, window_params = [{transform_indices = #map}, {transform_indices = #map1}, {transform_indices = #map}]} {
    %mul3A = arith.constant 16 : i32
    %mul3A_0 = arith.muli %arg0, %mul3A : i32
    %add3A = arith.addi %mul3A_0, %arg1 : i32
    %mul3A_1 = arith.constant 64 : i32
    %mul3A_2 = arith.muli %add3A, %mul3A_1 : i32
    %add3A_3 = arith.constant 2048 : i32
    %add3A_4 = arith.addi %add3A_3, %mul3A_2 : i32
    %mul3A_5 = arith.constant 64 : i32
    %mul3A_6 = arith.muli %add3A, %mul3A_5 : i32
    "tpu.region"() ({
      %run_scoped3A = tpu.sem_alloc : memref<!tpu.dma_semaphore, #tpu.memory_space<semaphore_mem>>
      tpu.enqueue_dma source(%arg3 : memref<2048xi32, #tpu.memory_space<hbm>>) target(%arg9 : memref<2048xi32, #tpu.memory_space<vmem>>) target_semaphore(%run_scoped3A : memref<!tpu.dma_semaphore, #tpu.memory_space<semaphore_mem>>)
      tpu.wait_dma2 semaphore(%run_scoped3A : memref<!tpu.dma_semaphore, #tpu.memory_space<semaphore_mem>>) src(%arg3 : memref<2048xi32, #tpu.memory_space<hbm>>) dst(%arg9 : memref<2048xi32, #tpu.memory_space<vmem>>)
      tpu.yield
    }) : () -> ()
    %broadcast_in_dim3A = arith.constant 0 : i32
    %broadcast_in_dim3A_7 = vector.broadcast %broadcast_in_dim3A : i32 to vector<16xi32>
    %broadcast_in_dim3A_8 = arith.constant 1 : i32
    %broadcast_in_dim3A_9 = vector.broadcast %broadcast_in_dim3A_8 : i32 to vector<16xi32>
    %broadcast_in_dim3A_10 = arith.constant 2 : i32
    %broadcast_in_dim3A_11 = vector.broadcast %broadcast_in_dim3A_10 : i32 to vector<16xi32>
    %broadcast_in_dim3A_12 = arith.constant 3 : i32
    %broadcast_in_dim3A_13 = vector.broadcast %broadcast_in_dim3A_12 : i32 to vector<16xi32>
    %broadcast_in_dim3A_14 = arith.constant 4 : i32
    %broadcast_in_dim3A_15 = vector.broadcast %broadcast_in_dim3A_14 : i32 to vector<16xi32>
    %broadcast_in_dim3A_16 = arith.constant 5 : i32
    %broadcast_in_dim3A_17 = vector.broadcast %broadcast_in_dim3A_16 : i32 to vector<16xi32>
    %broadcast_in_dim3A_18 = arith.constant 6 : i32
    %broadcast_in_dim3A_19 = vector.broadcast %broadcast_in_dim3A_18 : i32 to vector<16xi32>
    %broadcast_in_dim3A_20 = arith.constant 7 : i32
    %broadcast_in_dim3A_21 = vector.broadcast %broadcast_in_dim3A_20 : i32 to vector<16xi32>
    %add3A_22 = arith.constant 0 : i32
    %add3A_23 = arith.addi %add3A_4, %add3A_22 : i32
    %dma_start3A = arith.constant 0 : i32
    %dma_start3A_24 = tpu.memref_slice %arg2[%add3A_23, %dma_start3A] : memref<4096x4096xf32, #tpu.memory_space<hbm>> -> memref<8x4096xf32, #tpu.memory_space<hbm>>
    %dma_start3A_25 = arith.constant 0 : i32
    %dma_start3A_26 = tpu.memref_slice %arg2[%add3A_23, %dma_start3A_25] : memref<4096x4096xf32, #tpu.memory_space<hbm>> -> memref<8x4096xf32, #tpu.memory_space<hbm>>
    tpu.enqueue_dma source(%dma_start3A_26 : memref<8x4096xf32, #tpu.memory_space<hbm>>) target(%arg5 : memref<8x4096xf32, #tpu.memory_space<vmem>>) target_semaphore(%arg10 : memref<!tpu.dma_semaphore, #tpu.memory_space<semaphore_mem>>)
    %scan3A = arith.constant 0 : i32
    %scan3A_27 = arith.constant 0 : i32
    %scan3A_28 = arith.constant 4 : i32
    %scan3A_29 = arith.addi %scan3A_27, %scan3A_28 : i32
    %scan3A_30 = arith.constant 1 : i32
    %scan3A_31 = scf.for %scan3A_44 = %scan3A_27 to %scan3A_29 step %scan3A_30 iter_args(%scan3A_45 = %scan3A) -> (i32)  : i32 {
      %mul3A_46 = arith.constant 2 : i32
      %mul3A_47 = arith.muli %scan3A_44, %mul3A_46 : i32
      %add3A_48 = arith.constant 0 : i32
      %add3A_49 = arith.addi %mul3A_47, %add3A_48 : i32
      %add3A_50 = arith.constant 1 : i32
      %add3A_51 = arith.addi %add3A_49, %add3A_50 : i32
      %lt3A = arith.constant 8 : i32
      %lt3A_52 = arith.cmpi slt, %add3A_51, %lt3A : i32
      %convert_element_type3A = arith.extui %lt3A_52 : i1 to i32
      %cond3A = arith.constant 0 : i32
      %cond3A_53 = arith.cmpi ne, %convert_element_type3A, %cond3A : i32
      scf.if %cond3A_53 {
        %add3A_115 = arith.constant 1 : i32
        %add3A_116 = arith.addi %add3A_49, %add3A_115 : i32
        %mul3A_117 = arith.constant 8 : i32
        %mul3A_118 = arith.muli %add3A_116, %mul3A_117 : i32
        %add3A_119 = arith.addi %add3A_4, %mul3A_118 : i32
        %dma_start3A_120 = arith.constant 0 : i32
        %dma_start3A_121 = tpu.memref_slice %arg2[%add3A_119, %dma_start3A_120] : memref<4096x4096xf32, #tpu.memory_space<hbm>> -> memref<8x4096xf32, #tpu.memory_space<hbm>>
        %dma_start3A_122 = arith.constant 0 : i32
        %dma_start3A_123 = tpu.memref_slice %arg2[%add3A_119, %dma_start3A_122] : memref<4096x4096xf32, #tpu.memory_space<hbm>> -> memref<8x4096xf32, #tpu.memory_space<hbm>>
        tpu.enqueue_dma source(%dma_start3A_123 : memref<8x4096xf32, #tpu.memory_space<hbm>>) target(%arg6 : memref<8x4096xf32, #tpu.memory_space<vmem>>) target_semaphore(%arg11 : memref<!tpu.dma_semaphore, #tpu.memory_space<semaphore_mem>>)
      } else {
      }
      %mul3A_54 = arith.constant 8 : i32
      %mul3A_55 = arith.muli %add3A_49, %mul3A_54 : i32
      %add3A_56 = arith.addi %add3A_4, %mul3A_55 : i32
      %dma_wait3A_57 = arith.constant 0 : i32
      %dma_wait3A_58 = tpu.memref_slice %arg2[%add3A_56, %dma_wait3A_57] : memref<4096x4096xf32, #tpu.memory_space<hbm>> -> memref<8x4096xf32, #tpu.memory_space<hbm>>
      %dma_wait3A_59 = arith.constant 0 : i32
      %dma_wait3A_60 = tpu.memref_slice %arg2[%add3A_56, %dma_wait3A_59] : memref<4096x4096xf32, #tpu.memory_space<hbm>> -> memref<8x4096xf32, #tpu.memory_space<hbm>>
      tpu.wait_dma2 semaphore(%arg10 : memref<!tpu.dma_semaphore, #tpu.memory_space<semaphore_mem>>) src(%dma_wait3A_60 : memref<8x4096xf32, #tpu.memory_space<hbm>>) dst(%arg5 : memref<8x4096xf32, #tpu.memory_space<vmem>>)
      %ge3A = arith.constant 2 : i32
      %ge3A_61 = arith.cmpi sge, %add3A_49, %ge3A : i32
      %convert_element_type3A_62 = arith.extui %ge3A_61 : i1 to i32
      %cond3A_63 = arith.constant 0 : i32
      %cond3A_64 = arith.cmpi ne, %convert_element_type3A_62, %cond3A_63 : i32
      scf.if %cond3A_64 {
        %sub3A = arith.constant 2 : i32
        %sub3A_115 = arith.subi %add3A_49, %sub3A : i32
        %mul3A_116 = arith.constant 8 : i32
        %mul3A_117 = arith.muli %sub3A_115, %mul3A_116 : i32
        %add3A_118 = arith.addi %mul3A_6, %mul3A_117 : i32
        %dma_wait3A_119 = arith.constant 0 : i32
        %dma_wait3A_120 = tpu.memref_slice %arg4[%add3A_118, %dma_wait3A_119] : memref<2048x1024xi32, #tpu.memory_space<hbm>> -> memref<8x1024xi32, #tpu.memory_space<hbm>>
        %dma_wait3A_121 = arith.constant 0 : i32
        %dma_wait3A_122 = tpu.memref_slice %arg4[%add3A_118, %dma_wait3A_121] : memref<2048x1024xi32, #tpu.memory_space<hbm>> -> memref<8x1024xi32, #tpu.memory_space<hbm>>
        tpu.wait_dma2 semaphore(%arg12 : memref<!tpu.dma_semaphore, #tpu.memory_space<semaphore_mem>>) src(%arg7 : memref<8x1024xi32, #tpu.memory_space<vmem>>) dst(%dma_wait3A_122 : memref<8x1024xi32, #tpu.memory_space<hbm>>)
      } else {
      }
      %scan3A_65 = arith.constant 0 : i32
      %scan3A_66 = arith.constant 0 : i32
      %scan3A_67 = arith.constant 32 : i32
      %scan3A_68 = arith.addi %scan3A_66, %scan3A_67 : i32
      %scan3A_69 = arith.constant 1 : i32
      scf.for %scan3A_115 = %scan3A_66 to %scan3A_68 step %scan3A_69  : i32 {
        %mul3A_116 = arith.constant 2 : i32
        %mul3A_117 = arith.muli %scan3A_115, %mul3A_116 : i32
        %add3A_118 = arith.constant 0 : i32
        %add3A_119 = arith.addi %mul3A_117, %add3A_118 : i32
        %mul3A_120 = arith.constant 2 : i32
        %mul3A_121 = arith.muli %add3A_119, %mul3A_120 : i32
        %mul3A_122 = arith.constant 16 : i32
        %mul3A_123 = arith.muli %mul3A_121, %mul3A_122 : i32
        %get3A = arith.index_cast %mul3A_123 : i32 to index
        %get3A_124 = tpu.vector_load %arg9[%get3A] {strides = array<i32>} : memref<2048xi32, #tpu.memory_space<vmem>>, vector<16xi32>,
        %add3A_125 = arith.constant 1 : i32
        %add3A_126 = arith.addi %mul3A_121, %add3A_125 : i32
        %mul3A_127 = arith.constant 16 : i32
        %mul3A_128 = arith.muli %add3A_126, %mul3A_127 : i32
        %get3A_129 = arith.index_cast %mul3A_128 : i32 to index
        %get3A_130 = tpu.vector_load %arg9[%get3A_129] {strides = array<i32>} : memref<2048xi32, #tpu.memory_space<vmem>>, vector<16xi32>,
        %gather3A = tpu.vector_load_idx %arg5[%broadcast_in_dim3A_7, %get3A_124] : memref<8x4096xf32, #tpu.memory_space<vmem>>[vector<16xi32>, vector<16xi32>], vector<16xf32>,
        %gather3A_131 = tpu.vector_load_idx %arg5[%broadcast_in_dim3A_7, %get3A_130] : memref<8x4096xf32, #tpu.memory_space<vmem>>[vector<16xi32>, vector<16xi32>], vector<16xf32>,
        %pack3A = tpu.pack_subelements %gather3A, %gather3A_131 {pack_format = #tpu.pack_format<interleaved>, positions = array<i32: 0, 1>} : vector<16xf32>, vector<16xf32> -> vector<32xbf16>
        %bitcast3A = vector.bitcast %pack3A : vector<32xbf16> to vector<16xi32>
        %mul3A_132 = arith.constant 8 : i32
        %mul3A_133 = arith.muli %mul3A_121, %mul3A_132 : i32
        %swap3A = arith.constant 0 : i32
        %swap3A_134 = arith.index_cast %swap3A : i32 to index
        %swap3A_135 = arith.index_cast %mul3A_133 : i32 to index
        %swap3A_136 = tpu.vector_load %arg7[%swap3A_134, %swap3A_135] {strides = array<i32>} : memref<8x1024xi32, #tpu.memory_space<vmem>>, vector<16xi32>,
        tpu.vector_store %arg7[%swap3A_134, %swap3A_135], %bitcast3A {strides = array<i32>} : memref<8x1024xi32, #tpu.memory_space<vmem>>, vector<16xi32>,
        %gather3A_137 = tpu.vector_load_idx %arg5[%broadcast_in_dim3A_9, %get3A_124] : memref<8x4096xf32, #tpu.memory_space<vmem>>[vector<16xi32>, vector<16xi32>], vector<16xf32>,
        %gather3A_138 = tpu.vector_load_idx %arg5[%broadcast_in_dim3A_9, %get3A_130] : memref<8x4096xf32, #tpu.memory_space<vmem>>[vector<16xi32>, vector<16xi32>], vector<16xf32>,
        %pack3A_139 = tpu.pack_subelements %gather3A_137, %gather3A_138 {pack_format = #tpu.pack_format<interleaved>, positions = array<i32: 0, 1>} : vector<16xf32>, vector<16xf32> -> vector<32xbf16>
        %bitcast3A_140 = vector.bitcast %pack3A_139 : vector<32xbf16> to vector<16xi32>
        %mul3A_141 = arith.constant 8 : i32
        %mul3A_142 = arith.muli %mul3A_121, %mul3A_141 : i32
        %swap3A_143 = arith.constant 1 : i32
        %swap3A_144 = arith.index_cast %swap3A_143 : i32 to index
        %swap3A_145 = arith.index_cast %mul3A_142 : i32 to index
        %swap3A_146 = tpu.vector_load %arg7[%swap3A_144, %swap3A_145] {strides = array<i32>} : memref<8x1024xi32, #tpu.memory_space<vmem>>, vector<16xi32>,
        tpu.vector_store %arg7[%swap3A_144, %swap3A_145], %bitcast3A_140 {strides = array<i32>} : memref<8x1024xi32, #tpu.memory_space<vmem>>, vector<16xi32>,
        %gather3A_147 = tpu.vector_load_idx %arg5[%broadcast_in_dim3A_11, %get3A_124] : memref<8x4096xf32, #tpu.memory_space<vmem>>[vector<16xi32>, vector<16xi32>], vector<16xf32>,
        %gather3A_148 = tpu.vector_load_idx %arg5[%broadcast_in_dim3A_11, %get3A_130] : memref<8x4096xf32, #tpu.memory_space<vmem>>[vector<16xi32>, vector<16xi32>], vector<16xf32>,
        %pack3A_149 = tpu.pack_subelements %gather3A_147, %gather3A_148 {pack_format = #tpu.pack_format<interleaved>, positions = array<i32: 0, 1>} : vector<16xf32>, vector<16xf32> -> vector<32xbf16>
        %bitcast3A_150 = vector.bitcast %pack3A_149 : vector<32xbf16> to vector<16xi32>
        %mul3A_151 = arith.constant 8 : i32
        %mul3A_152 = arith.muli %mul3A_121, %mul3A_151 : i32
        %swap3A_153 = arith.constant 2 : i32
        %swap3A_154 = arith.index_cast %swap3A_153 : i32 to index
        %swap3A_155 = arith.index_cast %mul3A_152 : i32 to index
        %swap3A_156 = tpu.vector_load %arg7[%swap3A_154, %swap3A_155] {strides = array<i32>} : memref<8x1024xi32, #tpu.memory_space<vmem>>, vector<16xi32>,
        tpu.vector_store %arg7[%swap3A_154, %swap3A_155], %bitcast3A_150 {strides = array<i32>} : memref<8x1024xi32, #tpu.memory_space<vmem>>, vector<16xi32>,
        %gather3A_157 = tpu.vector_load_idx %arg5[%broadcast_in_dim3A_13, %get3A_124] : memref<8x4096xf32, #tpu.memory_space<vmem>>[vector<16xi32>, vector<16xi32>], vector<16xf32>,
        %gather3A_158 = tpu.vector_load_idx %arg5[%broadcast_in_dim3A_13, %get3A_130] : memref<8x4096xf32, #tpu.memory_space<vmem>>[vector<16xi32>, vector<16xi32>], vector<16xf32>,
        %pack3A_159 = tpu.pack_subelements %gather3A_157, %gather3A_158 {pack_format = #tpu.pack_format<interleaved>, positions = array<i32: 0, 1>} : vector<16xf32>, vector<16xf32> -> vector<32xbf16>
        %bitcast3A_160 = vector.bitcast %pack3A_159 : vector<32xbf16> to vector<16xi32>
        %mul3A_161 = arith.constant 8 : i32
        %mul3A_162 = arith.muli %mul3A_121, %mul3A_161 : i32
        %swap3A_163 = arith.constant 3 : i32
        %swap3A_164 = arith.index_cast %swap3A_163 : i32 to index
        %swap3A_165 = arith.index_cast %mul3A_162 : i32 to index
        %swap3A_166 = tpu.vector_load %arg7[%swap3A_164, %swap3A_165] {strides = array<i32>} : memref<8x1024xi32, #tpu.memory_space<vmem>>, vector<16xi32>,
        tpu.vector_store %arg7[%swap3A_164, %swap3A_165], %bitcast3A_160 {strides = array<i32>} : memref<8x1024xi32, #tpu.memory_space<vmem>>, vector<16xi32>,
        %gather3A_167 = tpu.vector_load_idx %arg5[%broadcast_in_dim3A_15, %get3A_124] : memref<8x4096xf32, #tpu.memory_space<vmem>>[vector<16xi32>, vector<16xi32>], vector<16xf32>,
        %gather3A_168 = tpu.vector_load_idx %arg5[%broadcast_in_dim3A_15, %get3A_130] : memref<8x4096xf32, #tpu.memory_space<vmem>>[vector<16xi32>, vector<16xi32>], vector<16xf32>,
        %pack3A_169 = tpu.pack_subelements %gather3A_167, %gather3A_168 {pack_format = #tpu.pack_format<interleaved>, positions = array<i32: 0, 1>} : vector<16xf32>, vector<16xf32> -> vector<32xbf16>
        %bitcast3A_170 = vector.bitcast %pack3A_169 : vector<32xbf16> to vector<16xi32>
        %mul3A_171 = arith.constant 8 : i32
        %mul3A_172 = arith.muli %mul3A_121, %mul3A_171 : i32
        %swap3A_173 = arith.constant 4 : i32
        %swap3A_174 = arith.index_cast %swap3A_173 : i32 to index
        %swap3A_175 = arith.index_cast %mul3A_172 : i32 to index
        %swap3A_176 = tpu.vector_load %arg7[%swap3A_174, %swap3A_175] {strides = array<i32>} : memref<8x1024xi32, #tpu.memory_space<vmem>>, vector<16xi32>,
        tpu.vector_store %arg7[%swap3A_174, %swap3A_175], %bitcast3A_170 {strides = array<i32>} : memref<8x1024xi32, #tpu.memory_space<vmem>>, vector<16xi32>,
        %gather3A_177 = tpu.vector_load_idx %arg5[%broadcast_in_dim3A_17, %get3A_124] : memref<8x4096xf32, #tpu.memory_space<vmem>>[vector<16xi32>, vector<16xi32>], vector<16xf32>,
        %gather3A_178 = tpu.vector_load_idx %arg5[%broadcast_in_dim3A_17, %get3A_130] : memref<8x4096xf32, #tpu.memory_space<vmem>>[vector<16xi32>, vector<16xi32>], vector<16xf32>,
        %pack3A_179 = tpu.pack_subelements %gather3A_177, %gather3A_178 {pack_format = #tpu.pack_format<interleaved>, positions = array<i32: 0, 1>} : vector<16xf32>, vector<16xf32> -> vector<32xbf16>
        %bitcast3A_180 = vector.bitcast %pack3A_179 : vector<32xbf16> to vector<16xi32>
        %mul3A_181 = arith.constant 8 : i32
        %mul3A_182 = arith.muli %mul3A_121, %mul3A_181 : i32
        %swap3A_183 = arith.constant 5 : i32
        %swap3A_184 = arith.index_cast %swap3A_183 : i32 to index
        %swap3A_185 = arith.index_cast %mul3A_182 : i32 to index
        %swap3A_186 = tpu.vector_load %arg7[%swap3A_184, %swap3A_185] {strides = array<i32>} : memref<8x1024xi32, #tpu.memory_space<vmem>>, vector<16xi32>,
        tpu.vector_store %arg7[%swap3A_184, %swap3A_185], %bitcast3A_180 {strides = array<i32>} : memref<8x1024xi32, #tpu.memory_space<vmem>>, vector<16xi32>,
        %gather3A_187 = tpu.vector_load_idx %arg5[%broadcast_in_dim3A_19, %get3A_124] : memref<8x4096xf32, #tpu.memory_space<vmem>>[vector<16xi32>, vector<16xi32>], vector<16xf32>,
        %gather3A_188 = tpu.vector_load_idx %arg5[%broadcast_in_dim3A_19, %get3A_130] : memref<8x4096xf32, #tpu.memory_space<vmem>>[vector<16xi32>, vector<16xi32>], vector<16xf32>,
        %pack3A_189 = tpu.pack_subelements %gather3A_187, %gather3A_188 {pack_format = #tpu.pack_format<interleaved>, positions = array<i32: 0, 1>} : vector<16xf32>, vector<16xf32> -> vector<32xbf16>
        %bitcast3A_190 = vector.bitcast %pack3A_189 : vector<32xbf16> to vector<16xi32>
        %mul3A_191 = arith.constant 8 : i32
        %mul3A_192 = arith.muli %mul3A_121, %mul3A_191 : i32
        %swap3A_193 = arith.constant 6 : i32
        %swap3A_194 = arith.index_cast %swap3A_193 : i32 to index
        %swap3A_195 = arith.index_cast %mul3A_192 : i32 to index
        %swap3A_196 = tpu.vector_load %arg7[%swap3A_194, %swap3A_195] {strides = array<i32>} : memref<8x1024xi32, #tpu.memory_space<vmem>>, vector<16xi32>,
        tpu.vector_store %arg7[%swap3A_194, %swap3A_195], %bitcast3A_190 {strides = array<i32>} : memref<8x1024xi32, #tpu.memory_space<vmem>>, vector<16xi32>,
        %gather3A_197 = tpu.vector_load_idx %arg5[%broadcast_in_dim3A_21, %get3A_124] : memref<8x4096xf32, #tpu.memory_space<vmem>>[vector<16xi32>, vector<16xi32>], vector<16xf32>,
        %gather3A_198 = tpu.vector_load_idx %arg5[%broadcast_in_dim3A_21, %get3A_130] : memref<8x4096xf32, #tpu.memory_space<vmem>>[vector<16xi32>, vector<16xi32>], vector<16xf32>,
        %pack3A_199 = tpu.pack_subelements %gather3A_197, %gather3A_198 {pack_format = #tpu.pack_format<interleaved>, positions = array<i32: 0, 1>} : vector<16xf32>, vector<16xf32> -> vector<32xbf16>
        %bitcast3A_200 = vector.bitcast %pack3A_199 : vector<32xbf16> to vector<16xi32>
        %mul3A_201 = arith.constant 8 : i32
        %mul3A_202 = arith.muli %mul3A_121, %mul3A_201 : i32
        %swap3A_203 = arith.constant 7 : i32
        %swap3A_204 = arith.index_cast %swap3A_203 : i32 to index
        %swap3A_205 = arith.index_cast %mul3A_202 : i32 to index
        %swap3A_206 = tpu.vector_load %arg7[%swap3A_204, %swap3A_205] {strides = array<i32>} : memref<8x1024xi32, #tpu.memory_space<vmem>>, vector<16xi32>,
        tpu.vector_store %arg7[%swap3A_204, %swap3A_205], %bitcast3A_200 {strides = array<i32>} : memref<8x1024xi32, #tpu.memory_space<vmem>>, vector<16xi32>,
        %mul3A_207 = arith.constant 2 : i32
        %mul3A_208 = arith.muli %scan3A_115, %mul3A_207 : i32
        %add3A_209 = arith.constant 1 : i32
        %add3A_210 = arith.addi %mul3A_208, %add3A_209 : i32
        %mul3A_211 = arith.constant 2 : i32
        %mul3A_212 = arith.muli %add3A_210, %mul3A_211 : i32
        %mul3A_213 = arith.constant 16 : i32
        %mul3A_214 = arith.muli %mul3A_212, %mul3A_213 : i32
        %get3A_215 = arith.index_cast %mul3A_214 : i32 to index
        %get3A_216 = tpu.vector_load %arg9[%get3A_215] {strides = array<i32>} : memref<2048xi32, #tpu.memory_space<vmem>>, vector<16xi32>,
        %add3A_217 = arith.constant 1 : i32
        %add3A_218 = arith.addi %mul3A_212, %add3A_217 : i32
        %mul3A_219 = arith.constant 16 : i32
        %mul3A_220 = arith.muli %add3A_218, %mul3A_219 : i32
        %get3A_221 = arith.index_cast %mul3A_220 : i32 to index
        %get3A_222 = tpu.vector_load %arg9[%get3A_221] {strides = array<i32>} : memref<2048xi32, #tpu.memory_space<vmem>>, vector<16xi32>,
        %gather3A_223 = tpu.vector_load_idx %arg5[%broadcast_in_dim3A_7, %get3A_216] : memref<8x4096xf32, #tpu.memory_space<vmem>>[vector<16xi32>, vector<16xi32>], vector<16xf32>,
        %gather3A_224 = tpu.vector_load_idx %arg5[%broadcast_in_dim3A_7, %get3A_222] : memref<8x4096xf32, #tpu.memory_space<vmem>>[vector<16xi32>, vector<16xi32>], vector<16xf32>,
        %pack3A_225 = tpu.pack_subelements %gather3A_223, %gather3A_224 {pack_format = #tpu.pack_format<interleaved>, positions = array<i32: 0, 1>} : vector<16xf32>, vector<16xf32> -> vector<32xbf16>
        %bitcast3A_226 = vector.bitcast %pack3A_225 : vector<32xbf16> to vector<16xi32>
        %mul3A_227 = arith.constant 8 : i32
        %mul3A_228 = arith.muli %mul3A_212, %mul3A_227 : i32
        %swap3A_229 = arith.constant 0 : i32
        %swap3A_230 = arith.index_cast %swap3A_229 : i32 to index
        %swap3A_231 = arith.index_cast %mul3A_228 : i32 to index
        %swap3A_232 = tpu.vector_load %arg7[%swap3A_230, %swap3A_231] {strides = array<i32>} : memref<8x1024xi32, #tpu.memory_space<vmem>>, vector<16xi32>,
        tpu.vector_store %arg7[%swap3A_230, %swap3A_231], %bitcast3A_226 {strides = array<i32>} : memref<8x1024xi32, #tpu.memory_space<vmem>>, vector<16xi32>,
        %gather3A_233 = tpu.vector_load_idx %arg5[%broadcast_in_dim3A_9, %get3A_216] : memref<8x4096xf32, #tpu.memory_space<vmem>>[vector<16xi32>, vector<16xi32>], vector<16xf32>,
        %gather3A_234 = tpu.vector_load_idx %arg5[%broadcast_in_dim3A_9, %get3A_222] : memref<8x4096xf32, #tpu.memory_space<vmem>>[vector<16xi32>, vector<16xi32>], vector<16xf32>,
        %pack3A_235 = tpu.pack_subelements %gather3A_233, %gather3A_234 {pack_format = #tpu.pack_format<interleaved>, positions = array<i32: 0, 1>} : vector<16xf32>, vector<16xf32> -> vector<32xbf16>
        %bitcast3A_236 = vector.bitcast %pack3A_235 : vector<32xbf16> to vector<16xi32>
        %mul3A_237 = arith.constant 8 : i32
        %mul3A_238 = arith.muli %mul3A_212, %mul3A_237 : i32
        %swap3A_239 = arith.constant 1 : i32
        %swap3A_240 = arith.index_cast %swap3A_239 : i32 to index
        %swap3A_241 = arith.index_cast %mul3A_238 : i32 to index
        %swap3A_242 = tpu.vector_load %arg7[%swap3A_240, %swap3A_241] {strides = array<i32>} : memref<8x1024xi32, #tpu.memory_space<vmem>>, vector<16xi32>,
        tpu.vector_store %arg7[%swap3A_240, %swap3A_241], %bitcast3A_236 {strides = array<i32>} : memref<8x1024xi32, #tpu.memory_space<vmem>>, vector<16xi32>,
        %gather3A_243 = tpu.vector_load_idx %arg5[%broadcast_in_dim3A_11, %get3A_216] : memref<8x4096xf32, #tpu.memory_space<vmem>>[vector<16xi32>, vector<16xi32>], vector<16xf32>,
        %gather3A_244 = tpu.vector_load_idx %arg5[%broadcast_in_dim3A_11, %get3A_222] : memref<8x4096xf32, #tpu.memory_space<vmem>>[vector<16xi32>, vector<16xi32>], vector<16xf32>,
        %pack3A_245 = tpu.pack_subelements %gather3A_243, %gather3A_244 {pack_format = #tpu.pack_format<interleaved>, positions = array<i32: 0, 1>} : vector<16xf32>, vector<16xf32> -> vector<32xbf16>
        %bitcast3A_246 = vector.bitcast %pack3A_245 : vector<32xbf16> to vector<16xi32>
        %mul3A_247 = arith.constant 8 : i32
        %mul3A_248 = arith.muli %mul3A_212, %mul3A_247 : i32
        %swap3A_249 = arith.constant 2 : i32
        %swap3A_250 = arith.index_cast %swap3A_249 : i32 to index
        %swap3A_251 = arith.index_cast %mul3A_248 : i32 to index
        %swap3A_252 = tpu.vector_load %arg7[%swap3A_250, %swap3A_251] {strides = array<i32>} : memref<8x1024xi32, #tpu.memory_space<vmem>>, vector<16xi32>,
        tpu.vector_store %arg7[%swap3A_250, %swap3A_251], %bitcast3A_246 {strides = array<i32>} : memref<8x1024xi32, #tpu.memory_space<vmem>>, vector<16xi32>,
        %gather3A_253 = tpu.vector_load_idx %arg5[%broadcast_in_dim3A_13, %get3A_216] : memref<8x4096xf32, #tpu.memory_space<vmem>>[vector<16xi32>, vector<16xi32>], vector<16xf32>,
        %gather3A_254 = tpu.vector_load_idx %arg5[%broadcast_in_dim3A_13, %get3A_222] : memref<8x4096xf32, #tpu.memory_space<vmem>>[vector<16xi32>, vector<16xi32>], vector<16xf32>,
        %pack3A_255 = tpu.pack_subelements %gather3A_253, %gather3A_254 {pack_format = #tpu.pack_format<interleaved>, positions = array<i32: 0, 1>} : vector<16xf32>, vector<16xf32> -> vector<32xbf16>
        %bitcast3A_256 = vector.bitcast %pack3A_255 : vector<32xbf16> to vector<16xi32>
        %mul3A_257 = arith.constant 8 : i32
        %mul3A_258 = arith.muli %mul3A_212, %mul3A_257 : i32
        %swap3A_259 = arith.constant 3 : i32
        %swap3A_260 = arith.index_cast %swap3A_259 : i32 to index
        %swap3A_261 = arith.index_cast %mul3A_258 : i32 to index
        %swap3A_262 = tpu.vector_load %arg7[%swap3A_260, %swap3A_261] {strides = array<i32>} : memref<8x1024xi32, #tpu.memory_space<vmem>>, vector<16xi32>,
        tpu.vector_store %arg7[%swap3A_260, %swap3A_261], %bitcast3A_256 {strides = array<i32>} : memref<8x1024xi32, #tpu.memory_space<vmem>>, vector<16xi32>,
        %gather3A_263 = tpu.vector_load_idx %arg5[%broadcast_in_dim3A_15, %get3A_216] : memref<8x4096xf32, #tpu.memory_space<vmem>>[vector<16xi32>, vector<16xi32>], vector<16xf32>,
        %gather3A_264 = tpu.vector_load_idx %arg5[%broadcast_in_dim3A_15, %get3A_222] : memref<8x4096xf32, #tpu.memory_space<vmem>>[vector<16xi32>, vector<16xi32>], vector<16xf32>,
        %pack3A_265 = tpu.pack_subelements %gather3A_263, %gather3A_264 {pack_format = #tpu.pack_format<interleaved>, positions = array<i32: 0, 1>} : vector<16xf32>, vector<16xf32> -> vector<32xbf16>
        %bitcast3A_266 = vector.bitcast %pack3A_265 : vector<32xbf16> to vector<16xi32>
        %mul3A_267 = arith.constant 8 : i32
        %mul3A_268 = arith.muli %mul3A_212, %mul3A_267 : i32
        %swap3A_269 = arith.constant 4 : i32
        %swap3A_270 = arith.index_cast %swap3A_269 : i32 to index
        %swap3A_271 = arith.index_cast %mul3A_268 : i32 to index
        %swap3A_272 = tpu.vector_load %arg7[%swap3A_270, %swap3A_271] {strides = array<i32>} : memref<8x1024xi32, #tpu.memory_space<vmem>>, vector<16xi32>,
        tpu.vector_store %arg7[%swap3A_270, %swap3A_271], %bitcast3A_266 {strides = array<i32>} : memref<8x1024xi32, #tpu.memory_space<vmem>>, vector<16xi32>,
        %gather3A_273 = tpu.vector_load_idx %arg5[%broadcast_in_dim3A_17, %get3A_216] : memref<8x4096xf32, #tpu.memory_space<vmem>>[vector<16xi32>, vector<16xi32>], vector<16xf32>,
        %gather3A_274 = tpu.vector_load_idx %arg5[%broadcast_in_dim3A_17, %get3A_222] : memref<8x4096xf32, #tpu.memory_space<vmem>>[vector<16xi32>, vector<16xi32>], vector<16xf32>,
        %pack3A_275 = tpu.pack_subelements %gather3A_273, %gather3A_274 {pack_format = #tpu.pack_format<interleaved>, positions = array<i32: 0, 1>} : vector<16xf32>, vector<16xf32> -> vector<32xbf16>
        %bitcast3A_276 = vector.bitcast %pack3A_275 : vector<32xbf16> to vector<16xi32>
        %mul3A_277 = arith.constant 8 : i32
        %mul3A_278 = arith.muli %mul3A_212, %mul3A_277 : i32
        %swap3A_279 = arith.constant 5 : i32
        %swap3A_280 = arith.index_cast %swap3A_279 : i32 to index
        %swap3A_281 = arith.index_cast %mul3A_278 : i32 to index
        %swap3A_282 = tpu.vector_load %arg7[%swap3A_280, %swap3A_281] {strides = array<i32>} : memref<8x1024xi32, #tpu.memory_space<vmem>>, vector<16xi32>,
        tpu.vector_store %arg7[%swap3A_280, %swap3A_281], %bitcast3A_276 {strides = array<i32>} : memref<8x1024xi32, #tpu.memory_space<vmem>>, vector<16xi32>,
        %gather3A_283 = tpu.vector_load_idx %arg5[%broadcast_in_dim3A_19, %get3A_216] : memref<8x4096xf32, #tpu.memory_space<vmem>>[vector<16xi32>, vector<16xi32>], vector<16xf32>,
        %gather3A_284 = tpu.vector_load_idx %arg5[%broadcast_in_dim3A_19, %get3A_222] : memref<8x4096xf32, #tpu.memory_space<vmem>>[vector<16xi32>, vector<16xi32>], vector<16xf32>,
        %pack3A_285 = tpu.pack_subelements %gather3A_283, %gather3A_284 {pack_format = #tpu.pack_format<interleaved>, positions = array<i32: 0, 1>} : vector<16xf32>, vector<16xf32> -> vector<32xbf16>
        %bitcast3A_286 = vector.bitcast %pack3A_285 : vector<32xbf16> to vector<16xi32>
        %mul3A_287 = arith.constant 8 : i32
        %mul3A_288 = arith.muli %mul3A_212, %mul3A_287 : i32
        %swap3A_289 = arith.constant 6 : i32
        %swap3A_290 = arith.index_cast %swap3A_289 : i32 to index
        %swap3A_291 = arith.index_cast %mul3A_288 : i32 to index
        %swap3A_292 = tpu.vector_load %arg7[%swap3A_290, %swap3A_291] {strides = array<i32>} : memref<8x1024xi32, #tpu.memory_space<vmem>>, vector<16xi32>,
        tpu.vector_store %arg7[%swap3A_290, %swap3A_291], %bitcast3A_286 {strides = array<i32>} : memref<8x1024xi32, #tpu.memory_space<vmem>>, vector<16xi32>,
        %gather3A_293 = tpu.vector_load_idx %arg5[%broadcast_in_dim3A_21, %get3A_216] : memref<8x4096xf32, #tpu.memory_space<vmem>>[vector<16xi32>, vector<16xi32>], vector<16xf32>,
        %gather3A_294 = tpu.vector_load_idx %arg5[%broadcast_in_dim3A_21, %get3A_222] : memref<8x4096xf32, #tpu.memory_space<vmem>>[vector<16xi32>, vector<16xi32>], vector<16xf32>,
        %pack3A_295 = tpu.pack_subelements %gather3A_293, %gather3A_294 {pack_format = #tpu.pack_format<interleaved>, positions = array<i32: 0, 1>} : vector<16xf32>, vector<16xf32> -> vector<32xbf16>
        %bitcast3A_296 = vector.bitcast %pack3A_295 : vector<32xbf16> to vector<16xi32>
        %mul3A_297 = arith.constant 8 : i32
        %mul3A_298 = arith.muli %mul3A_212, %mul3A_297 : i32
        %swap3A_299 = arith.constant 7 : i32
        %swap3A_300 = arith.index_cast %swap3A_299 : i32 to index
        %swap3A_301 = arith.index_cast %mul3A_298 : i32 to index
        %swap3A_302 = tpu.vector_load %arg7[%swap3A_300, %swap3A_301] {strides = array<i32>} : memref<8x1024xi32, #tpu.memory_space<vmem>>, vector<16xi32>,
        tpu.vector_store %arg7[%swap3A_300, %swap3A_301], %bitcast3A_296 {strides = array<i32>} : memref<8x1024xi32, #tpu.memory_space<vmem>>, vector<16xi32>,
      }
      %scan3A_70 = arith.constant 32 : i32
      %mul3A_71 = arith.constant 8 : i32
      %mul3A_72 = arith.muli %add3A_49, %mul3A_71 : i32
      %add3A_73 = arith.addi %mul3A_6, %mul3A_72 : i32
      %dma_start3A_74 = arith.constant 0 : i32
      %dma_start3A_75 = tpu.memref_slice %arg4[%add3A_73, %dma_start3A_74] : memref<2048x1024xi32, #tpu.memory_space<hbm>> -> memref<8x1024xi32, #tpu.memory_space<hbm>>
      %dma_start3A_76 = arith.constant 0 : i32
      %dma_start3A_77 = tpu.memref_slice %arg4[%add3A_73, %dma_start3A_76] : memref<2048x1024xi32, #tpu.memory_space<hbm>> -> memref<8x1024xi32, #tpu.memory_space<hbm>>
      tpu.enqueue_dma source(%arg7 : memref<8x1024xi32, #tpu.memory_space<vmem>>) target(%dma_start3A_77 : memref<8x1024xi32, #tpu.memory_space<hbm>>) target_semaphore(%arg12 : memref<!tpu.dma_semaphore, #tpu.memory_space<semaphore_mem>>)
      %mul3A_78 = arith.constant 2 : i32
      %mul3A_79 = arith.muli %scan3A_44, %mul3A_78 : i32
      %add3A_80 = arith.constant 1 : i32
      %add3A_81 = arith.addi %mul3A_79, %add3A_80 : i32
      %add3A_82 = arith.constant 1 : i32
      %add3A_83 = arith.addi %add3A_81, %add3A_82 : i32
      %lt3A_84 = arith.constant 8 : i32
      %lt3A_85 = arith.cmpi slt, %add3A_83, %lt3A_84 : i32
      %convert_element_type3A_86 = arith.extui %lt3A_85 : i1 to i32
      %cond3A_87 = arith.constant 0 : i32
      %cond3A_88 = arith.cmpi ne, %convert_element_type3A_86, %cond3A_87 : i32
      scf.if %cond3A_88 {
        %add3A_115 = arith.constant 1 : i32
        %add3A_116 = arith.addi %add3A_81, %add3A_115 : i32
        %mul3A_117 = arith.constant 8 : i32
        %mul3A_118 = arith.muli %add3A_116, %mul3A_117 : i32
        %add3A_119 = arith.addi %add3A_4, %mul3A_118 : i32
        %dma_start3A_120 = arith.constant 0 : i32
        %dma_start3A_121 = tpu.memref_slice %arg2[%add3A_119, %dma_start3A_120] : memref<4096x4096xf32, #tpu.memory_space<hbm>> -> memref<8x4096xf32, #tpu.memory_space<hbm>>
        %dma_start3A_122 = arith.constant 0 : i32
        %dma_start3A_123 = tpu.memref_slice %arg2[%add3A_119, %dma_start3A_122] : memref<4096x4096xf32, #tpu.memory_space<hbm>> -> memref<8x4096xf32, #tpu.memory_space<hbm>>
        tpu.enqueue_dma source(%dma_start3A_123 : memref<8x4096xf32, #tpu.memory_space<hbm>>) target(%arg5 : memref<8x4096xf32, #tpu.memory_space<vmem>>) target_semaphore(%arg10 : memref<!tpu.dma_semaphore, #tpu.memory_space<semaphore_mem>>)
      } else {
      }
      %mul3A_89 = arith.constant 8 : i32
      %mul3A_90 = arith.muli %add3A_81, %mul3A_89 : i32
      %add3A_91 = arith.addi %add3A_4, %mul3A_90 : i32
      %dma_wait3A_92 = arith.constant 0 : i32
      %dma_wait3A_93 = tpu.memref_slice %arg2[%add3A_91, %dma_wait3A_92] : memref<4096x4096xf32, #tpu.memory_space<hbm>> -> memref<8x4096xf32, #tpu.memory_space<hbm>>
      %dma_wait3A_94 = arith.constant 0 : i32
      %dma_wait3A_95 = tpu.memref_slice %arg2[%add3A_91, %dma_wait3A_94] : memref<4096x4096xf32, #tpu.memory_space<hbm>> -> memref<8x4096xf32, #tpu.memory_space<hbm>>
      tpu.wait_dma2 semaphore(%arg11 : memref<!tpu.dma_semaphore, #tpu.memory_space<semaphore_mem>>) src(%dma_wait3A_95 : memref<8x4096xf32, #tpu.memory_space<hbm>>) dst(%arg6 : memref<8x4096xf32, #tpu.memory_space<vmem>>)
      %ge3A_96 = arith.constant 2 : i32
      %ge3A_97 = arith.cmpi sge, %add3A_81, %ge3A_96 : i32
      %convert_element_type3A_98 = arith.extui %ge3A_97 : i1 to i32
      %cond3A_99 = arith.constant 0 : i32
      %cond3A_100 = arith.cmpi ne, %convert_element_type3A_98, %cond3A_99 : i32
      scf.if %cond3A_100 {
        %sub3A = arith.constant 2 : i32
        %sub3A_115 = arith.subi %add3A_81, %sub3A : i32
        %mul3A_116 = arith.constant 8 : i32
        %mul3A_117 = arith.muli %sub3A_115, %mul3A_116 : i32
        %add3A_118 = arith.addi %mul3A_6, %mul3A_117 : i32
        %dma_wait3A_119 = arith.constant 0 : i32
        %dma_wait3A_120 = tpu.memref_slice %arg4[%add3A_118, %dma_wait3A_119] : memref<2048x1024xi32, #tpu.memory_space<hbm>> -> memref<8x1024xi32, #tpu.memory_space<hbm>>
        %dma_wait3A_121 = arith.constant 0 : i32
        %dma_wait3A_122 = tpu.memref_slice %arg4[%add3A_118, %dma_wait3A_121] : memref<2048x1024xi32, #tpu.memory_space<hbm>> -> memref<8x1024xi32, #tpu.memory_space<hbm>>
        tpu.wait_dma2 semaphore(%arg13 : memref<!tpu.dma_semaphore, #tpu.memory_space<semaphore_mem>>) src(%arg8 : memref<8x1024xi32, #tpu.memory_space<vmem>>) dst(%dma_wait3A_122 : memref<8x1024xi32, #tpu.memory_space<hbm>>)
      } else {
      }
      %scan3A_101 = arith.constant 0 : i32
      %scan3A_102 = arith.constant 0 : i32
      %scan3A_103 = arith.constant 32 : i32
      %scan3A_104 = arith.addi %scan3A_102, %scan3A_103 : i32
      %scan3A_105 = arith.constant 1 : i32
      scf.for %scan3A_115 = %scan3A_102 to %scan3A_104 step %scan3A_105  : i32 {
        %mul3A_116 = arith.constant 2 : i32
        %mul3A_117 = arith.muli %scan3A_115, %mul3A_116 : i32
        %add3A_118 = arith.constant 0 : i32
        %add3A_119 = arith.addi %mul3A_117, %add3A_118 : i32
        %mul3A_120 = arith.constant 2 : i32
        %mul3A_121 = arith.muli %add3A_119, %mul3A_120 : i32
        %mul3A_122 = arith.constant 16 : i32
        %mul3A_123 = arith.muli %mul3A_121, %mul3A_122 : i32
        %get3A = arith.index_cast %mul3A_123 : i32 to index
        %get3A_124 = tpu.vector_load %arg9[%get3A] {strides = array<i32>} : memref<2048xi32, #tpu.memory_space<vmem>>, vector<16xi32>,
        %add3A_125 = arith.constant 1 : i32
        %add3A_126 = arith.addi %mul3A_121, %add3A_125 : i32
        %mul3A_127 = arith.constant 16 : i32
        %mul3A_128 = arith.muli %add3A_126, %mul3A_127 : i32
        %get3A_129 = arith.index_cast %mul3A_128 : i32 to index
        %get3A_130 = tpu.vector_load %arg9[%get3A_129] {strides = array<i32>} : memref<2048xi32, #tpu.memory_space<vmem>>, vector<16xi32>,
        %gather3A = tpu.vector_load_idx %arg6[%broadcast_in_dim3A_7, %get3A_124] : memref<8x4096xf32, #tpu.memory_space<vmem>>[vector<16xi32>, vector<16xi32>], vector<16xf32>,
        %gather3A_131 = tpu.vector_load_idx %arg6[%broadcast_in_dim3A_7, %get3A_130] : memref<8x4096xf32, #tpu.memory_space<vmem>>[vector<16xi32>, vector<16xi32>], vector<16xf32>,
        %pack3A = tpu.pack_subelements %gather3A, %gather3A_131 {pack_format = #tpu.pack_format<interleaved>, positions = array<i32: 0, 1>} : vector<16xf32>, vector<16xf32> -> vector<32xbf16>
        %bitcast3A = vector.bitcast %pack3A : vector<32xbf16> to vector<16xi32>
        %mul3A_132 = arith.constant 8 : i32
        %mul3A_133 = arith.muli %mul3A_121, %mul3A_132 : i32
        %swap3A = arith.constant 0 : i32
        %swap3A_134 = arith.index_cast %swap3A : i32 to index
        %swap3A_135 = arith.index_cast %mul3A_133 : i32 to index
        %swap3A_136 = tpu.vector_load %arg8[%swap3A_134, %swap3A_135] {strides = array<i32>} : memref<8x1024xi32, #tpu.memory_space<vmem>>, vector<16xi32>,
        tpu.vector_store %arg8[%swap3A_134, %swap3A_135], %bitcast3A {strides = array<i32>} : memref<8x1024xi32, #tpu.memory_space<vmem>>, vector<16xi32>,
        %gather3A_137 = tpu.vector_load_idx %arg6[%broadcast_in_dim3A_9, %get3A_124] : memref<8x4096xf32, #tpu.memory_space<vmem>>[vector<16xi32>, vector<16xi32>], vector<16xf32>,
        %gather3A_138 = tpu.vector_load_idx %arg6[%broadcast_in_dim3A_9, %get3A_130] : memref<8x4096xf32, #tpu.memory_space<vmem>>[vector<16xi32>, vector<16xi32>], vector<16xf32>,
        %pack3A_139 = tpu.pack_subelements %gather3A_137, %gather3A_138 {pack_format = #tpu.pack_format<interleaved>, positions = array<i32: 0, 1>} : vector<16xf32>, vector<16xf32> -> vector<32xbf16>
        %bitcast3A_140 = vector.bitcast %pack3A_139 : vector<32xbf16> to vector<16xi32>
        %mul3A_141 = arith.constant 8 : i32
        %mul3A_142 = arith.muli %mul3A_121, %mul3A_141 : i32
        %swap3A_143 = arith.constant 1 : i32
        %swap3A_144 = arith.index_cast %swap3A_143 : i32 to index
        %swap3A_145 = arith.index_cast %mul3A_142 : i32 to index
        %swap3A_146 = tpu.vector_load %arg8[%swap3A_144, %swap3A_145] {strides = array<i32>} : memref<8x1024xi32, #tpu.memory_space<vmem>>, vector<16xi32>,
        tpu.vector_store %arg8[%swap3A_144, %swap3A_145], %bitcast3A_140 {strides = array<i32>} : memref<8x1024xi32, #tpu.memory_space<vmem>>, vector<16xi32>,
        %gather3A_147 = tpu.vector_load_idx %arg6[%broadcast_in_dim3A_11, %get3A_124] : memref<8x4096xf32, #tpu.memory_space<vmem>>[vector<16xi32>, vector<16xi32>], vector<16xf32>,
        %gather3A_148 = tpu.vector_load_idx %arg6[%broadcast_in_dim3A_11, %get3A_130] : memref<8x4096xf32, #tpu.memory_space<vmem>>[vector<16xi32>, vector<16xi32>], vector<16xf32>,
        %pack3A_149 = tpu.pack_subelements %gather3A_147, %gather3A_148 {pack_format = #tpu.pack_format<interleaved>, positions = array<i32: 0, 1>} : vector<16xf32>, vector<16xf32> -> vector<32xbf16>
        %bitcast3A_150 = vector.bitcast %pack3A_149 : vector<32xbf16> to vector<16xi32>
        %mul3A_151 = arith.constant 8 : i32
        %mul3A_152 = arith.muli %mul3A_121, %mul3A_151 : i32
        %swap3A_153 = arith.constant 2 : i32
        %swap3A_154 = arith.index_cast %swap3A_153 : i32 to index
        %swap3A_155 = arith.index_cast %mul3A_152 : i32 to index
        %swap3A_156 = tpu.vector_load %arg8[%swap3A_154, %swap3A_155] {strides = array<i32>} : memref<8x1024xi32, #tpu.memory_space<vmem>>, vector<16xi32>,
        tpu.vector_store %arg8[%swap3A_154, %swap3A_155], %bitcast3A_150 {strides = array<i32>} : memref<8x1024xi32, #tpu.memory_space<vmem>>, vector<16xi32>,
        %gather3A_157 = tpu.vector_load_idx %arg6[%broadcast_in_dim3A_13, %get3A_124] : memref<8x4096xf32, #tpu.memory_space<vmem>>[vector<16xi32>, vector<16xi32>], vector<16xf32>,
        %gather3A_158 = tpu.vector_load_idx %arg6[%broadcast_in_dim3A_13, %get3A_130] : memref<8x4096xf32, #tpu.memory_space<vmem>>[vector<16xi32>, vector<16xi32>], vector<16xf32>,
        %pack3A_159 = tpu.pack_subelements %gather3A_157, %gather3A_158 {pack_format = #tpu.pack_format<interleaved>, positions = array<i32: 0, 1>} : vector<16xf32>, vector<16xf32> -> vector<32xbf16>
        %bitcast3A_160 = vector.bitcast %pack3A_159 : vector<32xbf16> to vector<16xi32>
        %mul3A_161 = arith.constant 8 : i32
        %mul3A_162 = arith.muli %mul3A_121, %mul3A_161 : i32
        %swap3A_163 = arith.constant 3 : i32
        %swap3A_164 = arith.index_cast %swap3A_163 : i32 to index
        %swap3A_165 = arith.index_cast %mul3A_162 : i32 to index
        %swap3A_166 = tpu.vector_load %arg8[%swap3A_164, %swap3A_165] {strides = array<i32>} : memref<8x1024xi32, #tpu.memory_space<vmem>>, vector<16xi32>,
        tpu.vector_store %arg8[%swap3A_164, %swap3A_165], %bitcast3A_160 {strides = array<i32>} : memref<8x1024xi32, #tpu.memory_space<vmem>>, vector<16xi32>,
        %gather3A_167 = tpu.vector_load_idx %arg6[%broadcast_in_dim3A_15, %get3A_124] : memref<8x4096xf32, #tpu.memory_space<vmem>>[vector<16xi32>, vector<16xi32>], vector<16xf32>,
        %gather3A_168 = tpu.vector_load_idx %arg6[%broadcast_in_dim3A_15, %get3A_130] : memref<8x4096xf32, #tpu.memory_space<vmem>>[vector<16xi32>, vector<16xi32>], vector<16xf32>,
        %pack3A_169 = tpu.pack_subelements %gather3A_167, %gather3A_168 {pack_format = #tpu.pack_format<interleaved>, positions = array<i32: 0, 1>} : vector<16xf32>, vector<16xf32> -> vector<32xbf16>
        %bitcast3A_170 = vector.bitcast %pack3A_169 : vector<32xbf16> to vector<16xi32>
        %mul3A_171 = arith.constant 8 : i32
        %mul3A_172 = arith.muli %mul3A_121, %mul3A_171 : i32
        %swap3A_173 = arith.constant 4 : i32
        %swap3A_174 = arith.index_cast %swap3A_173 : i32 to index
        %swap3A_175 = arith.index_cast %mul3A_172 : i32 to index
        %swap3A_176 = tpu.vector_load %arg8[%swap3A_174, %swap3A_175] {strides = array<i32>} : memref<8x1024xi32, #tpu.memory_space<vmem>>, vector<16xi32>,
        tpu.vector_store %arg8[%swap3A_174, %swap3A_175], %bitcast3A_170 {strides = array<i32>} : memref<8x1024xi32, #tpu.memory_space<vmem>>, vector<16xi32>,
        %gather3A_177 = tpu.vector_load_idx %arg6[%broadcast_in_dim3A_17, %get3A_124] : memref<8x4096xf32, #tpu.memory_space<vmem>>[vector<16xi32>, vector<16xi32>], vector<16xf32>,
        %gather3A_178 = tpu.vector_load_idx %arg6[%broadcast_in_dim3A_17, %get3A_130] : memref<8x4096xf32, #tpu.memory_space<vmem>>[vector<16xi32>, vector<16xi32>], vector<16xf32>,
        %pack3A_179 = tpu.pack_subelements %gather3A_177, %gather3A_178 {pack_format = #tpu.pack_format<interleaved>, positions = array<i32: 0, 1>} : vector<16xf32>, vector<16xf32> -> vector<32xbf16>
        %bitcast3A_180 = vector.bitcast %pack3A_179 : vector<32xbf16> to vector<16xi32>
        %mul3A_181 = arith.constant 8 : i32
        %mul3A_182 = arith.muli %mul3A_121, %mul3A_181 : i32
        %swap3A_183 = arith.constant 5 : i32
        %swap3A_184 = arith.index_cast %swap3A_183 : i32 to index
        %swap3A_185 = arith.index_cast %mul3A_182 : i32 to index
        %swap3A_186 = tpu.vector_load %arg8[%swap3A_184, %swap3A_185] {strides = array<i32>} : memref<8x1024xi32, #tpu.memory_space<vmem>>, vector<16xi32>,
        tpu.vector_store %arg8[%swap3A_184, %swap3A_185], %bitcast3A_180 {strides = array<i32>} : memref<8x1024xi32, #tpu.memory_space<vmem>>, vector<16xi32>,
        %gather3A_187 = tpu.vector_load_idx %arg6[%broadcast_in_dim3A_19, %get3A_124] : memref<8x4096xf32, #tpu.memory_space<vmem>>[vector<16xi32>, vector<16xi32>], vector<16xf32>,
        %gather3A_188 = tpu.vector_load_idx %arg6[%broadcast_in_dim3A_19, %get3A_130] : memref<8x4096xf32, #tpu.memory_space<vmem>>[vector<16xi32>, vector<16xi32>], vector<16xf32>,
        %pack3A_189 = tpu.pack_subelements %gather3A_187, %gather3A_188 {pack_format = #tpu.pack_format<interleaved>, positions = array<i32: 0, 1>} : vector<16xf32>, vector<16xf32> -> vector<32xbf16>
        %bitcast3A_190 = vector.bitcast %pack3A_189 : vector<32xbf16> to vector<16xi32>
        %mul3A_191 = arith.constant 8 : i32
        %mul3A_192 = arith.muli %mul3A_121, %mul3A_191 : i32
        %swap3A_193 = arith.constant 6 : i32
        %swap3A_194 = arith.index_cast %swap3A_193 : i32 to index
        %swap3A_195 = arith.index_cast %mul3A_192 : i32 to index
        %swap3A_196 = tpu.vector_load %arg8[%swap3A_194, %swap3A_195] {strides = array<i32>} : memref<8x1024xi32, #tpu.memory_space<vmem>>, vector<16xi32>,
        tpu.vector_store %arg8[%swap3A_194, %swap3A_195], %bitcast3A_190 {strides = array<i32>} : memref<8x1024xi32, #tpu.memory_space<vmem>>, vector<16xi32>,
        %gather3A_197 = tpu.vector_load_idx %arg6[%broadcast_in_dim3A_21, %get3A_124] : memref<8x4096xf32, #tpu.memory_space<vmem>>[vector<16xi32>, vector<16xi32>], vector<16xf32>,
        %gather3A_198 = tpu.vector_load_idx %arg6[%broadcast_in_dim3A_21, %get3A_130] : memref<8x4096xf32, #tpu.memory_space<vmem>>[vector<16xi32>, vector<16xi32>], vector<16xf32>,
        %pack3A_199 = tpu.pack_subelements %gather3A_197, %gather3A_198 {pack_format = #tpu.pack_format<interleaved>, positions = array<i32: 0, 1>} : vector<16xf32>, vector<16xf32> -> vector<32xbf16>
        %bitcast3A_200 = vector.bitcast %pack3A_199 : vector<32xbf16> to vector<16xi32>
        %mul3A_201 = arith.constant 8 : i32
        %mul3A_202 = arith.muli %mul3A_121, %mul3A_201 : i32
        %swap3A_203 = arith.constant 7 : i32
        %swap3A_204 = arith.index_cast %swap3A_203 : i32 to index
        %swap3A_205 = arith.index_cast %mul3A_202 : i32 to index
        %swap3A_206 = tpu.vector_load %arg8[%swap3A_204, %swap3A_205] {strides = array<i32>} : memref<8x1024xi32, #tpu.memory_space<vmem>>, vector<16xi32>,
        tpu.vector_store %arg8[%swap3A_204, %swap3A_205], %bitcast3A_200 {strides = array<i32>} : memref<8x1024xi32, #tpu.memory_space<vmem>>, vector<16xi32>,
        %mul3A_207 = arith.constant 2 : i32
        %mul3A_208 = arith.muli %scan3A_115, %mul3A_207 : i32
        %add3A_209 = arith.constant 1 : i32
        %add3A_210 = arith.addi %mul3A_208, %add3A_209 : i32
        %mul3A_211 = arith.constant 2 : i32
        %mul3A_212 = arith.muli %add3A_210, %mul3A_211 : i32
        %mul3A_213 = arith.constant 16 : i32
        %mul3A_214 = arith.muli %mul3A_212, %mul3A_213 : i32
        %get3A_215 = arith.index_cast %mul3A_214 : i32 to index
        %get3A_216 = tpu.vector_load %arg9[%get3A_215] {strides = array<i32>} : memref<2048xi32, #tpu.memory_space<vmem>>, vector<16xi32>,
        %add3A_217 = arith.constant 1 : i32
        %add3A_218 = arith.addi %mul3A_212, %add3A_217 : i32
        %mul3A_219 = arith.constant 16 : i32
        %mul3A_220 = arith.muli %add3A_218, %mul3A_219 : i32
        %get3A_221 = arith.index_cast %mul3A_220 : i32 to index
        %get3A_222 = tpu.vector_load %arg9[%get3A_221] {strides = array<i32>} : memref<2048xi32, #tpu.memory_space<vmem>>, vector<16xi32>,
        %gather3A_223 = tpu.vector_load_idx %arg6[%broadcast_in_dim3A_7, %get3A_216] : memref<8x4096xf32, #tpu.memory_space<vmem>>[vector<16xi32>, vector<16xi32>], vector<16xf32>,
        %gather3A_224 = tpu.vector_load_idx %arg6[%broadcast_in_dim3A_7, %get3A_222] : memref<8x4096xf32, #tpu.memory_space<vmem>>[vector<16xi32>, vector<16xi32>], vector<16xf32>,
        %pack3A_225 = tpu.pack_subelements %gather3A_223, %gather3A_224 {pack_format = #tpu.pack_format<interleaved>, positions = array<i32: 0, 1>} : vector<16xf32>, vector<16xf32> -> vector<32xbf16>
        %bitcast3A_226 = vector.bitcast %pack3A_225 : vector<32xbf16> to vector<16xi32>
        %mul3A_227 = arith.constant 8 : i32
        %mul3A_228 = arith.muli %mul3A_212, %mul3A_227 : i32
        %swap3A_229 = arith.constant 0 : i32
        %swap3A_230 = arith.index_cast %swap3A_229 : i32 to index
        %swap3A_231 = arith.index_cast %mul3A_228 : i32 to index
        %swap3A_232 = tpu.vector_load %arg8[%swap3A_230, %swap3A_231] {strides = array<i32>} : memref<8x1024xi32, #tpu.memory_space<vmem>>, vector<16xi32>,
        tpu.vector_store %arg8[%swap3A_230, %swap3A_231], %bitcast3A_226 {strides = array<i32>} : memref<8x1024xi32, #tpu.memory_space<vmem>>, vector<16xi32>,
        %gather3A_233 = tpu.vector_load_idx %arg6[%broadcast_in_dim3A_9, %get3A_216] : memref<8x4096xf32, #tpu.memory_space<vmem>>[vector<16xi32>, vector<16xi32>], vector<16xf32>,
        %gather3A_234 = tpu.vector_load_idx %arg6[%broadcast_in_dim3A_9, %get3A_222] : memref<8x4096xf32, #tpu.memory_space<vmem>>[vector<16xi32>, vector<16xi32>], vector<16xf32>,
        %pack3A_235 = tpu.pack_subelements %gather3A_233, %gather3A_234 {pack_format = #tpu.pack_format<interleaved>, positions = array<i32: 0, 1>} : vector<16xf32>, vector<16xf32> -> vector<32xbf16>
        %bitcast3A_236 = vector.bitcast %pack3A_235 : vector<32xbf16> to vector<16xi32>
        %mul3A_237 = arith.constant 8 : i32
        %mul3A_238 = arith.muli %mul3A_212, %mul3A_237 : i32
        %swap3A_239 = arith.constant 1 : i32
        %swap3A_240 = arith.index_cast %swap3A_239 : i32 to index
        %swap3A_241 = arith.index_cast %mul3A_238 : i32 to index
        %swap3A_242 = tpu.vector_load %arg8[%swap3A_240, %swap3A_241] {strides = array<i32>} : memref<8x1024xi32, #tpu.memory_space<vmem>>, vector<16xi32>,
        tpu.vector_store %arg8[%swap3A_240, %swap3A_241], %bitcast3A_236 {strides = array<i32>} : memref<8x1024xi32, #tpu.memory_space<vmem>>, vector<16xi32>,
        %gather3A_243 = tpu.vector_load_idx %arg6[%broadcast_in_dim3A_11, %get3A_216] : memref<8x4096xf32, #tpu.memory_space<vmem>>[vector<16xi32>, vector<16xi32>], vector<16xf32>,
        %gather3A_244 = tpu.vector_load_idx %arg6[%broadcast_in_dim3A_11, %get3A_222] : memref<8x4096xf32, #tpu.memory_space<vmem>>[vector<16xi32>, vector<16xi32>], vector<16xf32>,
        %pack3A_245 = tpu.pack_subelements %gather3A_243, %gather3A_244 {pack_format = #tpu.pack_format<interleaved>, positions = array<i32: 0, 1>} : vector<16xf32>, vector<16xf32> -> vector<32xbf16>
        %bitcast3A_246 = vector.bitcast %pack3A_245 : vector<32xbf16> to vector<16xi32>
        %mul3A_247 = arith.constant 8 : i32
        %mul3A_248 = arith.muli %mul3A_212, %mul3A_247 : i32
        %swap3A_249 = arith.constant 2 : i32
        %swap3A_250 = arith.index_cast %swap3A_249 : i32 to index
        %swap3A_251 = arith.index_cast %mul3A_248 : i32 to index
        %swap3A_252 = tpu.vector_load %arg8[%swap3A_250, %swap3A_251] {strides = array<i32>} : memref<8x1024xi32, #tpu.memory_space<vmem>>, vector<16xi32>,
        tpu.vector_store %arg8[%swap3A_250, %swap3A_251], %bitcast3A_246 {strides = array<i32>} : memref<8x1024xi32, #tpu.memory_space<vmem>>, vector<16xi32>,
        %gather3A_253 = tpu.vector_load_idx %arg6[%broadcast_in_dim3A_13, %get3A_216] : memref<8x4096xf32, #tpu.memory_space<vmem>>[vector<16xi32>, vector<16xi32>], vector<16xf32>,
        %gather3A_254 = tpu.vector_load_idx %arg6[%broadcast_in_dim3A_13, %get3A_222] : memref<8x4096xf32, #tpu.memory_space<vmem>>[vector<16xi32>, vector<16xi32>], vector<16xf32>,
        %pack3A_255 = tpu.pack_subelements %gather3A_253, %gather3A_254 {pack_format = #tpu.pack_format<interleaved>, positions = array<i32: 0, 1>} : vector<16xf32>, vector<16xf32> -> vector<32xbf16>
        %bitcast3A_256 = vector.bitcast %pack3A_255 : vector<32xbf16> to vector<16xi32>
        %mul3A_257 = arith.constant 8 : i32
        %mul3A_258 = arith.muli %mul3A_212, %mul3A_257 : i32
        %swap3A_259 = arith.constant 3 : i32
        %swap3A_260 = arith.index_cast %swap3A_259 : i32 to index
        %swap3A_261 = arith.index_cast %mul3A_258 : i32 to index
        %swap3A_262 = tpu.vector_load %arg8[%swap3A_260, %swap3A_261] {strides = array<i32>} : memref<8x1024xi32, #tpu.memory_space<vmem>>, vector<16xi32>,
        tpu.vector_store %arg8[%swap3A_260, %swap3A_261], %bitcast3A_256 {strides = array<i32>} : memref<8x1024xi32, #tpu.memory_space<vmem>>, vector<16xi32>,
        %gather3A_263 = tpu.vector_load_idx %arg6[%broadcast_in_dim3A_15, %get3A_216] : memref<8x4096xf32, #tpu.memory_space<vmem>>[vector<16xi32>, vector<16xi32>], vector<16xf32>,
        %gather3A_264 = tpu.vector_load_idx %arg6[%broadcast_in_dim3A_15, %get3A_222] : memref<8x4096xf32, #tpu.memory_space<vmem>>[vector<16xi32>, vector<16xi32>], vector<16xf32>,
        %pack3A_265 = tpu.pack_subelements %gather3A_263, %gather3A_264 {pack_format = #tpu.pack_format<interleaved>, positions = array<i32: 0, 1>} : vector<16xf32>, vector<16xf32> -> vector<32xbf16>
        %bitcast3A_266 = vector.bitcast %pack3A_265 : vector<32xbf16> to vector<16xi32>
        %mul3A_267 = arith.constant 8 : i32
        %mul3A_268 = arith.muli %mul3A_212, %mul3A_267 : i32
        %swap3A_269 = arith.constant 4 : i32
        %swap3A_270 = arith.index_cast %swap3A_269 : i32 to index
        %swap3A_271 = arith.index_cast %mul3A_268 : i32 to index
        %swap3A_272 = tpu.vector_load %arg8[%swap3A_270, %swap3A_271] {strides = array<i32>} : memref<8x1024xi32, #tpu.memory_space<vmem>>, vector<16xi32>,
        tpu.vector_store %arg8[%swap3A_270, %swap3A_271], %bitcast3A_266 {strides = array<i32>} : memref<8x1024xi32, #tpu.memory_space<vmem>>, vector<16xi32>,
        %gather3A_273 = tpu.vector_load_idx %arg6[%broadcast_in_dim3A_17, %get3A_216] : memref<8x4096xf32, #tpu.memory_space<vmem>>[vector<16xi32>, vector<16xi32>], vector<16xf32>,
        %gather3A_274 = tpu.vector_load_idx %arg6[%broadcast_in_dim3A_17, %get3A_222] : memref<8x4096xf32, #tpu.memory_space<vmem>>[vector<16xi32>, vector<16xi32>], vector<16xf32>,
        %pack3A_275 = tpu.pack_subelements %gather3A_273, %gather3A_274 {pack_format = #tpu.pack_format<interleaved>, positions = array<i32: 0, 1>} : vector<16xf32>, vector<16xf32> -> vector<32xbf16>
        %bitcast3A_276 = vector.bitcast %pack3A_275 : vector<32xbf16> to vector<16xi32>
        %mul3A_277 = arith.constant 8 : i32
        %mul3A_278 = arith.muli %mul3A_212, %mul3A_277 : i32
        %swap3A_279 = arith.constant 5 : i32
        %swap3A_280 = arith.index_cast %swap3A_279 : i32 to index
        %swap3A_281 = arith.index_cast %mul3A_278 : i32 to index
        %swap3A_282 = tpu.vector_load %arg8[%swap3A_280, %swap3A_281] {strides = array<i32>} : memref<8x1024xi32, #tpu.memory_space<vmem>>, vector<16xi32>,
        tpu.vector_store %arg8[%swap3A_280, %swap3A_281], %bitcast3A_276 {strides = array<i32>} : memref<8x1024xi32, #tpu.memory_space<vmem>>, vector<16xi32>,
        %gather3A_283 = tpu.vector_load_idx %arg6[%broadcast_in_dim3A_19, %get3A_216] : memref<8x4096xf32, #tpu.memory_space<vmem>>[vector<16xi32>, vector<16xi32>], vector<16xf32>,
        %gather3A_284 = tpu.vector_load_idx %arg6[%broadcast_in_dim3A_19, %get3A_222] : memref<8x4096xf32, #tpu.memory_space<vmem>>[vector<16xi32>, vector<16xi32>], vector<16xf32>,
        %pack3A_285 = tpu.pack_subelements %gather3A_283, %gather3A_284 {pack_format = #tpu.pack_format<interleaved>, positions = array<i32: 0, 1>} : vector<16xf32>, vector<16xf32> -> vector<32xbf16>
        %bitcast3A_286 = vector.bitcast %pack3A_285 : vector<32xbf16> to vector<16xi32>
        %mul3A_287 = arith.constant 8 : i32
        %mul3A_288 = arith.muli %mul3A_212, %mul3A_287 : i32
        %swap3A_289 = arith.constant 6 : i32
        %swap3A_290 = arith.index_cast %swap3A_289 : i32 to index
        %swap3A_291 = arith.index_cast %mul3A_288 : i32 to index
        %swap3A_292 = tpu.vector_load %arg8[%swap3A_290, %swap3A_291] {strides = array<i32>} : memref<8x1024xi32, #tpu.memory_space<vmem>>, vector<16xi32>,
        tpu.vector_store %arg8[%swap3A_290, %swap3A_291], %bitcast3A_286 {strides = array<i32>} : memref<8x1024xi32, #tpu.memory_space<vmem>>, vector<16xi32>,
        %gather3A_293 = tpu.vector_load_idx %arg6[%broadcast_in_dim3A_21, %get3A_216] : memref<8x4096xf32, #tpu.memory_space<vmem>>[vector<16xi32>, vector<16xi32>], vector<16xf32>,
        %gather3A_294 = tpu.vector_load_idx %arg6[%broadcast_in_dim3A_21, %get3A_222] : memref<8x4096xf32, #tpu.memory_space<vmem>>[vector<16xi32>, vector<16xi32>], vector<16xf32>,
        %pack3A_295 = tpu.pack_subelements %gather3A_293, %gather3A_294 {pack_format = #tpu.pack_format<interleaved>, positions = array<i32: 0, 1>} : vector<16xf32>, vector<16xf32> -> vector<32xbf16>
        %bitcast3A_296 = vector.bitcast %pack3A_295 : vector<32xbf16> to vector<16xi32>
        %mul3A_297 = arith.constant 8 : i32
        %mul3A_298 = arith.muli %mul3A_212, %mul3A_297 : i32
        %swap3A_299 = arith.constant 7 : i32
        %swap3A_300 = arith.index_cast %swap3A_299 : i32 to index
        %swap3A_301 = arith.index_cast %mul3A_298 : i32 to index
        %swap3A_302 = tpu.vector_load %arg8[%swap3A_300, %swap3A_301] {strides = array<i32>} : memref<8x1024xi32, #tpu.memory_space<vmem>>, vector<16xi32>,
        tpu.vector_store %arg8[%swap3A_300, %swap3A_301], %bitcast3A_296 {strides = array<i32>} : memref<8x1024xi32, #tpu.memory_space<vmem>>, vector<16xi32>,
      }
      %scan3A_106 = arith.constant 32 : i32
      %mul3A_107 = arith.constant 8 : i32
      %mul3A_108 = arith.muli %add3A_81, %mul3A_107 : i32
      %add3A_109 = arith.addi %mul3A_6, %mul3A_108 : i32
      %dma_start3A_110 = arith.constant 0 : i32
      %dma_start3A_111 = tpu.memref_slice %arg4[%add3A_109, %dma_start3A_110] : memref<2048x1024xi32, #tpu.memory_space<hbm>> -> memref<8x1024xi32, #tpu.memory_space<hbm>>
      %dma_start3A_112 = arith.constant 0 : i32
      %dma_start3A_113 = tpu.memref_slice %arg4[%add3A_109, %dma_start3A_112] : memref<2048x1024xi32, #tpu.memory_space<hbm>> -> memref<8x1024xi32, #tpu.memory_space<hbm>>
      tpu.enqueue_dma source(%arg8 : memref<8x1024xi32, #tpu.memory_space<vmem>>) target(%dma_start3A_113 : memref<8x1024xi32, #tpu.memory_space<hbm>>) target_semaphore(%arg13 : memref<!tpu.dma_semaphore, #tpu.memory_space<semaphore_mem>>)
      %scan3A_114 = arith.constant 0 : i32
      scf.yield %scan3A_114 : i32
    }
    %scan3A_32 = arith.constant 4 : i32
    %add3A_33 = arith.constant 48 : i32
    %add3A_34 = arith.addi %mul3A_6, %add3A_33 : i32
    %dma_wait3A = arith.constant 0 : i32
    %dma_wait3A_35 = tpu.memref_slice %arg4[%add3A_34, %dma_wait3A] : memref<2048x1024xi32, #tpu.memory_space<hbm>> -> memref<8x1024xi32, #tpu.memory_space<hbm>>
    %dma_wait3A_36 = arith.constant 0 : i32
    %dma_wait3A_37 = tpu.memref_slice %arg4[%add3A_34, %dma_wait3A_36] : memref<2048x1024xi32, #tpu.memory_space<hbm>> -> memref<8x1024xi32, #tpu.memory_space<hbm>>
    tpu.wait_dma2 semaphore(%arg12 : memref<!tpu.dma_semaphore, #tpu.memory_space<semaphore_mem>>) src(%arg7 : memref<8x1024xi32, #tpu.memory_space<vmem>>) dst(%dma_wait3A_37 : memref<8x1024xi32, #tpu.memory_space<hbm>>)
    %add3A_38 = arith.constant 56 : i32
    %add3A_39 = arith.addi %mul3A_6, %add3A_38 : i32
    %dma_wait3A_40 = arith.constant 0 : i32
    %dma_wait3A_41 = tpu.memref_slice %arg4[%add3A_39, %dma_wait3A_40] : memref<2048x1024xi32, #tpu.memory_space<hbm>> -> memref<8x1024xi32, #tpu.memory_space<hbm>>
    %dma_wait3A_42 = arith.constant 0 : i32
    %dma_wait3A_43 = tpu.memref_slice %arg4[%add3A_39, %dma_wait3A_42] : memref<2048x1024xi32, #tpu.memory_space<hbm>> -> memref<8x1024xi32, #tpu.memory_space<hbm>>
    tpu.wait_dma2 semaphore(%arg13 : memref<!tpu.dma_semaphore, #tpu.memory_space<semaphore_mem>>) src(%arg8 : memref<8x1024xi32, #tpu.memory_space<vmem>>) dst(%dma_wait3A_43 : memref<8x1024xi32, #tpu.memory_space<hbm>>)
    return
  }
}

#map = affine_map<(d0, d1) -> (0, 0)>
#map1 = affine_map<(d0, d1) -> (0)>
module attributes {stable_mosaic.version = 14 : i64} {
  func.func @_scgather(%arg0: i32, %arg1: i32, %arg2: memref<4096x4096xf32, #tpu.memory_space<hbm>>, %arg3: memref<2048xi32, #tpu.memory_space<hbm>>, %arg4: memref<2048x1024xi32, #tpu.memory_space<hbm>>, %arg5: memref<8x4096xf32, #tpu.memory_space<vmem>>, %arg6: memref<8x4096xf32, #tpu.memory_space<vmem>>, %arg7: memref<8x1024xi32, #tpu.memory_space<vmem>>, %arg8: memref<8x1024xi32, #tpu.memory_space<vmem>>, %arg9: memref<2048xi32, #tpu.memory_space<vmem>>, %arg10: memref<!tpu.dma_semaphore, #tpu.memory_space<semaphore_mem>>, %arg11: memref<!tpu.dma_semaphore, #tpu.memory_space<semaphore_mem>>, %arg12: memref<!tpu.dma_semaphore, #tpu.memory_space<semaphore_mem>>, %arg13: memref<!tpu.dma_semaphore, #tpu.memory_space<semaphore_mem>>) attributes {dimension_semantics = [#tpu.dimension_semantics<core_parallel>, #tpu.dimension_semantics<subcore_parallel>], iteration_bounds = array<i64: 2, 16>, scalar_prefetch = 0 : i64, scratch_operands = 9 : i64, tpu.core_type = #tpu.core_type<sc_vector_subcore>, window_params = [{transform_indices = #map}, {transform_indices = #map1}, {transform_indices = #map}]} {
    %mul3A = arith.constant 16 : i32
    %mul3A_0 = arith.muli %arg0, %mul3A : i32
    %add3A = arith.addi %mul3A_0, %arg1 : i32
    %mul3A_1 = arith.constant 64 : i32
    %mul3A_2 = arith.muli %add3A, %mul3A_1 : i32
    %add3A_3 = arith.constant 0 : i32
    %add3A_4 = arith.addi %add3A_3, %mul3A_2 : i32
    %mul3A_5 = arith.constant 64 : i32
    %mul3A_6 = arith.muli %add3A, %mul3A_5 : i32
    "tpu.region"() ({
      %run_scoped3A = tpu.sem_alloc : memref<!tpu.dma_semaphore, #tpu.memory_space<semaphore_mem>>
      tpu.enqueue_dma source(%arg3 : memref<2048xi32, #tpu.memory_space<hbm>>) target(%arg9 : memref<2048xi32, #tpu.memory_space<vmem>>) target_semaphore(%run_scoped3A : memref<!tpu.dma_semaphore, #tpu.memory_space<semaphore_mem>>)
      tpu.wait_dma2 semaphore(%run_scoped3A : memref<!tpu.dma_semaphore, #tpu.memory_space<semaphore_mem>>) src(%arg3 : memref<2048xi32, #tpu.memory_space<hbm>>) dst(%arg9 : memref<2048xi32, #tpu.memory_space<vmem>>)
      tpu.yield
    }) : () -> ()
    %broadcast_in_dim3A = arith.constant 0 : i32
    %broadcast_in_dim3A_7 = vector.broadcast %broadcast_in_dim3A : i32 to vector<16xi32>
    %broadcast_in_dim3A_8 = arith.constant 1 : i32
    %broadcast_in_dim3A_9 = vector.broadcast %broadcast_in_dim3A_8 : i32 to vector<16xi32>
    %broadcast_in_dim3A_10 = arith.constant 2 : i32
    %broadcast_in_dim3A_11 = vector.broadcast %broadcast_in_dim3A_10 : i32 to vector<16xi32>
    %broadcast_in_dim3A_12 = arith.constant 3 : i32
    %broadcast_in_dim3A_13 = vector.broadcast %broadcast_in_dim3A_12 : i32 to vector<16xi32>
    %broadcast_in_dim3A_14 = arith.constant 4 : i32
    %broadcast_in_dim3A_15 = vector.broadcast %broadcast_in_dim3A_14 : i32 to vector<16xi32>
    %broadcast_in_dim3A_16 = arith.constant 5 : i32
    %broadcast_in_dim3A_17 = vector.broadcast %broadcast_in_dim3A_16 : i32 to vector<16xi32>
    %broadcast_in_dim3A_18 = arith.constant 6 : i32
    %broadcast_in_dim3A_19 = vector.broadcast %broadcast_in_dim3A_18 : i32 to vector<16xi32>
    %broadcast_in_dim3A_20 = arith.constant 7 : i32
    %broadcast_in_dim3A_21 = vector.broadcast %broadcast_in_dim3A_20 : i32 to vector<16xi32>
    %add3A_22 = arith.constant 0 : i32
    %add3A_23 = arith.addi %add3A_4, %add3A_22 : i32
    %dma_start3A = arith.constant 0 : i32
    %dma_start3A_24 = tpu.memref_slice %arg2[%add3A_23, %dma_start3A] : memref<4096x4096xf32, #tpu.memory_space<hbm>> -> memref<8x4096xf32, #tpu.memory_space<hbm>>
    %dma_start3A_25 = arith.constant 0 : i32
    %dma_start3A_26 = tpu.memref_slice %arg2[%add3A_23, %dma_start3A_25] : memref<4096x4096xf32, #tpu.memory_space<hbm>> -> memref<8x4096xf32, #tpu.memory_space<hbm>>
    tpu.enqueue_dma source(%dma_start3A_26 : memref<8x4096xf32, #tpu.memory_space<hbm>>) target(%arg5 : memref<8x4096xf32, #tpu.memory_space<vmem>>) target_semaphore(%arg10 : memref<!tpu.dma_semaphore, #tpu.memory_space<semaphore_mem>>)
    %scan3A = arith.constant 0 : i32
    %scan3A_27 = arith.constant 0 : i32
    %scan3A_28 = arith.constant 4 : i32
    %scan3A_29 = arith.addi %scan3A_27, %scan3A_28 : i32
    %scan3A_30 = arith.constant 1 : i32
    %scan3A_31 = scf.for %scan3A_44 = %scan3A_27 to %scan3A_29 step %scan3A_30 iter_args(%scan3A_45 = %scan3A) -> (i32)  : i32 {
      %mul3A_46 = arith.constant 2 : i32
      %mul3A_47 = arith.muli %scan3A_44, %mul3A_46 : i32
      %add3A_48 = arith.constant 0 : i32
      %add3A_49 = arith.addi %mul3A_47, %add3A_48 : i32
      %add3A_50 = arith.constant 1 : i32
      %add3A_51 = arith.addi %add3A_49, %add3A_50 : i32
      %lt3A = arith.constant 8 : i32
      %lt3A_52 = arith.cmpi slt, %add3A_51, %lt3A : i32
      %convert_element_type3A = arith.extui %lt3A_52 : i1 to i32
      %cond3A = arith.constant 0 : i32
      %cond3A_53 = arith.cmpi ne, %convert_element_type3A, %cond3A : i32
      scf.if %cond3A_53 {
        %add3A_115 = arith.constant 1 : i32
        %add3A_116 = arith.addi %add3A_49, %add3A_115 : i32
        %mul3A_117 = arith.constant 8 : i32
        %mul3A_118 = arith.muli %add3A_116, %mul3A_117 : i32
        %add3A_119 = arith.addi %add3A_4, %mul3A_118 : i32
        %dma_start3A_120 = arith.constant 0 : i32
        %dma_start3A_121 = tpu.memref_slice %arg2[%add3A_119, %dma_start3A_120] : memref<4096x4096xf32, #tpu.memory_space<hbm>> -> memref<8x4096xf32, #tpu.memory_space<hbm>>
        %dma_start3A_122 = arith.constant 0 : i32
        %dma_start3A_123 = tpu.memref_slice %arg2[%add3A_119, %dma_start3A_122] : memref<4096x4096xf32, #tpu.memory_space<hbm>> -> memref<8x4096xf32, #tpu.memory_space<hbm>>
        tpu.enqueue_dma source(%dma_start3A_123 : memref<8x4096xf32, #tpu.memory_space<hbm>>) target(%arg6 : memref<8x4096xf32, #tpu.memory_space<vmem>>) target_semaphore(%arg11 : memref<!tpu.dma_semaphore, #tpu.memory_space<semaphore_mem>>)
      } else {
      }
      %mul3A_54 = arith.constant 8 : i32
      %mul3A_55 = arith.muli %add3A_49, %mul3A_54 : i32
      %add3A_56 = arith.addi %add3A_4, %mul3A_55 : i32
      %dma_wait3A_57 = arith.constant 0 : i32
      %dma_wait3A_58 = tpu.memref_slice %arg2[%add3A_56, %dma_wait3A_57] : memref<4096x4096xf32, #tpu.memory_space<hbm>> -> memref<8x4096xf32, #tpu.memory_space<hbm>>
      %dma_wait3A_59 = arith.constant 0 : i32
      %dma_wait3A_60 = tpu.memref_slice %arg2[%add3A_56, %dma_wait3A_59] : memref<4096x4096xf32, #tpu.memory_space<hbm>> -> memref<8x4096xf32, #tpu.memory_space<hbm>>
      tpu.wait_dma2 semaphore(%arg10 : memref<!tpu.dma_semaphore, #tpu.memory_space<semaphore_mem>>) src(%dma_wait3A_60 : memref<8x4096xf32, #tpu.memory_space<hbm>>) dst(%arg5 : memref<8x4096xf32, #tpu.memory_space<vmem>>)
      %ge3A = arith.constant 2 : i32
      %ge3A_61 = arith.cmpi sge, %add3A_49, %ge3A : i32
      %convert_element_type3A_62 = arith.extui %ge3A_61 : i1 to i32
      %cond3A_63 = arith.constant 0 : i32
      %cond3A_64 = arith.cmpi ne, %convert_element_type3A_62, %cond3A_63 : i32
      scf.if %cond3A_64 {
        %sub3A = arith.constant 2 : i32
        %sub3A_115 = arith.subi %add3A_49, %sub3A : i32
        %mul3A_116 = arith.constant 8 : i32
        %mul3A_117 = arith.muli %sub3A_115, %mul3A_116 : i32
        %add3A_118 = arith.addi %mul3A_6, %mul3A_117 : i32
        %dma_wait3A_119 = arith.constant 0 : i32
        %dma_wait3A_120 = tpu.memref_slice %arg4[%add3A_118, %dma_wait3A_119] : memref<2048x1024xi32, #tpu.memory_space<hbm>> -> memref<8x1024xi32, #tpu.memory_space<hbm>>
        %dma_wait3A_121 = arith.constant 0 : i32
        %dma_wait3A_122 = tpu.memref_slice %arg4[%add3A_118, %dma_wait3A_121] : memref<2048x1024xi32, #tpu.memory_space<hbm>> -> memref<8x1024xi32, #tpu.memory_space<hbm>>
        tpu.wait_dma2 semaphore(%arg12 : memref<!tpu.dma_semaphore, #tpu.memory_space<semaphore_mem>>) src(%arg7 : memref<8x1024xi32, #tpu.memory_space<vmem>>) dst(%dma_wait3A_122 : memref<8x1024xi32, #tpu.memory_space<hbm>>)
      } else {
      }
      %scan3A_65 = arith.constant 0 : i32
      %scan3A_66 = arith.constant 0 : i32
      %scan3A_67 = arith.constant 32 : i32
      %scan3A_68 = arith.addi %scan3A_66, %scan3A_67 : i32
      %scan3A_69 = arith.constant 1 : i32
      scf.for %scan3A_115 = %scan3A_66 to %scan3A_68 step %scan3A_69  : i32 {
        %mul3A_116 = arith.constant 2 : i32
        %mul3A_117 = arith.muli %scan3A_115, %mul3A_116 : i32
        %add3A_118 = arith.constant 0 : i32
        %add3A_119 = arith.addi %mul3A_117, %add3A_118 : i32
        %mul3A_120 = arith.constant 2 : i32
        %mul3A_121 = arith.muli %add3A_119, %mul3A_120 : i32
        %mul3A_122 = arith.constant 16 : i32
        %mul3A_123 = arith.muli %mul3A_121, %mul3A_122 : i32
        %get3A = arith.index_cast %mul3A_123 : i32 to index
        %get3A_124 = tpu.vector_load %arg9[%get3A] {strides = array<i32>} : memref<2048xi32, #tpu.memory_space<vmem>>, vector<16xi32>,
        %add3A_125 = arith.constant 1 : i32
        %add3A_126 = arith.addi %mul3A_121, %add3A_125 : i32
        %mul3A_127 = arith.constant 16 : i32
        %mul3A_128 = arith.muli %add3A_126, %mul3A_127 : i32
        %get3A_129 = arith.index_cast %mul3A_128 : i32 to index
        %get3A_130 = tpu.vector_load %arg9[%get3A_129] {strides = array<i32>} : memref<2048xi32, #tpu.memory_space<vmem>>, vector<16xi32>,
        %gather3A = tpu.vector_load_idx %arg5[%broadcast_in_dim3A_7, %get3A_124] : memref<8x4096xf32, #tpu.memory_space<vmem>>[vector<16xi32>, vector<16xi32>], vector<16xf32>,
        %gather3A_131 = tpu.vector_load_idx %arg5[%broadcast_in_dim3A_7, %get3A_130] : memref<8x4096xf32, #tpu.memory_space<vmem>>[vector<16xi32>, vector<16xi32>], vector<16xf32>,
        %pack3A = tpu.pack_subelements %gather3A, %gather3A_131 {pack_format = #tpu.pack_format<interleaved>, positions = array<i32: 0, 1>} : vector<16xf32>, vector<16xf32> -> vector<32xbf16>
        %bitcast3A = vector.bitcast %pack3A : vector<32xbf16> to vector<16xi32>
        %mul3A_132 = arith.constant 8 : i32
        %mul3A_133 = arith.muli %mul3A_121, %mul3A_132 : i32
        %swap3A = arith.constant 0 : i32
        %swap3A_134 = arith.index_cast %swap3A : i32 to index
        %swap3A_135 = arith.index_cast %mul3A_133 : i32 to index
        %swap3A_136 = tpu.vector_load %arg7[%swap3A_134, %swap3A_135] {strides = array<i32>} : memref<8x1024xi32, #tpu.memory_space<vmem>>, vector<16xi32>,
        tpu.vector_store %arg7[%swap3A_134, %swap3A_135], %bitcast3A {strides = array<i32>} : memref<8x1024xi32, #tpu.memory_space<vmem>>, vector<16xi32>,
        %gather3A_137 = tpu.vector_load_idx %arg5[%broadcast_in_dim3A_9, %get3A_124] : memref<8x4096xf32, #tpu.memory_space<vmem>>[vector<16xi32>, vector<16xi32>], vector<16xf32>,
        %gather3A_138 = tpu.vector_load_idx %arg5[%broadcast_in_dim3A_9, %get3A_130] : memref<8x4096xf32, #tpu.memory_space<vmem>>[vector<16xi32>, vector<16xi32>], vector<16xf32>,
        %pack3A_139 = tpu.pack_subelements %gather3A_137, %gather3A_138 {pack_format = #tpu.pack_format<interleaved>, positions = array<i32: 0, 1>} : vector<16xf32>, vector<16xf32> -> vector<32xbf16>
        %bitcast3A_140 = vector.bitcast %pack3A_139 : vector<32xbf16> to vector<16xi32>
        %mul3A_141 = arith.constant 8 : i32
        %mul3A_142 = arith.muli %mul3A_121, %mul3A_141 : i32
        %swap3A_143 = arith.constant 1 : i32
        %swap3A_144 = arith.index_cast %swap3A_143 : i32 to index
        %swap3A_145 = arith.index_cast %mul3A_142 : i32 to index
        %swap3A_146 = tpu.vector_load %arg7[%swap3A_144, %swap3A_145] {strides = array<i32>} : memref<8x1024xi32, #tpu.memory_space<vmem>>, vector<16xi32>,
        tpu.vector_store %arg7[%swap3A_144, %swap3A_145], %bitcast3A_140 {strides = array<i32>} : memref<8x1024xi32, #tpu.memory_space<vmem>>, vector<16xi32>,
        %gather3A_147 = tpu.vector_load_idx %arg5[%broadcast_in_dim3A_11, %get3A_124] : memref<8x4096xf32, #tpu.memory_space<vmem>>[vector<16xi32>, vector<16xi32>], vector<16xf32>,
        %gather3A_148 = tpu.vector_load_idx %arg5[%broadcast_in_dim3A_11, %get3A_130] : memref<8x4096xf32, #tpu.memory_space<vmem>>[vector<16xi32>, vector<16xi32>], vector<16xf32>,
        %pack3A_149 = tpu.pack_subelements %gather3A_147, %gather3A_148 {pack_format = #tpu.pack_format<interleaved>, positions = array<i32: 0, 1>} : vector<16xf32>, vector<16xf32> -> vector<32xbf16>
        %bitcast3A_150 = vector.bitcast %pack3A_149 : vector<32xbf16> to vector<16xi32>
        %mul3A_151 = arith.constant 8 : i32
        %mul3A_152 = arith.muli %mul3A_121, %mul3A_151 : i32
        %swap3A_153 = arith.constant 2 : i32
        %swap3A_154 = arith.index_cast %swap3A_153 : i32 to index
        %swap3A_155 = arith.index_cast %mul3A_152 : i32 to index
        %swap3A_156 = tpu.vector_load %arg7[%swap3A_154, %swap3A_155] {strides = array<i32>} : memref<8x1024xi32, #tpu.memory_space<vmem>>, vector<16xi32>,
        tpu.vector_store %arg7[%swap3A_154, %swap3A_155], %bitcast3A_150 {strides = array<i32>} : memref<8x1024xi32, #tpu.memory_space<vmem>>, vector<16xi32>,
        %gather3A_157 = tpu.vector_load_idx %arg5[%broadcast_in_dim3A_13, %get3A_124] : memref<8x4096xf32, #tpu.memory_space<vmem>>[vector<16xi32>, vector<16xi32>], vector<16xf32>,
        %gather3A_158 = tpu.vector_load_idx %arg5[%broadcast_in_dim3A_13, %get3A_130] : memref<8x4096xf32, #tpu.memory_space<vmem>>[vector<16xi32>, vector<16xi32>], vector<16xf32>,
        %pack3A_159 = tpu.pack_subelements %gather3A_157, %gather3A_158 {pack_format = #tpu.pack_format<interleaved>, positions = array<i32: 0, 1>} : vector<16xf32>, vector<16xf32> -> vector<32xbf16>
        %bitcast3A_160 = vector.bitcast %pack3A_159 : vector<32xbf16> to vector<16xi32>
        %mul3A_161 = arith.constant 8 : i32
        %mul3A_162 = arith.muli %mul3A_121, %mul3A_161 : i32
        %swap3A_163 = arith.constant 3 : i32
        %swap3A_164 = arith.index_cast %swap3A_163 : i32 to index
        %swap3A_165 = arith.index_cast %mul3A_162 : i32 to index
        %swap3A_166 = tpu.vector_load %arg7[%swap3A_164, %swap3A_165] {strides = array<i32>} : memref<8x1024xi32, #tpu.memory_space<vmem>>, vector<16xi32>,
        tpu.vector_store %arg7[%swap3A_164, %swap3A_165], %bitcast3A_160 {strides = array<i32>} : memref<8x1024xi32, #tpu.memory_space<vmem>>, vector<16xi32>,
        %gather3A_167 = tpu.vector_load_idx %arg5[%broadcast_in_dim3A_15, %get3A_124] : memref<8x4096xf32, #tpu.memory_space<vmem>>[vector<16xi32>, vector<16xi32>], vector<16xf32>,
        %gather3A_168 = tpu.vector_load_idx %arg5[%broadcast_in_dim3A_15, %get3A_130] : memref<8x4096xf32, #tpu.memory_space<vmem>>[vector<16xi32>, vector<16xi32>], vector<16xf32>,
        %pack3A_169 = tpu.pack_subelements %gather3A_167, %gather3A_168 {pack_format = #tpu.pack_format<interleaved>, positions = array<i32: 0, 1>} : vector<16xf32>, vector<16xf32> -> vector<32xbf16>
        %bitcast3A_170 = vector.bitcast %pack3A_169 : vector<32xbf16> to vector<16xi32>
        %mul3A_171 = arith.constant 8 : i32
        %mul3A_172 = arith.muli %mul3A_121, %mul3A_171 : i32
        %swap3A_173 = arith.constant 4 : i32
        %swap3A_174 = arith.index_cast %swap3A_173 : i32 to index
        %swap3A_175 = arith.index_cast %mul3A_172 : i32 to index
        %swap3A_176 = tpu.vector_load %arg7[%swap3A_174, %swap3A_175] {strides = array<i32>} : memref<8x1024xi32, #tpu.memory_space<vmem>>, vector<16xi32>,
        tpu.vector_store %arg7[%swap3A_174, %swap3A_175], %bitcast3A_170 {strides = array<i32>} : memref<8x1024xi32, #tpu.memory_space<vmem>>, vector<16xi32>,
        %gather3A_177 = tpu.vector_load_idx %arg5[%broadcast_in_dim3A_17, %get3A_124] : memref<8x4096xf32, #tpu.memory_space<vmem>>[vector<16xi32>, vector<16xi32>], vector<16xf32>,
        %gather3A_178 = tpu.vector_load_idx %arg5[%broadcast_in_dim3A_17, %get3A_130] : memref<8x4096xf32, #tpu.memory_space<vmem>>[vector<16xi32>, vector<16xi32>], vector<16xf32>,
        %pack3A_179 = tpu.pack_subelements %gather3A_177, %gather3A_178 {pack_format = #tpu.pack_format<interleaved>, positions = array<i32: 0, 1>} : vector<16xf32>, vector<16xf32> -> vector<32xbf16>
        %bitcast3A_180 = vector.bitcast %pack3A_179 : vector<32xbf16> to vector<16xi32>
        %mul3A_181 = arith.constant 8 : i32
        %mul3A_182 = arith.muli %mul3A_121, %mul3A_181 : i32
        %swap3A_183 = arith.constant 5 : i32
        %swap3A_184 = arith.index_cast %swap3A_183 : i32 to index
        %swap3A_185 = arith.index_cast %mul3A_182 : i32 to index
        %swap3A_186 = tpu.vector_load %arg7[%swap3A_184, %swap3A_185] {strides = array<i32>} : memref<8x1024xi32, #tpu.memory_space<vmem>>, vector<16xi32>,
        tpu.vector_store %arg7[%swap3A_184, %swap3A_185], %bitcast3A_180 {strides = array<i32>} : memref<8x1024xi32, #tpu.memory_space<vmem>>, vector<16xi32>,
        %gather3A_187 = tpu.vector_load_idx %arg5[%broadcast_in_dim3A_19, %get3A_124] : memref<8x4096xf32, #tpu.memory_space<vmem>>[vector<16xi32>, vector<16xi32>], vector<16xf32>,
        %gather3A_188 = tpu.vector_load_idx %arg5[%broadcast_in_dim3A_19, %get3A_130] : memref<8x4096xf32, #tpu.memory_space<vmem>>[vector<16xi32>, vector<16xi32>], vector<16xf32>,
        %pack3A_189 = tpu.pack_subelements %gather3A_187, %gather3A_188 {pack_format = #tpu.pack_format<interleaved>, positions = array<i32: 0, 1>} : vector<16xf32>, vector<16xf32> -> vector<32xbf16>
        %bitcast3A_190 = vector.bitcast %pack3A_189 : vector<32xbf16> to vector<16xi32>
        %mul3A_191 = arith.constant 8 : i32
        %mul3A_192 = arith.muli %mul3A_121, %mul3A_191 : i32
        %swap3A_193 = arith.constant 6 : i32
        %swap3A_194 = arith.index_cast %swap3A_193 : i32 to index
        %swap3A_195 = arith.index_cast %mul3A_192 : i32 to index
        %swap3A_196 = tpu.vector_load %arg7[%swap3A_194, %swap3A_195] {strides = array<i32>} : memref<8x1024xi32, #tpu.memory_space<vmem>>, vector<16xi32>,
        tpu.vector_store %arg7[%swap3A_194, %swap3A_195], %bitcast3A_190 {strides = array<i32>} : memref<8x1024xi32, #tpu.memory_space<vmem>>, vector<16xi32>,
        %gather3A_197 = tpu.vector_load_idx %arg5[%broadcast_in_dim3A_21, %get3A_124] : memref<8x4096xf32, #tpu.memory_space<vmem>>[vector<16xi32>, vector<16xi32>], vector<16xf32>,
        %gather3A_198 = tpu.vector_load_idx %arg5[%broadcast_in_dim3A_21, %get3A_130] : memref<8x4096xf32, #tpu.memory_space<vmem>>[vector<16xi32>, vector<16xi32>], vector<16xf32>,
        %pack3A_199 = tpu.pack_subelements %gather3A_197, %gather3A_198 {pack_format = #tpu.pack_format<interleaved>, positions = array<i32: 0, 1>} : vector<16xf32>, vector<16xf32> -> vector<32xbf16>
        %bitcast3A_200 = vector.bitcast %pack3A_199 : vector<32xbf16> to vector<16xi32>
        %mul3A_201 = arith.constant 8 : i32
        %mul3A_202 = arith.muli %mul3A_121, %mul3A_201 : i32
        %swap3A_203 = arith.constant 7 : i32
        %swap3A_204 = arith.index_cast %swap3A_203 : i32 to index
        %swap3A_205 = arith.index_cast %mul3A_202 : i32 to index
        %swap3A_206 = tpu.vector_load %arg7[%swap3A_204, %swap3A_205] {strides = array<i32>} : memref<8x1024xi32, #tpu.memory_space<vmem>>, vector<16xi32>,
        tpu.vector_store %arg7[%swap3A_204, %swap3A_205], %bitcast3A_200 {strides = array<i32>} : memref<8x1024xi32, #tpu.memory_space<vmem>>, vector<16xi32>,
        %mul3A_207 = arith.constant 2 : i32
        %mul3A_208 = arith.muli %scan3A_115, %mul3A_207 : i32
        %add3A_209 = arith.constant 1 : i32
        %add3A_210 = arith.addi %mul3A_208, %add3A_209 : i32
        %mul3A_211 = arith.constant 2 : i32
        %mul3A_212 = arith.muli %add3A_210, %mul3A_211 : i32
        %mul3A_213 = arith.constant 16 : i32
        %mul3A_214 = arith.muli %mul3A_212, %mul3A_213 : i32
        %get3A_215 = arith.index_cast %mul3A_214 : i32 to index
        %get3A_216 = tpu.vector_load %arg9[%get3A_215] {strides = array<i32>} : memref<2048xi32, #tpu.memory_space<vmem>>, vector<16xi32>,
        %add3A_217 = arith.constant 1 : i32
        %add3A_218 = arith.addi %mul3A_212, %add3A_217 : i32
        %mul3A_219 = arith.constant 16 : i32
        %mul3A_220 = arith.muli %add3A_218, %mul3A_219 : i32
        %get3A_221 = arith.index_cast %mul3A_220 : i32 to index
        %get3A_222 = tpu.vector_load %arg9[%get3A_221] {strides = array<i32>} : memref<2048xi32, #tpu.memory_space<vmem>>, vector<16xi32>,
        %gather3A_223 = tpu.vector_load_idx %arg5[%broadcast_in_dim3A_7, %get3A_216] : memref<8x4096xf32, #tpu.memory_space<vmem>>[vector<16xi32>, vector<16xi32>], vector<16xf32>,
        %gather3A_224 = tpu.vector_load_idx %arg5[%broadcast_in_dim3A_7, %get3A_222] : memref<8x4096xf32, #tpu.memory_space<vmem>>[vector<16xi32>, vector<16xi32>], vector<16xf32>,
        %pack3A_225 = tpu.pack_subelements %gather3A_223, %gather3A_224 {pack_format = #tpu.pack_format<interleaved>, positions = array<i32: 0, 1>} : vector<16xf32>, vector<16xf32> -> vector<32xbf16>
        %bitcast3A_226 = vector.bitcast %pack3A_225 : vector<32xbf16> to vector<16xi32>
        %mul3A_227 = arith.constant 8 : i32
        %mul3A_228 = arith.muli %mul3A_212, %mul3A_227 : i32
        %swap3A_229 = arith.constant 0 : i32
        %swap3A_230 = arith.index_cast %swap3A_229 : i32 to index
        %swap3A_231 = arith.index_cast %mul3A_228 : i32 to index
        %swap3A_232 = tpu.vector_load %arg7[%swap3A_230, %swap3A_231] {strides = array<i32>} : memref<8x1024xi32, #tpu.memory_space<vmem>>, vector<16xi32>,
        tpu.vector_store %arg7[%swap3A_230, %swap3A_231], %bitcast3A_226 {strides = array<i32>} : memref<8x1024xi32, #tpu.memory_space<vmem>>, vector<16xi32>,
        %gather3A_233 = tpu.vector_load_idx %arg5[%broadcast_in_dim3A_9, %get3A_216] : memref<8x4096xf32, #tpu.memory_space<vmem>>[vector<16xi32>, vector<16xi32>], vector<16xf32>,
        %gather3A_234 = tpu.vector_load_idx %arg5[%broadcast_in_dim3A_9, %get3A_222] : memref<8x4096xf32, #tpu.memory_space<vmem>>[vector<16xi32>, vector<16xi32>], vector<16xf32>,
        %pack3A_235 = tpu.pack_subelements %gather3A_233, %gather3A_234 {pack_format = #tpu.pack_format<interleaved>, positions = array<i32: 0, 1>} : vector<16xf32>, vector<16xf32> -> vector<32xbf16>
        %bitcast3A_236 = vector.bitcast %pack3A_235 : vector<32xbf16> to vector<16xi32>
        %mul3A_237 = arith.constant 8 : i32
        %mul3A_238 = arith.muli %mul3A_212, %mul3A_237 : i32
        %swap3A_239 = arith.constant 1 : i32
        %swap3A_240 = arith.index_cast %swap3A_239 : i32 to index
        %swap3A_241 = arith.index_cast %mul3A_238 : i32 to index
        %swap3A_242 = tpu.vector_load %arg7[%swap3A_240, %swap3A_241] {strides = array<i32>} : memref<8x1024xi32, #tpu.memory_space<vmem>>, vector<16xi32>,
        tpu.vector_store %arg7[%swap3A_240, %swap3A_241], %bitcast3A_236 {strides = array<i32>} : memref<8x1024xi32, #tpu.memory_space<vmem>>, vector<16xi32>,
        %gather3A_243 = tpu.vector_load_idx %arg5[%broadcast_in_dim3A_11, %get3A_216] : memref<8x4096xf32, #tpu.memory_space<vmem>>[vector<16xi32>, vector<16xi32>], vector<16xf32>,
        %gather3A_244 = tpu.vector_load_idx %arg5[%broadcast_in_dim3A_11, %get3A_222] : memref<8x4096xf32, #tpu.memory_space<vmem>>[vector<16xi32>, vector<16xi32>], vector<16xf32>,
        %pack3A_245 = tpu.pack_subelements %gather3A_243, %gather3A_244 {pack_format = #tpu.pack_format<interleaved>, positions = array<i32: 0, 1>} : vector<16xf32>, vector<16xf32> -> vector<32xbf16>
        %bitcast3A_246 = vector.bitcast %pack3A_245 : vector<32xbf16> to vector<16xi32>
        %mul3A_247 = arith.constant 8 : i32
        %mul3A_248 = arith.muli %mul3A_212, %mul3A_247 : i32
        %swap3A_249 = arith.constant 2 : i32
        %swap3A_250 = arith.index_cast %swap3A_249 : i32 to index
        %swap3A_251 = arith.index_cast %mul3A_248 : i32 to index
        %swap3A_252 = tpu.vector_load %arg7[%swap3A_250, %swap3A_251] {strides = array<i32>} : memref<8x1024xi32, #tpu.memory_space<vmem>>, vector<16xi32>,
        tpu.vector_store %arg7[%swap3A_250, %swap3A_251], %bitcast3A_246 {strides = array<i32>} : memref<8x1024xi32, #tpu.memory_space<vmem>>, vector<16xi32>,
        %gather3A_253 = tpu.vector_load_idx %arg5[%broadcast_in_dim3A_13, %get3A_216] : memref<8x4096xf32, #tpu.memory_space<vmem>>[vector<16xi32>, vector<16xi32>], vector<16xf32>,
        %gather3A_254 = tpu.vector_load_idx %arg5[%broadcast_in_dim3A_13, %get3A_222] : memref<8x4096xf32, #tpu.memory_space<vmem>>[vector<16xi32>, vector<16xi32>], vector<16xf32>,
        %pack3A_255 = tpu.pack_subelements %gather3A_253, %gather3A_254 {pack_format = #tpu.pack_format<interleaved>, positions = array<i32: 0, 1>} : vector<16xf32>, vector<16xf32> -> vector<32xbf16>
        %bitcast3A_256 = vector.bitcast %pack3A_255 : vector<32xbf16> to vector<16xi32>
        %mul3A_257 = arith.constant 8 : i32
        %mul3A_258 = arith.muli %mul3A_212, %mul3A_257 : i32
        %swap3A_259 = arith.constant 3 : i32
        %swap3A_260 = arith.index_cast %swap3A_259 : i32 to index
        %swap3A_261 = arith.index_cast %mul3A_258 : i32 to index
        %swap3A_262 = tpu.vector_load %arg7[%swap3A_260, %swap3A_261] {strides = array<i32>} : memref<8x1024xi32, #tpu.memory_space<vmem>>, vector<16xi32>,
        tpu.vector_store %arg7[%swap3A_260, %swap3A_261], %bitcast3A_256 {strides = array<i32>} : memref<8x1024xi32, #tpu.memory_space<vmem>>, vector<16xi32>,
        %gather3A_263 = tpu.vector_load_idx %arg5[%broadcast_in_dim3A_15, %get3A_216] : memref<8x4096xf32, #tpu.memory_space<vmem>>[vector<16xi32>, vector<16xi32>], vector<16xf32>,
        %gather3A_264 = tpu.vector_load_idx %arg5[%broadcast_in_dim3A_15, %get3A_222] : memref<8x4096xf32, #tpu.memory_space<vmem>>[vector<16xi32>, vector<16xi32>], vector<16xf32>,
        %pack3A_265 = tpu.pack_subelements %gather3A_263, %gather3A_264 {pack_format = #tpu.pack_format<interleaved>, positions = array<i32: 0, 1>} : vector<16xf32>, vector<16xf32> -> vector<32xbf16>
        %bitcast3A_266 = vector.bitcast %pack3A_265 : vector<32xbf16> to vector<16xi32>
        %mul3A_267 = arith.constant 8 : i32
        %mul3A_268 = arith.muli %mul3A_212, %mul3A_267 : i32
        %swap3A_269 = arith.constant 4 : i32
        %swap3A_270 = arith.index_cast %swap3A_269 : i32 to index
        %swap3A_271 = arith.index_cast %mul3A_268 : i32 to index
        %swap3A_272 = tpu.vector_load %arg7[%swap3A_270, %swap3A_271] {strides = array<i32>} : memref<8x1024xi32, #tpu.memory_space<vmem>>, vector<16xi32>,
        tpu.vector_store %arg7[%swap3A_270, %swap3A_271], %bitcast3A_266 {strides = array<i32>} : memref<8x1024xi32, #tpu.memory_space<vmem>>, vector<16xi32>,
        %gather3A_273 = tpu.vector_load_idx %arg5[%broadcast_in_dim3A_17, %get3A_216] : memref<8x4096xf32, #tpu.memory_space<vmem>>[vector<16xi32>, vector<16xi32>], vector<16xf32>,
        %gather3A_274 = tpu.vector_load_idx %arg5[%broadcast_in_dim3A_17, %get3A_222] : memref<8x4096xf32, #tpu.memory_space<vmem>>[vector<16xi32>, vector<16xi32>], vector<16xf32>,
        %pack3A_275 = tpu.pack_subelements %gather3A_273, %gather3A_274 {pack_format = #tpu.pack_format<interleaved>, positions = array<i32: 0, 1>} : vector<16xf32>, vector<16xf32> -> vector<32xbf16>
        %bitcast3A_276 = vector.bitcast %pack3A_275 : vector<32xbf16> to vector<16xi32>
        %mul3A_277 = arith.constant 8 : i32
        %mul3A_278 = arith.muli %mul3A_212, %mul3A_277 : i32
        %swap3A_279 = arith.constant 5 : i32
        %swap3A_280 = arith.index_cast %swap3A_279 : i32 to index
        %swap3A_281 = arith.index_cast %mul3A_278 : i32 to index
        %swap3A_282 = tpu.vector_load %arg7[%swap3A_280, %swap3A_281] {strides = array<i32>} : memref<8x1024xi32, #tpu.memory_space<vmem>>, vector<16xi32>,
        tpu.vector_store %arg7[%swap3A_280, %swap3A_281], %bitcast3A_276 {strides = array<i32>} : memref<8x1024xi32, #tpu.memory_space<vmem>>, vector<16xi32>,
        %gather3A_283 = tpu.vector_load_idx %arg5[%broadcast_in_dim3A_19, %get3A_216] : memref<8x4096xf32, #tpu.memory_space<vmem>>[vector<16xi32>, vector<16xi32>], vector<16xf32>,
        %gather3A_284 = tpu.vector_load_idx %arg5[%broadcast_in_dim3A_19, %get3A_222] : memref<8x4096xf32, #tpu.memory_space<vmem>>[vector<16xi32>, vector<16xi32>], vector<16xf32>,
        %pack3A_285 = tpu.pack_subelements %gather3A_283, %gather3A_284 {pack_format = #tpu.pack_format<interleaved>, positions = array<i32: 0, 1>} : vector<16xf32>, vector<16xf32> -> vector<32xbf16>
        %bitcast3A_286 = vector.bitcast %pack3A_285 : vector<32xbf16> to vector<16xi32>
        %mul3A_287 = arith.constant 8 : i32
        %mul3A_288 = arith.muli %mul3A_212, %mul3A_287 : i32
        %swap3A_289 = arith.constant 6 : i32
        %swap3A_290 = arith.index_cast %swap3A_289 : i32 to index
        %swap3A_291 = arith.index_cast %mul3A_288 : i32 to index
        %swap3A_292 = tpu.vector_load %arg7[%swap3A_290, %swap3A_291] {strides = array<i32>} : memref<8x1024xi32, #tpu.memory_space<vmem>>, vector<16xi32>,
        tpu.vector_store %arg7[%swap3A_290, %swap3A_291], %bitcast3A_286 {strides = array<i32>} : memref<8x1024xi32, #tpu.memory_space<vmem>>, vector<16xi32>,
        %gather3A_293 = tpu.vector_load_idx %arg5[%broadcast_in_dim3A_21, %get3A_216] : memref<8x4096xf32, #tpu.memory_space<vmem>>[vector<16xi32>, vector<16xi32>], vector<16xf32>,
        %gather3A_294 = tpu.vector_load_idx %arg5[%broadcast_in_dim3A_21, %get3A_222] : memref<8x4096xf32, #tpu.memory_space<vmem>>[vector<16xi32>, vector<16xi32>], vector<16xf32>,
        %pack3A_295 = tpu.pack_subelements %gather3A_293, %gather3A_294 {pack_format = #tpu.pack_format<interleaved>, positions = array<i32: 0, 1>} : vector<16xf32>, vector<16xf32> -> vector<32xbf16>
        %bitcast3A_296 = vector.bitcast %pack3A_295 : vector<32xbf16> to vector<16xi32>
        %mul3A_297 = arith.constant 8 : i32
        %mul3A_298 = arith.muli %mul3A_212, %mul3A_297 : i32
        %swap3A_299 = arith.constant 7 : i32
        %swap3A_300 = arith.index_cast %swap3A_299 : i32 to index
        %swap3A_301 = arith.index_cast %mul3A_298 : i32 to index
        %swap3A_302 = tpu.vector_load %arg7[%swap3A_300, %swap3A_301] {strides = array<i32>} : memref<8x1024xi32, #tpu.memory_space<vmem>>, vector<16xi32>,
        tpu.vector_store %arg7[%swap3A_300, %swap3A_301], %bitcast3A_296 {strides = array<i32>} : memref<8x1024xi32, #tpu.memory_space<vmem>>, vector<16xi32>,
      }
      %scan3A_70 = arith.constant 32 : i32
      %mul3A_71 = arith.constant 8 : i32
      %mul3A_72 = arith.muli %add3A_49, %mul3A_71 : i32
      %add3A_73 = arith.addi %mul3A_6, %mul3A_72 : i32
      %dma_start3A_74 = arith.constant 0 : i32
      %dma_start3A_75 = tpu.memref_slice %arg4[%add3A_73, %dma_start3A_74] : memref<2048x1024xi32, #tpu.memory_space<hbm>> -> memref<8x1024xi32, #tpu.memory_space<hbm>>
      %dma_start3A_76 = arith.constant 0 : i32
      %dma_start3A_77 = tpu.memref_slice %arg4[%add3A_73, %dma_start3A_76] : memref<2048x1024xi32, #tpu.memory_space<hbm>> -> memref<8x1024xi32, #tpu.memory_space<hbm>>
      tpu.enqueue_dma source(%arg7 : memref<8x1024xi32, #tpu.memory_space<vmem>>) target(%dma_start3A_77 : memref<8x1024xi32, #tpu.memory_space<hbm>>) target_semaphore(%arg12 : memref<!tpu.dma_semaphore, #tpu.memory_space<semaphore_mem>>)
      %mul3A_78 = arith.constant 2 : i32
      %mul3A_79 = arith.muli %scan3A_44, %mul3A_78 : i32
      %add3A_80 = arith.constant 1 : i32
      %add3A_81 = arith.addi %mul3A_79, %add3A_80 : i32
      %add3A_82 = arith.constant 1 : i32
      %add3A_83 = arith.addi %add3A_81, %add3A_82 : i32
      %lt3A_84 = arith.constant 8 : i32
      %lt3A_85 = arith.cmpi slt, %add3A_83, %lt3A_84 : i32
      %convert_element_type3A_86 = arith.extui %lt3A_85 : i1 to i32
      %cond3A_87 = arith.constant 0 : i32
      %cond3A_88 = arith.cmpi ne, %convert_element_type3A_86, %cond3A_87 : i32
      scf.if %cond3A_88 {
        %add3A_115 = arith.constant 1 : i32
        %add3A_116 = arith.addi %add3A_81, %add3A_115 : i32
        %mul3A_117 = arith.constant 8 : i32
        %mul3A_118 = arith.muli %add3A_116, %mul3A_117 : i32
        %add3A_119 = arith.addi %add3A_4, %mul3A_118 : i32
        %dma_start3A_120 = arith.constant 0 : i32
        %dma_start3A_121 = tpu.memref_slice %arg2[%add3A_119, %dma_start3A_120] : memref<4096x4096xf32, #tpu.memory_space<hbm>> -> memref<8x4096xf32, #tpu.memory_space<hbm>>
        %dma_start3A_122 = arith.constant 0 : i32
        %dma_start3A_123 = tpu.memref_slice %arg2[%add3A_119, %dma_start3A_122] : memref<4096x4096xf32, #tpu.memory_space<hbm>> -> memref<8x4096xf32, #tpu.memory_space<hbm>>
        tpu.enqueue_dma source(%dma_start3A_123 : memref<8x4096xf32, #tpu.memory_space<hbm>>) target(%arg5 : memref<8x4096xf32, #tpu.memory_space<vmem>>) target_semaphore(%arg10 : memref<!tpu.dma_semaphore, #tpu.memory_space<semaphore_mem>>)
      } else {
      }
      %mul3A_89 = arith.constant 8 : i32
      %mul3A_90 = arith.muli %add3A_81, %mul3A_89 : i32
      %add3A_91 = arith.addi %add3A_4, %mul3A_90 : i32
      %dma_wait3A_92 = arith.constant 0 : i32
      %dma_wait3A_93 = tpu.memref_slice %arg2[%add3A_91, %dma_wait3A_92] : memref<4096x4096xf32, #tpu.memory_space<hbm>> -> memref<8x4096xf32, #tpu.memory_space<hbm>>
      %dma_wait3A_94 = arith.constant 0 : i32
      %dma_wait3A_95 = tpu.memref_slice %arg2[%add3A_91, %dma_wait3A_94] : memref<4096x4096xf32, #tpu.memory_space<hbm>> -> memref<8x4096xf32, #tpu.memory_space<hbm>>
      tpu.wait_dma2 semaphore(%arg11 : memref<!tpu.dma_semaphore, #tpu.memory_space<semaphore_mem>>) src(%dma_wait3A_95 : memref<8x4096xf32, #tpu.memory_space<hbm>>) dst(%arg6 : memref<8x4096xf32, #tpu.memory_space<vmem>>)
      %ge3A_96 = arith.constant 2 : i32
      %ge3A_97 = arith.cmpi sge, %add3A_81, %ge3A_96 : i32
      %convert_element_type3A_98 = arith.extui %ge3A_97 : i1 to i32
      %cond3A_99 = arith.constant 0 : i32
      %cond3A_100 = arith.cmpi ne, %convert_element_type3A_98, %cond3A_99 : i32
      scf.if %cond3A_100 {
        %sub3A = arith.constant 2 : i32
        %sub3A_115 = arith.subi %add3A_81, %sub3A : i32
        %mul3A_116 = arith.constant 8 : i32
        %mul3A_117 = arith.muli %sub3A_115, %mul3A_116 : i32
        %add3A_118 = arith.addi %mul3A_6, %mul3A_117 : i32
        %dma_wait3A_119 = arith.constant 0 : i32
        %dma_wait3A_120 = tpu.memref_slice %arg4[%add3A_118, %dma_wait3A_119] : memref<2048x1024xi32, #tpu.memory_space<hbm>> -> memref<8x1024xi32, #tpu.memory_space<hbm>>
        %dma_wait3A_121 = arith.constant 0 : i32
        %dma_wait3A_122 = tpu.memref_slice %arg4[%add3A_118, %dma_wait3A_121] : memref<2048x1024xi32, #tpu.memory_space<hbm>> -> memref<8x1024xi32, #tpu.memory_space<hbm>>
        tpu.wait_dma2 semaphore(%arg13 : memref<!tpu.dma_semaphore, #tpu.memory_space<semaphore_mem>>) src(%arg8 : memref<8x1024xi32, #tpu.memory_space<vmem>>) dst(%dma_wait3A_122 : memref<8x1024xi32, #tpu.memory_space<hbm>>)
      } else {
      }
      %scan3A_101 = arith.constant 0 : i32
      %scan3A_102 = arith.constant 0 : i32
      %scan3A_103 = arith.constant 32 : i32
      %scan3A_104 = arith.addi %scan3A_102, %scan3A_103 : i32
      %scan3A_105 = arith.constant 1 : i32
      scf.for %scan3A_115 = %scan3A_102 to %scan3A_104 step %scan3A_105  : i32 {
        %mul3A_116 = arith.constant 2 : i32
        %mul3A_117 = arith.muli %scan3A_115, %mul3A_116 : i32
        %add3A_118 = arith.constant 0 : i32
        %add3A_119 = arith.addi %mul3A_117, %add3A_118 : i32
        %mul3A_120 = arith.constant 2 : i32
        %mul3A_121 = arith.muli %add3A_119, %mul3A_120 : i32
        %mul3A_122 = arith.constant 16 : i32
        %mul3A_123 = arith.muli %mul3A_121, %mul3A_122 : i32
        %get3A = arith.index_cast %mul3A_123 : i32 to index
        %get3A_124 = tpu.vector_load %arg9[%get3A] {strides = array<i32>} : memref<2048xi32, #tpu.memory_space<vmem>>, vector<16xi32>,
        %add3A_125 = arith.constant 1 : i32
        %add3A_126 = arith.addi %mul3A_121, %add3A_125 : i32
        %mul3A_127 = arith.constant 16 : i32
        %mul3A_128 = arith.muli %add3A_126, %mul3A_127 : i32
        %get3A_129 = arith.index_cast %mul3A_128 : i32 to index
        %get3A_130 = tpu.vector_load %arg9[%get3A_129] {strides = array<i32>} : memref<2048xi32, #tpu.memory_space<vmem>>, vector<16xi32>,
        %gather3A = tpu.vector_load_idx %arg6[%broadcast_in_dim3A_7, %get3A_124] : memref<8x4096xf32, #tpu.memory_space<vmem>>[vector<16xi32>, vector<16xi32>], vector<16xf32>,
        %gather3A_131 = tpu.vector_load_idx %arg6[%broadcast_in_dim3A_7, %get3A_130] : memref<8x4096xf32, #tpu.memory_space<vmem>>[vector<16xi32>, vector<16xi32>], vector<16xf32>,
        %pack3A = tpu.pack_subelements %gather3A, %gather3A_131 {pack_format = #tpu.pack_format<interleaved>, positions = array<i32: 0, 1>} : vector<16xf32>, vector<16xf32> -> vector<32xbf16>
        %bitcast3A = vector.bitcast %pack3A : vector<32xbf16> to vector<16xi32>
        %mul3A_132 = arith.constant 8 : i32
        %mul3A_133 = arith.muli %mul3A_121, %mul3A_132 : i32
        %swap3A = arith.constant 0 : i32
        %swap3A_134 = arith.index_cast %swap3A : i32 to index
        %swap3A_135 = arith.index_cast %mul3A_133 : i32 to index
        %swap3A_136 = tpu.vector_load %arg8[%swap3A_134, %swap3A_135] {strides = array<i32>} : memref<8x1024xi32, #tpu.memory_space<vmem>>, vector<16xi32>,
        tpu.vector_store %arg8[%swap3A_134, %swap3A_135], %bitcast3A {strides = array<i32>} : memref<8x1024xi32, #tpu.memory_space<vmem>>, vector<16xi32>,
        %gather3A_137 = tpu.vector_load_idx %arg6[%broadcast_in_dim3A_9, %get3A_124] : memref<8x4096xf32, #tpu.memory_space<vmem>>[vector<16xi32>, vector<16xi32>], vector<16xf32>,
        %gather3A_138 = tpu.vector_load_idx %arg6[%broadcast_in_dim3A_9, %get3A_130] : memref<8x4096xf32, #tpu.memory_space<vmem>>[vector<16xi32>, vector<16xi32>], vector<16xf32>,
        %pack3A_139 = tpu.pack_subelements %gather3A_137, %gather3A_138 {pack_format = #tpu.pack_format<interleaved>, positions = array<i32: 0, 1>} : vector<16xf32>, vector<16xf32> -> vector<32xbf16>
        %bitcast3A_140 = vector.bitcast %pack3A_139 : vector<32xbf16> to vector<16xi32>
        %mul3A_141 = arith.constant 8 : i32
        %mul3A_142 = arith.muli %mul3A_121, %mul3A_141 : i32
        %swap3A_143 = arith.constant 1 : i32
        %swap3A_144 = arith.index_cast %swap3A_143 : i32 to index
        %swap3A_145 = arith.index_cast %mul3A_142 : i32 to index
        %swap3A_146 = tpu.vector_load %arg8[%swap3A_144, %swap3A_145] {strides = array<i32>} : memref<8x1024xi32, #tpu.memory_space<vmem>>, vector<16xi32>,
        tpu.vector_store %arg8[%swap3A_144, %swap3A_145], %bitcast3A_140 {strides = array<i32>} : memref<8x1024xi32, #tpu.memory_space<vmem>>, vector<16xi32>,
        %gather3A_147 = tpu.vector_load_idx %arg6[%broadcast_in_dim3A_11, %get3A_124] : memref<8x4096xf32, #tpu.memory_space<vmem>>[vector<16xi32>, vector<16xi32>], vector<16xf32>,
        %gather3A_148 = tpu.vector_load_idx %arg6[%broadcast_in_dim3A_11, %get3A_130] : memref<8x4096xf32, #tpu.memory_space<vmem>>[vector<16xi32>, vector<16xi32>], vector<16xf32>,
        %pack3A_149 = tpu.pack_subelements %gather3A_147, %gather3A_148 {pack_format = #tpu.pack_format<interleaved>, positions = array<i32: 0, 1>} : vector<16xf32>, vector<16xf32> -> vector<32xbf16>
        %bitcast3A_150 = vector.bitcast %pack3A_149 : vector<32xbf16> to vector<16xi32>
        %mul3A_151 = arith.constant 8 : i32
        %mul3A_152 = arith.muli %mul3A_121, %mul3A_151 : i32
        %swap3A_153 = arith.constant 2 : i32
        %swap3A_154 = arith.index_cast %swap3A_153 : i32 to index
        %swap3A_155 = arith.index_cast %mul3A_152 : i32 to index
        %swap3A_156 = tpu.vector_load %arg8[%swap3A_154, %swap3A_155] {strides = array<i32>} : memref<8x1024xi32, #tpu.memory_space<vmem>>, vector<16xi32>,
        tpu.vector_store %arg8[%swap3A_154, %swap3A_155], %bitcast3A_150 {strides = array<i32>} : memref<8x1024xi32, #tpu.memory_space<vmem>>, vector<16xi32>,
        %gather3A_157 = tpu.vector_load_idx %arg6[%broadcast_in_dim3A_13, %get3A_124] : memref<8x4096xf32, #tpu.memory_space<vmem>>[vector<16xi32>, vector<16xi32>], vector<16xf32>,
        %gather3A_158 = tpu.vector_load_idx %arg6[%broadcast_in_dim3A_13, %get3A_130] : memref<8x4096xf32, #tpu.memory_space<vmem>>[vector<16xi32>, vector<16xi32>], vector<16xf32>,
        %pack3A_159 = tpu.pack_subelements %gather3A_157, %gather3A_158 {pack_format = #tpu.pack_format<interleaved>, positions = array<i32: 0, 1>} : vector<16xf32>, vector<16xf32> -> vector<32xbf16>
        %bitcast3A_160 = vector.bitcast %pack3A_159 : vector<32xbf16> to vector<16xi32>
        %mul3A_161 = arith.constant 8 : i32
        %mul3A_162 = arith.muli %mul3A_121, %mul3A_161 : i32
        %swap3A_163 = arith.constant 3 : i32
        %swap3A_164 = arith.index_cast %swap3A_163 : i32 to index
        %swap3A_165 = arith.index_cast %mul3A_162 : i32 to index
        %swap3A_166 = tpu.vector_load %arg8[%swap3A_164, %swap3A_165] {strides = array<i32>} : memref<8x1024xi32, #tpu.memory_space<vmem>>, vector<16xi32>,
        tpu.vector_store %arg8[%swap3A_164, %swap3A_165], %bitcast3A_160 {strides = array<i32>} : memref<8x1024xi32, #tpu.memory_space<vmem>>, vector<16xi32>,
        %gather3A_167 = tpu.vector_load_idx %arg6[%broadcast_in_dim3A_15, %get3A_124] : memref<8x4096xf32, #tpu.memory_space<vmem>>[vector<16xi32>, vector<16xi32>], vector<16xf32>,
        %gather3A_168 = tpu.vector_load_idx %arg6[%broadcast_in_dim3A_15, %get3A_130] : memref<8x4096xf32, #tpu.memory_space<vmem>>[vector<16xi32>, vector<16xi32>], vector<16xf32>,
        %pack3A_169 = tpu.pack_subelements %gather3A_167, %gather3A_168 {pack_format = #tpu.pack_format<interleaved>, positions = array<i32: 0, 1>} : vector<16xf32>, vector<16xf32> -> vector<32xbf16>
        %bitcast3A_170 = vector.bitcast %pack3A_169 : vector<32xbf16> to vector<16xi32>
        %mul3A_171 = arith.constant 8 : i32
        %mul3A_172 = arith.muli %mul3A_121, %mul3A_171 : i32
        %swap3A_173 = arith.constant 4 : i32
        %swap3A_174 = arith.index_cast %swap3A_173 : i32 to index
        %swap3A_175 = arith.index_cast %mul3A_172 : i32 to index
        %swap3A_176 = tpu.vector_load %arg8[%swap3A_174, %swap3A_175] {strides = array<i32>} : memref<8x1024xi32, #tpu.memory_space<vmem>>, vector<16xi32>,
        tpu.vector_store %arg8[%swap3A_174, %swap3A_175], %bitcast3A_170 {strides = array<i32>} : memref<8x1024xi32, #tpu.memory_space<vmem>>, vector<16xi32>,
        %gather3A_177 = tpu.vector_load_idx %arg6[%broadcast_in_dim3A_17, %get3A_124] : memref<8x4096xf32, #tpu.memory_space<vmem>>[vector<16xi32>, vector<16xi32>], vector<16xf32>,
        %gather3A_178 = tpu.vector_load_idx %arg6[%broadcast_in_dim3A_17, %get3A_130] : memref<8x4096xf32, #tpu.memory_space<vmem>>[vector<16xi32>, vector<16xi32>], vector<16xf32>,
        %pack3A_179 = tpu.pack_subelements %gather3A_177, %gather3A_178 {pack_format = #tpu.pack_format<interleaved>, positions = array<i32: 0, 1>} : vector<16xf32>, vector<16xf32> -> vector<32xbf16>
        %bitcast3A_180 = vector.bitcast %pack3A_179 : vector<32xbf16> to vector<16xi32>
        %mul3A_181 = arith.constant 8 : i32
        %mul3A_182 = arith.muli %mul3A_121, %mul3A_181 : i32
        %swap3A_183 = arith.constant 5 : i32
        %swap3A_184 = arith.index_cast %swap3A_183 : i32 to index
        %swap3A_185 = arith.index_cast %mul3A_182 : i32 to index
        %swap3A_186 = tpu.vector_load %arg8[%swap3A_184, %swap3A_185] {strides = array<i32>} : memref<8x1024xi32, #tpu.memory_space<vmem>>, vector<16xi32>,
        tpu.vector_store %arg8[%swap3A_184, %swap3A_185], %bitcast3A_180 {strides = array<i32>} : memref<8x1024xi32, #tpu.memory_space<vmem>>, vector<16xi32>,
        %gather3A_187 = tpu.vector_load_idx %arg6[%broadcast_in_dim3A_19, %get3A_124] : memref<8x4096xf32, #tpu.memory_space<vmem>>[vector<16xi32>, vector<16xi32>], vector<16xf32>,
        %gather3A_188 = tpu.vector_load_idx %arg6[%broadcast_in_dim3A_19, %get3A_130] : memref<8x4096xf32, #tpu.memory_space<vmem>>[vector<16xi32>, vector<16xi32>], vector<16xf32>,
        %pack3A_189 = tpu.pack_subelements %gather3A_187, %gather3A_188 {pack_format = #tpu.pack_format<interleaved>, positions = array<i32: 0, 1>} : vector<16xf32>, vector<16xf32> -> vector<32xbf16>
        %bitcast3A_190 = vector.bitcast %pack3A_189 : vector<32xbf16> to vector<16xi32>
        %mul3A_191 = arith.constant 8 : i32
        %mul3A_192 = arith.muli %mul3A_121, %mul3A_191 : i32
        %swap3A_193 = arith.constant 6 : i32
        %swap3A_194 = arith.index_cast %swap3A_193 : i32 to index
        %swap3A_195 = arith.index_cast %mul3A_192 : i32 to index
        %swap3A_196 = tpu.vector_load %arg8[%swap3A_194, %swap3A_195] {strides = array<i32>} : memref<8x1024xi32, #tpu.memory_space<vmem>>, vector<16xi32>,
        tpu.vector_store %arg8[%swap3A_194, %swap3A_195], %bitcast3A_190 {strides = array<i32>} : memref<8x1024xi32, #tpu.memory_space<vmem>>, vector<16xi32>,
        %gather3A_197 = tpu.vector_load_idx %arg6[%broadcast_in_dim3A_21, %get3A_124] : memref<8x4096xf32, #tpu.memory_space<vmem>>[vector<16xi32>, vector<16xi32>], vector<16xf32>,
        %gather3A_198 = tpu.vector_load_idx %arg6[%broadcast_in_dim3A_21, %get3A_130] : memref<8x4096xf32, #tpu.memory_space<vmem>>[vector<16xi32>, vector<16xi32>], vector<16xf32>,
        %pack3A_199 = tpu.pack_subelements %gather3A_197, %gather3A_198 {pack_format = #tpu.pack_format<interleaved>, positions = array<i32: 0, 1>} : vector<16xf32>, vector<16xf32> -> vector<32xbf16>
        %bitcast3A_200 = vector.bitcast %pack3A_199 : vector<32xbf16> to vector<16xi32>
        %mul3A_201 = arith.constant 8 : i32
        %mul3A_202 = arith.muli %mul3A_121, %mul3A_201 : i32
        %swap3A_203 = arith.constant 7 : i32
        %swap3A_204 = arith.index_cast %swap3A_203 : i32 to index
        %swap3A_205 = arith.index_cast %mul3A_202 : i32 to index
        %swap3A_206 = tpu.vector_load %arg8[%swap3A_204, %swap3A_205] {strides = array<i32>} : memref<8x1024xi32, #tpu.memory_space<vmem>>, vector<16xi32>,
        tpu.vector_store %arg8[%swap3A_204, %swap3A_205], %bitcast3A_200 {strides = array<i32>} : memref<8x1024xi32, #tpu.memory_space<vmem>>, vector<16xi32>,
        %mul3A_207 = arith.constant 2 : i32
        %mul3A_208 = arith.muli %scan3A_115, %mul3A_207 : i32
        %add3A_209 = arith.constant 1 : i32
        %add3A_210 = arith.addi %mul3A_208, %add3A_209 : i32
        %mul3A_211 = arith.constant 2 : i32
        %mul3A_212 = arith.muli %add3A_210, %mul3A_211 : i32
        %mul3A_213 = arith.constant 16 : i32
        %mul3A_214 = arith.muli %mul3A_212, %mul3A_213 : i32
        %get3A_215 = arith.index_cast %mul3A_214 : i32 to index
        %get3A_216 = tpu.vector_load %arg9[%get3A_215] {strides = array<i32>} : memref<2048xi32, #tpu.memory_space<vmem>>, vector<16xi32>,
        %add3A_217 = arith.constant 1 : i32
        %add3A_218 = arith.addi %mul3A_212, %add3A_217 : i32
        %mul3A_219 = arith.constant 16 : i32
        %mul3A_220 = arith.muli %add3A_218, %mul3A_219 : i32
        %get3A_221 = arith.index_cast %mul3A_220 : i32 to index
        %get3A_222 = tpu.vector_load %arg9[%get3A_221] {strides = array<i32>} : memref<2048xi32, #tpu.memory_space<vmem>>, vector<16xi32>,
        %gather3A_223 = tpu.vector_load_idx %arg6[%broadcast_in_dim3A_7, %get3A_216] : memref<8x4096xf32, #tpu.memory_space<vmem>>[vector<16xi32>, vector<16xi32>], vector<16xf32>,
        %gather3A_224 = tpu.vector_load_idx %arg6[%broadcast_in_dim3A_7, %get3A_222] : memref<8x4096xf32, #tpu.memory_space<vmem>>[vector<16xi32>, vector<16xi32>], vector<16xf32>,
        %pack3A_225 = tpu.pack_subelements %gather3A_223, %gather3A_224 {pack_format = #tpu.pack_format<interleaved>, positions = array<i32: 0, 1>} : vector<16xf32>, vector<16xf32> -> vector<32xbf16>
        %bitcast3A_226 = vector.bitcast %pack3A_225 : vector<32xbf16> to vector<16xi32>
        %mul3A_227 = arith.constant 8 : i32
        %mul3A_228 = arith.muli %mul3A_212, %mul3A_227 : i32
        %swap3A_229 = arith.constant 0 : i32
        %swap3A_230 = arith.index_cast %swap3A_229 : i32 to index
        %swap3A_231 = arith.index_cast %mul3A_228 : i32 to index
        %swap3A_232 = tpu.vector_load %arg8[%swap3A_230, %swap3A_231] {strides = array<i32>} : memref<8x1024xi32, #tpu.memory_space<vmem>>, vector<16xi32>,
        tpu.vector_store %arg8[%swap3A_230, %swap3A_231], %bitcast3A_226 {strides = array<i32>} : memref<8x1024xi32, #tpu.memory_space<vmem>>, vector<16xi32>,
        %gather3A_233 = tpu.vector_load_idx %arg6[%broadcast_in_dim3A_9, %get3A_216] : memref<8x4096xf32, #tpu.memory_space<vmem>>[vector<16xi32>, vector<16xi32>], vector<16xf32>,
        %gather3A_234 = tpu.vector_load_idx %arg6[%broadcast_in_dim3A_9, %get3A_222] : memref<8x4096xf32, #tpu.memory_space<vmem>>[vector<16xi32>, vector<16xi32>], vector<16xf32>,
        %pack3A_235 = tpu.pack_subelements %gather3A_233, %gather3A_234 {pack_format = #tpu.pack_format<interleaved>, positions = array<i32: 0, 1>} : vector<16xf32>, vector<16xf32> -> vector<32xbf16>
        %bitcast3A_236 = vector.bitcast %pack3A_235 : vector<32xbf16> to vector<16xi32>
        %mul3A_237 = arith.constant 8 : i32
        %mul3A_238 = arith.muli %mul3A_212, %mul3A_237 : i32
        %swap3A_239 = arith.constant 1 : i32
        %swap3A_240 = arith.index_cast %swap3A_239 : i32 to index
        %swap3A_241 = arith.index_cast %mul3A_238 : i32 to index
        %swap3A_242 = tpu.vector_load %arg8[%swap3A_240, %swap3A_241] {strides = array<i32>} : memref<8x1024xi32, #tpu.memory_space<vmem>>, vector<16xi32>,
        tpu.vector_store %arg8[%swap3A_240, %swap3A_241], %bitcast3A_236 {strides = array<i32>} : memref<8x1024xi32, #tpu.memory_space<vmem>>, vector<16xi32>,
        %gather3A_243 = tpu.vector_load_idx %arg6[%broadcast_in_dim3A_11, %get3A_216] : memref<8x4096xf32, #tpu.memory_space<vmem>>[vector<16xi32>, vector<16xi32>], vector<16xf32>,
        %gather3A_244 = tpu.vector_load_idx %arg6[%broadcast_in_dim3A_11, %get3A_222] : memref<8x4096xf32, #tpu.memory_space<vmem>>[vector<16xi32>, vector<16xi32>], vector<16xf32>,
        %pack3A_245 = tpu.pack_subelements %gather3A_243, %gather3A_244 {pack_format = #tpu.pack_format<interleaved>, positions = array<i32: 0, 1>} : vector<16xf32>, vector<16xf32> -> vector<32xbf16>
        %bitcast3A_246 = vector.bitcast %pack3A_245 : vector<32xbf16> to vector<16xi32>
        %mul3A_247 = arith.constant 8 : i32
        %mul3A_248 = arith.muli %mul3A_212, %mul3A_247 : i32
        %swap3A_249 = arith.constant 2 : i32
        %swap3A_250 = arith.index_cast %swap3A_249 : i32 to index
        %swap3A_251 = arith.index_cast %mul3A_248 : i32 to index
        %swap3A_252 = tpu.vector_load %arg8[%swap3A_250, %swap3A_251] {strides = array<i32>} : memref<8x1024xi32, #tpu.memory_space<vmem>>, vector<16xi32>,
        tpu.vector_store %arg8[%swap3A_250, %swap3A_251], %bitcast3A_246 {strides = array<i32>} : memref<8x1024xi32, #tpu.memory_space<vmem>>, vector<16xi32>,
        %gather3A_253 = tpu.vector_load_idx %arg6[%broadcast_in_dim3A_13, %get3A_216] : memref<8x4096xf32, #tpu.memory_space<vmem>>[vector<16xi32>, vector<16xi32>], vector<16xf32>,
        %gather3A_254 = tpu.vector_load_idx %arg6[%broadcast_in_dim3A_13, %get3A_222] : memref<8x4096xf32, #tpu.memory_space<vmem>>[vector<16xi32>, vector<16xi32>], vector<16xf32>,
        %pack3A_255 = tpu.pack_subelements %gather3A_253, %gather3A_254 {pack_format = #tpu.pack_format<interleaved>, positions = array<i32: 0, 1>} : vector<16xf32>, vector<16xf32> -> vector<32xbf16>
        %bitcast3A_256 = vector.bitcast %pack3A_255 : vector<32xbf16> to vector<16xi32>
        %mul3A_257 = arith.constant 8 : i32
        %mul3A_258 = arith.muli %mul3A_212, %mul3A_257 : i32
        %swap3A_259 = arith.constant 3 : i32
        %swap3A_260 = arith.index_cast %swap3A_259 : i32 to index
        %swap3A_261 = arith.index_cast %mul3A_258 : i32 to index
        %swap3A_262 = tpu.vector_load %arg8[%swap3A_260, %swap3A_261] {strides = array<i32>} : memref<8x1024xi32, #tpu.memory_space<vmem>>, vector<16xi32>,
        tpu.vector_store %arg8[%swap3A_260, %swap3A_261], %bitcast3A_256 {strides = array<i32>} : memref<8x1024xi32, #tpu.memory_space<vmem>>, vector<16xi32>,
        %gather3A_263 = tpu.vector_load_idx %arg6[%broadcast_in_dim3A_15, %get3A_216] : memref<8x4096xf32, #tpu.memory_space<vmem>>[vector<16xi32>, vector<16xi32>], vector<16xf32>,
        %gather3A_264 = tpu.vector_load_idx %arg6[%broadcast_in_dim3A_15, %get3A_222] : memref<8x4096xf32, #tpu.memory_space<vmem>>[vector<16xi32>, vector<16xi32>], vector<16xf32>,
        %pack3A_265 = tpu.pack_subelements %gather3A_263, %gather3A_264 {pack_format = #tpu.pack_format<interleaved>, positions = array<i32: 0, 1>} : vector<16xf32>, vector<16xf32> -> vector<32xbf16>
        %bitcast3A_266 = vector.bitcast %pack3A_265 : vector<32xbf16> to vector<16xi32>
        %mul3A_267 = arith.constant 8 : i32
        %mul3A_268 = arith.muli %mul3A_212, %mul3A_267 : i32
        %swap3A_269 = arith.constant 4 : i32
        %swap3A_270 = arith.index_cast %swap3A_269 : i32 to index
        %swap3A_271 = arith.index_cast %mul3A_268 : i32 to index
        %swap3A_272 = tpu.vector_load %arg8[%swap3A_270, %swap3A_271] {strides = array<i32>} : memref<8x1024xi32, #tpu.memory_space<vmem>>, vector<16xi32>,
        tpu.vector_store %arg8[%swap3A_270, %swap3A_271], %bitcast3A_266 {strides = array<i32>} : memref<8x1024xi32, #tpu.memory_space<vmem>>, vector<16xi32>,
        %gather3A_273 = tpu.vector_load_idx %arg6[%broadcast_in_dim3A_17, %get3A_216] : memref<8x4096xf32, #tpu.memory_space<vmem>>[vector<16xi32>, vector<16xi32>], vector<16xf32>,
        %gather3A_274 = tpu.vector_load_idx %arg6[%broadcast_in_dim3A_17, %get3A_222] : memref<8x4096xf32, #tpu.memory_space<vmem>>[vector<16xi32>, vector<16xi32>], vector<16xf32>,
        %pack3A_275 = tpu.pack_subelements %gather3A_273, %gather3A_274 {pack_format = #tpu.pack_format<interleaved>, positions = array<i32: 0, 1>} : vector<16xf32>, vector<16xf32> -> vector<32xbf16>
        %bitcast3A_276 = vector.bitcast %pack3A_275 : vector<32xbf16> to vector<16xi32>
        %mul3A_277 = arith.constant 8 : i32
        %mul3A_278 = arith.muli %mul3A_212, %mul3A_277 : i32
        %swap3A_279 = arith.constant 5 : i32
        %swap3A_280 = arith.index_cast %swap3A_279 : i32 to index
        %swap3A_281 = arith.index_cast %mul3A_278 : i32 to index
        %swap3A_282 = tpu.vector_load %arg8[%swap3A_280, %swap3A_281] {strides = array<i32>} : memref<8x1024xi32, #tpu.memory_space<vmem>>, vector<16xi32>,
        tpu.vector_store %arg8[%swap3A_280, %swap3A_281], %bitcast3A_276 {strides = array<i32>} : memref<8x1024xi32, #tpu.memory_space<vmem>>, vector<16xi32>,
        %gather3A_283 = tpu.vector_load_idx %arg6[%broadcast_in_dim3A_19, %get3A_216] : memref<8x4096xf32, #tpu.memory_space<vmem>>[vector<16xi32>, vector<16xi32>], vector<16xf32>,
        %gather3A_284 = tpu.vector_load_idx %arg6[%broadcast_in_dim3A_19, %get3A_222] : memref<8x4096xf32, #tpu.memory_space<vmem>>[vector<16xi32>, vector<16xi32>], vector<16xf32>,
        %pack3A_285 = tpu.pack_subelements %gather3A_283, %gather3A_284 {pack_format = #tpu.pack_format<interleaved>, positions = array<i32: 0, 1>} : vector<16xf32>, vector<16xf32> -> vector<32xbf16>
        %bitcast3A_286 = vector.bitcast %pack3A_285 : vector<32xbf16> to vector<16xi32>
        %mul3A_287 = arith.constant 8 : i32
        %mul3A_288 = arith.muli %mul3A_212, %mul3A_287 : i32
        %swap3A_289 = arith.constant 6 : i32
        %swap3A_290 = arith.index_cast %swap3A_289 : i32 to index
        %swap3A_291 = arith.index_cast %mul3A_288 : i32 to index
        %swap3A_292 = tpu.vector_load %arg8[%swap3A_290, %swap3A_291] {strides = array<i32>} : memref<8x1024xi32, #tpu.memory_space<vmem>>, vector<16xi32>,
        tpu.vector_store %arg8[%swap3A_290, %swap3A_291], %bitcast3A_286 {strides = array<i32>} : memref<8x1024xi32, #tpu.memory_space<vmem>>, vector<16xi32>,
        %gather3A_293 = tpu.vector_load_idx %arg6[%broadcast_in_dim3A_21, %get3A_216] : memref<8x4096xf32, #tpu.memory_space<vmem>>[vector<16xi32>, vector<16xi32>], vector<16xf32>,
        %gather3A_294 = tpu.vector_load_idx %arg6[%broadcast_in_dim3A_21, %get3A_222] : memref<8x4096xf32, #tpu.memory_space<vmem>>[vector<16xi32>, vector<16xi32>], vector<16xf32>,
        %pack3A_295 = tpu.pack_subelements %gather3A_293, %gather3A_294 {pack_format = #tpu.pack_format<interleaved>, positions = array<i32: 0, 1>} : vector<16xf32>, vector<16xf32> -> vector<32xbf16>
        %bitcast3A_296 = vector.bitcast %pack3A_295 : vector<32xbf16> to vector<16xi32>
        %mul3A_297 = arith.constant 8 : i32
        %mul3A_298 = arith.muli %mul3A_212, %mul3A_297 : i32
        %swap3A_299 = arith.constant 7 : i32
        %swap3A_300 = arith.index_cast %swap3A_299 : i32 to index
        %swap3A_301 = arith.index_cast %mul3A_298 : i32 to index
        %swap3A_302 = tpu.vector_load %arg8[%swap3A_300, %swap3A_301] {strides = array<i32>} : memref<8x1024xi32, #tpu.memory_space<vmem>>, vector<16xi32>,
        tpu.vector_store %arg8[%swap3A_300, %swap3A_301], %bitcast3A_296 {strides = array<i32>} : memref<8x1024xi32, #tpu.memory_space<vmem>>, vector<16xi32>,
      }
      %scan3A_106 = arith.constant 32 : i32
      %mul3A_107 = arith.constant 8 : i32
      %mul3A_108 = arith.muli %add3A_81, %mul3A_107 : i32
      %add3A_109 = arith.addi %mul3A_6, %mul3A_108 : i32
      %dma_start3A_110 = arith.constant 0 : i32
      %dma_start3A_111 = tpu.memref_slice %arg4[%add3A_109, %dma_start3A_110] : memref<2048x1024xi32, #tpu.memory_space<hbm>> -> memref<8x1024xi32, #tpu.memory_space<hbm>>
      %dma_start3A_112 = arith.constant 0 : i32
      %dma_start3A_113 = tpu.memref_slice %arg4[%add3A_109, %dma_start3A_112] : memref<2048x1024xi32, #tpu.memory_space<hbm>> -> memref<8x1024xi32, #tpu.memory_space<hbm>>
      tpu.enqueue_dma source(%arg8 : memref<8x1024xi32, #tpu.memory_space<vmem>>) target(%dma_start3A_113 : memref<8x1024xi32, #tpu.memory_space<hbm>>) target_semaphore(%arg13 : memref<!tpu.dma_semaphore, #tpu.memory_space<semaphore_mem>>)
      %scan3A_114 = arith.constant 0 : i32
      scf.yield %scan3A_114 : i32
    }
    %scan3A_32 = arith.constant 4 : i32
    %add3A_33 = arith.constant 48 : i32
    %add3A_34 = arith.addi %mul3A_6, %add3A_33 : i32
    %dma_wait3A = arith.constant 0 : i32
    %dma_wait3A_35 = tpu.memref_slice %arg4[%add3A_34, %dma_wait3A] : memref<2048x1024xi32, #tpu.memory_space<hbm>> -> memref<8x1024xi32, #tpu.memory_space<hbm>>
    %dma_wait3A_36 = arith.constant 0 : i32
    %dma_wait3A_37 = tpu.memref_slice %arg4[%add3A_34, %dma_wait3A_36] : memref<2048x1024xi32, #tpu.memory_space<hbm>> -> memref<8x1024xi32, #tpu.memory_space<hbm>>
    tpu.wait_dma2 semaphore(%arg12 : memref<!tpu.dma_semaphore, #tpu.memory_space<semaphore_mem>>) src(%arg7 : memref<8x1024xi32, #tpu.memory_space<vmem>>) dst(%dma_wait3A_37 : memref<8x1024xi32, #tpu.memory_space<hbm>>)
    %add3A_38 = arith.constant 56 : i32
    %add3A_39 = arith.addi %mul3A_6, %add3A_38 : i32
    %dma_wait3A_40 = arith.constant 0 : i32
    %dma_wait3A_41 = tpu.memref_slice %arg4[%add3A_39, %dma_wait3A_40] : memref<2048x1024xi32, #tpu.memory_space<hbm>> -> memref<8x1024xi32, #tpu.memory_space<hbm>>
    %dma_wait3A_42 = arith.constant 0 : i32
    %dma_wait3A_43 = tpu.memref_slice %arg4[%add3A_39, %dma_wait3A_42] : memref<2048x1024xi32, #tpu.memory_space<hbm>> -> memref<8x1024xi32, #tpu.memory_space<hbm>>
    tpu.wait_dma2 semaphore(%arg13 : memref<!tpu.dma_semaphore, #tpu.memory_space<semaphore_mem>>) src(%arg8 : memref<8x1024xi32, #tpu.memory_space<vmem>>) dst(%dma_wait3A_43 : memref<8x1024xi32, #tpu.memory_space<hbm>>)
    return
  }
}

module attributes {stable_mosaic.version = 14 : i64} {
  func.func @_prep_body(%arg0: i32, %arg1: memref<8x4096x4xf32, #tpu.memory_space<vmem>>, %arg2: memref<512x4096xf32, #tpu.memory_space<vmem>>, %arg3: memref<4096x8xf32, #tpu.memory_space<vmem>>, %arg4: memref<4096x8xf32, #tpu.memory_space<vmem>>, %arg5: memref<1x8xf32, #tpu.memory_space<vmem>>, %arg6: memref<1x1xf32, #tpu.memory_space<smem>>) attributes {dimension_semantics = [#tpu.dimension_semantics<arbitrary>], iteration_bounds = array<i64: 8>, scalar_prefetch = 0 : i64, scratch_operands = 0 : i64, tpu.core_type = #tpu.core_type<tc>, window_params = [{pipeline_mode = #tpu.pipeline_mode<synchronous>, transform_indices = @transform_0, window_bounds = array<i64: 8, 4096, 4>}, {transform_indices = @transform_1, window_bounds = array<i64: 512, 4096>}, {pipeline_mode = #tpu.pipeline_mode<synchronous>, transform_indices = @transform_2, window_bounds = array<i64: 4096, 8>}, {pipeline_mode = #tpu.pipeline_mode<synchronous>, transform_indices = @transform_3, window_bounds = array<i64: 4096, 8>}, {pipeline_mode = #tpu.pipeline_mode<synchronous>, transform_indices = @transform_4, window_bounds = array<i64: 1, 8>}, {transform_indices = @transform_5, window_bounds = array<i64: 1, 1>}]} {
    %get3A = arith.constant 0 : index
    %get3A_0 = arith.constant 0 : index
    %get3A_1 = vector.load %arg2[%get3A, %get3A_0] : memref<512x4096xf32, #tpu.memory_space<vmem>>, vector<512x4096xf32>
    %reduce_max3A = vector.shape_cast %get3A_1 : vector<512x4096xf32> to vector<1x512x4096xf32>
    %reduce_max3A_2 = arith.constant dense<0xFF800000> : vector<1xf32>
    %reduce_max3A_3 = vector.multi_reduction <maximumf>, %reduce_max3A, %reduce_max3A_2 [1, 2] : vector<1x512x4096xf32> to vector<1xf32>
    %reduce_max3A_4 = vector.shape_cast %reduce_max3A_3 : vector<1xf32> to vector<1x1x1xf32>
    %reduce_max3A_5 = vector.extract %reduce_max3A_4[0, 0, 0] : f32 from vector<1x1x1xf32>
    %eq3A = arith.constant 0 : i32
    %eq3A_6 = arith.cmpi eq, %arg0, %eq3A : i32
    %get3A_7 = arith.constant 0 : index
    %get3A_8 = arith.constant 0 : index
    %get3A_9 = memref.load %arg6[%get3A_7, %get3A_8] : memref<1x1xf32, #tpu.memory_space<smem>>
    %jit3A = arith.constant 0xFF800000 : f32
    %select_n3A = arith.select %eq3A_6, %jit3A, %get3A_9 : f32
    %max3A = arith.maximumf %select_n3A, %reduce_max3A_5 : f32
    %swap3A = arith.constant 0 : index
    %swap3A_10 = arith.constant 0 : index
    %swap3A_11 = memref.load %arg6[%swap3A, %swap3A_10] : memref<1x1xf32, #tpu.memory_space<smem>>
    memref.store %max3A, %arg6[%swap3A, %swap3A_10] : memref<1x1xf32, #tpu.memory_space<smem>>
    %eq3A_12 = arith.constant 7 : i32
    %eq3A_13 = arith.cmpi eq, %arg0, %eq3A_12 : i32
    %convert_element_type3A = arith.extui %eq3A_13 : i1 to i32
    %cond3A = arith.constant 0 : i32
    %cond3A_14 = arith.cmpi ne, %convert_element_type3A, %cond3A : i32
    scf.if %cond3A_14 {
      %get3A_15 = arith.constant 0 : index
      %get3A_16 = arith.constant 0 : index
      %get3A_17 = arith.constant 0 : index
      %get3A_18 = vector.load %arg1[%get3A_15, %get3A_16, %get3A_17] : memref<8x4096x4xf32, #tpu.memory_space<vmem>>, vector<8x4096x4xf32>
      %get3A_19 = arith.constant 0 : index
      %get3A_20 = arith.constant 0 : index
      %get3A_21 = arith.constant 0 : index
      %get3A_22 = vector.load %arg1[%get3A_19, %get3A_20, %get3A_21] : memref<8x4096x4xf32, #tpu.memory_space<vmem>>, vector<8x4096x4xf32>
      %mul3A = arith.mulf %get3A_18, %get3A_22 : vector<8x4096x4xf32>
      %reduce_sum3A = arith.constant dense<0.000000e+00> : vector<8x4096xf32>
      %reduce_sum3A_23 = vector.multi_reduction <add>, %mul3A, %reduce_sum3A [2] : vector<8x4096x4xf32> to vector<8x4096xf32>
      %sqrt3A = math.sqrt %reduce_sum3A_23 : vector<8x4096xf32>
      %reduce_max3A_24 = arith.constant dense<0xFF800000> : vector<8xf32>
      %reduce_max3A_25 = vector.multi_reduction <maximumf>, %sqrt3A, %reduce_max3A_24 [1] : vector<8x4096xf32> to vector<8xf32>
      %broadcast_in_dim3A = vector.shape_cast %reduce_max3A_25 : vector<8xf32> to vector<8x1xf32>
      %div3A = vector.broadcast %broadcast_in_dim3A : vector<8x1xf32> to vector<8x4096xf32>
      %div3A_26 = arith.divf %sqrt3A, %div3A : vector<8x4096xf32>
      %transpose3A = tpu.transpose %div3A_26, [1, 0] : vector<8x4096xf32> -> vector<4096x8xf32>
      %swap3A_27 = arith.constant 0 : index
      %swap3A_28 = arith.constant 0 : index
      %swap3A_29 = vector.load %arg3[%swap3A_27, %swap3A_28] : memref<4096x8xf32, #tpu.memory_space<vmem>>, vector<4096x8xf32>
      tpu.vector_store %arg3[%swap3A_27, %swap3A_28], %transpose3A {strides = array<i32>} : memref<4096x8xf32, #tpu.memory_space<vmem>>, vector<4096x8xf32>,
      %sub3A = arith.constant 1.000000e+00 : f32
      %sub3A_30 = vector.broadcast %sub3A : f32 to vector<4096x8xf32>
      %sub3A_31 = arith.subf %sub3A_30, %transpose3A : vector<4096x8xf32>
      %mul3A_32 = vector.broadcast %max3A : f32 to vector<4096x8xf32>
      %mul3A_33 = arith.mulf %sub3A_31, %mul3A_32 : vector<4096x8xf32>
      %add3A = arith.constant 9.99999997E-7 : f32
      %add3A_34 = vector.broadcast %add3A : f32 to vector<4096x8xf32>
      %add3A_35 = arith.addf %mul3A_33, %add3A_34 : vector<4096x8xf32>
      %swap3A_36 = arith.constant 0 : index
      %swap3A_37 = arith.constant 0 : index
      %swap3A_38 = vector.load %arg4[%swap3A_36, %swap3A_37] : memref<4096x8xf32, #tpu.memory_space<vmem>>, vector<4096x8xf32>
      tpu.vector_store %arg4[%swap3A_36, %swap3A_37], %add3A_35 {strides = array<i32>} : memref<4096x8xf32, #tpu.memory_space<vmem>>, vector<4096x8xf32>,
      %reduce_sum3A_39 = arith.constant dense<0.000000e+00> : vector<8xf32>
      %reduce_sum3A_40 = vector.multi_reduction <add>, %div3A_26, %reduce_sum3A_39 [1] : vector<8x4096xf32> to vector<8xf32>
      %broadcast_in_dim3A_41 = vector.shape_cast %reduce_sum3A_40 : vector<8xf32> to vector<1x8xf32>
      %swap3A_42 = arith.constant 0 : index
      %swap3A_43 = arith.constant 0 : index
      %swap3A_44 = vector.load %arg5[%swap3A_42, %swap3A_43] : memref<1x8xf32, #tpu.memory_space<vmem>>, vector<1x8xf32>
      tpu.vector_store %arg5[%swap3A_42, %swap3A_43], %broadcast_in_dim3A_41 {strides = array<i32>} : memref<1x8xf32, #tpu.memory_space<vmem>>, vector<1x8xf32>,
    } else {
    }
    return
  }
  func.func @transform_0(%arg0: i32) -> (i32, i32, i32) {
    %c0_i32 = arith.constant 0 : i32
    %c0_i32_0 = arith.constant 0 : i32
    %c0_i32_1 = arith.constant 0 : i32
    %c0_i32_2 = arith.constant 0 : i32
    return %c0_i32, %c0_i32_0, %c0_i32_1 : i32, i32, i32
  }
  func.func @transform_1(%arg0: i32) -> (i32, i32) {
    %c0_i32 = arith.constant 0 : i32
    %c0_i32_0 = arith.constant 0 : i32
    return %arg0, %c0_i32 : i32, i32
  }
  func.func @transform_2(%arg0: i32) -> (i32, i32) {
    %c0_i32 = arith.constant 0 : i32
    %c0_i32_0 = arith.constant 0 : i32
    %c0_i32_1 = arith.constant 0 : i32
    return %c0_i32, %c0_i32_0 : i32, i32
  }
  func.func @transform_3(%arg0: i32) -> (i32, i32) {
    %c0_i32 = arith.constant 0 : i32
    %c0_i32_0 = arith.constant 0 : i32
    %c0_i32_1 = arith.constant 0 : i32
    return %c0_i32, %c0_i32_0 : i32, i32
  }
  func.func @transform_4(%arg0: i32) -> (i32, i32) {
    %c0_i32 = arith.constant 0 : i32
    %c0_i32_0 = arith.constant 0 : i32
    %c0_i32_1 = arith.constant 0 : i32
    return %c0_i32, %c0_i32_0 : i32, i32
  }
  func.func @transform_5(%arg0: i32) -> (i32, i32) {
    %c0_i32 = arith.constant 0 : i32
    %c0_i32_0 = arith.constant 0 : i32
    %c0_i32_1 = arith.constant 0 : i32
    return %c0_i32, %c0_i32_0 : i32, i32
  }
}

module attributes {stable_mosaic.version = 14 : i64} {
  func.func @_final0_body(%arg0: i32, %arg1: memref<512x1024xi32, #tpu.memory_space<vmem>>, %arg2: memref<512x8xf32, #tpu.memory_space<vmem>>, %arg3: memref<512x8xf32, #tpu.memory_space<vmem>>, %arg4: memref<1x2048xf32, #tpu.memory_space<vmem>>, %arg5: memref<1x8xf32, #tpu.memory_space<vmem>>) attributes {dimension_semantics = [#tpu.dimension_semantics<arbitrary>], iteration_bounds = array<i64: 4>, scalar_prefetch = 0 : i64, scratch_operands = 0 : i64, tpu.core_type = #tpu.core_type<tc>, window_params = [{transform_indices = @transform_0, window_bounds = array<i64: 512, 1024>}, {transform_indices = @transform_1, window_bounds = array<i64: 512, 8>}, {transform_indices = @transform_2, window_bounds = array<i64: 512, 8>}, {pipeline_mode = #tpu.pipeline_mode<synchronous>, transform_indices = @transform_3, window_bounds = array<i64: 1, 2048>}, {pipeline_mode = #tpu.pipeline_mode<synchronous>, transform_indices = @transform_4, window_bounds = array<i64: 1, 8>}]} {
    %get3A = arith.constant 0 : index
    %get3A_0 = arith.constant 0 : index
    %get3A_1 = vector.load %arg2[%get3A, %get3A_0] : memref<512x8xf32, #tpu.memory_space<vmem>>, vector<512x8xf32>
    %get3A_2 = arith.constant 0 : index
    %get3A_3 = arith.constant 0 : index
    %get3A_4 = vector.load %arg3[%get3A_2, %get3A_3] : memref<512x8xf32, #tpu.memory_space<vmem>>, vector<512x8xf32>
    %slice3A = vector.extract_strided_slice %get3A_1 {offsets = [0, 0], sizes = [512, 1], strides = [1, 1]} : vector<512x8xf32> to vector<512x1xf32>
    %broadcast_in_dim3A = vector.shape_cast %slice3A : vector<512x1xf32> to vector<512x1xf32>
    %broadcast_in_dim3A_5 = vector.broadcast %broadcast_in_dim3A : vector<512x1xf32> to vector<512x128xf32>
    %slice3A_6 = vector.extract_strided_slice %get3A_1 {offsets = [0, 1], sizes = [512, 1], strides = [1, 1]} : vector<512x8xf32> to vector<512x1xf32>
    %broadcast_in_dim3A_7 = vector.shape_cast %slice3A_6 : vector<512x1xf32> to vector<512x1xf32>
    %broadcast_in_dim3A_8 = vector.broadcast %broadcast_in_dim3A_7 : vector<512x1xf32> to vector<512x128xf32>
    %slice3A_9 = vector.extract_strided_slice %get3A_1 {offsets = [0, 2], sizes = [512, 1], strides = [1, 1]} : vector<512x8xf32> to vector<512x1xf32>
    %broadcast_in_dim3A_10 = vector.shape_cast %slice3A_9 : vector<512x1xf32> to vector<512x1xf32>
    %broadcast_in_dim3A_11 = vector.broadcast %broadcast_in_dim3A_10 : vector<512x1xf32> to vector<512x128xf32>
    %slice3A_12 = vector.extract_strided_slice %get3A_1 {offsets = [0, 3], sizes = [512, 1], strides = [1, 1]} : vector<512x8xf32> to vector<512x1xf32>
    %broadcast_in_dim3A_13 = vector.shape_cast %slice3A_12 : vector<512x1xf32> to vector<512x1xf32>
    %broadcast_in_dim3A_14 = vector.broadcast %broadcast_in_dim3A_13 : vector<512x1xf32> to vector<512x128xf32>
    %slice3A_15 = vector.extract_strided_slice %get3A_1 {offsets = [0, 4], sizes = [512, 1], strides = [1, 1]} : vector<512x8xf32> to vector<512x1xf32>
    %broadcast_in_dim3A_16 = vector.shape_cast %slice3A_15 : vector<512x1xf32> to vector<512x1xf32>
    %broadcast_in_dim3A_17 = vector.broadcast %broadcast_in_dim3A_16 : vector<512x1xf32> to vector<512x128xf32>
    %slice3A_18 = vector.extract_strided_slice %get3A_1 {offsets = [0, 5], sizes = [512, 1], strides = [1, 1]} : vector<512x8xf32> to vector<512x1xf32>
    %broadcast_in_dim3A_19 = vector.shape_cast %slice3A_18 : vector<512x1xf32> to vector<512x1xf32>
    %broadcast_in_dim3A_20 = vector.broadcast %broadcast_in_dim3A_19 : vector<512x1xf32> to vector<512x128xf32>
    %slice3A_21 = vector.extract_strided_slice %get3A_1 {offsets = [0, 6], sizes = [512, 1], strides = [1, 1]} : vector<512x8xf32> to vector<512x1xf32>
    %broadcast_in_dim3A_22 = vector.shape_cast %slice3A_21 : vector<512x1xf32> to vector<512x1xf32>
    %broadcast_in_dim3A_23 = vector.broadcast %broadcast_in_dim3A_22 : vector<512x1xf32> to vector<512x128xf32>
    %slice3A_24 = vector.extract_strided_slice %get3A_1 {offsets = [0, 7], sizes = [512, 1], strides = [1, 1]} : vector<512x8xf32> to vector<512x1xf32>
    %broadcast_in_dim3A_25 = vector.shape_cast %slice3A_24 : vector<512x1xf32> to vector<512x1xf32>
    %broadcast_in_dim3A_26 = vector.broadcast %broadcast_in_dim3A_25 : vector<512x1xf32> to vector<512x128xf32>
    %concatenate3A = tpu.concatenate %broadcast_in_dim3A_5, %broadcast_in_dim3A_8, %broadcast_in_dim3A_11, %broadcast_in_dim3A_14, %broadcast_in_dim3A_17, %broadcast_in_dim3A_20, %broadcast_in_dim3A_23, %broadcast_in_dim3A_26 in 1 : vector<512x128xf32>, vector<512x128xf32>, vector<512x128xf32>, vector<512x128xf32>, vector<512x128xf32>, vector<512x128xf32>, vector<512x128xf32>, vector<512x128xf32> -> vector<512x1024xf32>
    %slice3A_27 = vector.extract_strided_slice %get3A_4 {offsets = [0, 0], sizes = [512, 1], strides = [1, 1]} : vector<512x8xf32> to vector<512x1xf32>
    %broadcast_in_dim3A_28 = vector.shape_cast %slice3A_27 : vector<512x1xf32> to vector<512x1xf32>
    %broadcast_in_dim3A_29 = vector.broadcast %broadcast_in_dim3A_28 : vector<512x1xf32> to vector<512x128xf32>
    %slice3A_30 = vector.extract_strided_slice %get3A_4 {offsets = [0, 1], sizes = [512, 1], strides = [1, 1]} : vector<512x8xf32> to vector<512x1xf32>
    %broadcast_in_dim3A_31 = vector.shape_cast %slice3A_30 : vector<512x1xf32> to vector<512x1xf32>
    %broadcast_in_dim3A_32 = vector.broadcast %broadcast_in_dim3A_31 : vector<512x1xf32> to vector<512x128xf32>
    %slice3A_33 = vector.extract_strided_slice %get3A_4 {offsets = [0, 2], sizes = [512, 1], strides = [1, 1]} : vector<512x8xf32> to vector<512x1xf32>
    %broadcast_in_dim3A_34 = vector.shape_cast %slice3A_33 : vector<512x1xf32> to vector<512x1xf32>
    %broadcast_in_dim3A_35 = vector.broadcast %broadcast_in_dim3A_34 : vector<512x1xf32> to vector<512x128xf32>
    %slice3A_36 = vector.extract_strided_slice %get3A_4 {offsets = [0, 3], sizes = [512, 1], strides = [1, 1]} : vector<512x8xf32> to vector<512x1xf32>
    %broadcast_in_dim3A_37 = vector.shape_cast %slice3A_36 : vector<512x1xf32> to vector<512x1xf32>
    %broadcast_in_dim3A_38 = vector.broadcast %broadcast_in_dim3A_37 : vector<512x1xf32> to vector<512x128xf32>
    %slice3A_39 = vector.extract_strided_slice %get3A_4 {offsets = [0, 4], sizes = [512, 1], strides = [1, 1]} : vector<512x8xf32> to vector<512x1xf32>
    %broadcast_in_dim3A_40 = vector.shape_cast %slice3A_39 : vector<512x1xf32> to vector<512x1xf32>
    %broadcast_in_dim3A_41 = vector.broadcast %broadcast_in_dim3A_40 : vector<512x1xf32> to vector<512x128xf32>
    %slice3A_42 = vector.extract_strided_slice %get3A_4 {offsets = [0, 5], sizes = [512, 1], strides = [1, 1]} : vector<512x8xf32> to vector<512x1xf32>
    %broadcast_in_dim3A_43 = vector.shape_cast %slice3A_42 : vector<512x1xf32> to vector<512x1xf32>
    %broadcast_in_dim3A_44 = vector.broadcast %broadcast_in_dim3A_43 : vector<512x1xf32> to vector<512x128xf32>
    %slice3A_45 = vector.extract_strided_slice %get3A_4 {offsets = [0, 6], sizes = [512, 1], strides = [1, 1]} : vector<512x8xf32> to vector<512x1xf32>
    %broadcast_in_dim3A_46 = vector.shape_cast %slice3A_45 : vector<512x1xf32> to vector<512x1xf32>
    %broadcast_in_dim3A_47 = vector.broadcast %broadcast_in_dim3A_46 : vector<512x1xf32> to vector<512x128xf32>
    %slice3A_48 = vector.extract_strided_slice %get3A_4 {offsets = [0, 7], sizes = [512, 1], strides = [1, 1]} : vector<512x8xf32> to vector<512x1xf32>
    %broadcast_in_dim3A_49 = vector.shape_cast %slice3A_48 : vector<512x1xf32> to vector<512x1xf32>
    %broadcast_in_dim3A_50 = vector.broadcast %broadcast_in_dim3A_49 : vector<512x1xf32> to vector<512x128xf32>
    %concatenate3A_51 = tpu.concatenate %broadcast_in_dim3A_29, %broadcast_in_dim3A_32, %broadcast_in_dim3A_35, %broadcast_in_dim3A_38, %broadcast_in_dim3A_41, %broadcast_in_dim3A_44, %broadcast_in_dim3A_47, %broadcast_in_dim3A_50 in 1 : vector<512x128xf32>, vector<512x128xf32>, vector<512x128xf32>, vector<512x128xf32>, vector<512x128xf32>, vector<512x128xf32>, vector<512x128xf32>, vector<512x128xf32> -> vector<512x1024xf32>
    %get3A_52 = arith.constant 0 : index
    %get3A_53 = arith.constant 0 : index
    %get3A_54 = vector.load %arg1[%get3A_52, %get3A_53] : memref<512x1024xi32, #tpu.memory_space<vmem>>, vector<512x1024xi32>
    %shift_left3A = arith.constant 16 : i32
    %shift_left3A_55 = vector.broadcast %shift_left3A : i32 to vector<512x1024xi32>
    %shift_left3A_56 = arith.shli %get3A_54, %shift_left3A_55 : vector<512x1024xi32>
    %bitcast_convert_type3A = tpu.bitcast %shift_left3A_56 : vector<512x1024xi32> -> vector<512x1024xf32>
    %and3A = arith.constant -65536 : i32
    %and3A_57 = vector.broadcast %and3A : i32 to vector<512x1024xi32>
    %and3A_58 = arith.andi %get3A_54, %and3A_57 : vector<512x1024xi32>
    %bitcast_convert_type3A_59 = tpu.bitcast %and3A_58 : vector<512x1024xi32> -> vector<512x1024xf32>
    %mul3A = arith.mulf %bitcast_convert_type3A, %concatenate3A : vector<512x1024xf32>
    %add3A = arith.addf %mul3A, %concatenate3A_51 : vector<512x1024xf32>
    %div3A = arith.constant 1.000000e+00 : f32
    %div3A_60 = vector.broadcast %div3A : f32 to vector<512x1024xf32>
    %div3A_61 = arith.divf %div3A_60, %add3A : vector<512x1024xf32>
    %mul3A_62 = arith.mulf %bitcast_convert_type3A_59, %concatenate3A : vector<512x1024xf32>
    %add3A_63 = arith.addf %mul3A_62, %concatenate3A_51 : vector<512x1024xf32>
    %div3A_64 = arith.constant 1.000000e+00 : f32
    %div3A_65 = vector.broadcast %div3A_64 : f32 to vector<512x1024xf32>
    %div3A_66 = arith.divf %div3A_65, %add3A_63 : vector<512x1024xf32>
    %reduce_sum3A = arith.constant dense<0.000000e+00> : vector<1024xf32>
    %reduce_sum3A_67 = vector.multi_reduction <add>, %div3A_61, %reduce_sum3A [0] : vector<512x1024xf32> to vector<1024xf32>
    %broadcast_in_dim3A_68 = vector.shape_cast %reduce_sum3A_67 : vector<1024xf32> to vector<1x1024xf32>
    %reduce_sum3A_69 = arith.constant dense<0.000000e+00> : vector<1024xf32>
    %reduce_sum3A_70 = vector.multi_reduction <add>, %div3A_66, %reduce_sum3A_69 [0] : vector<512x1024xf32> to vector<1024xf32>
    %broadcast_in_dim3A_71 = vector.shape_cast %reduce_sum3A_70 : vector<1024xf32> to vector<1x1024xf32>
    %concatenate3A_72 = tpu.concatenate %broadcast_in_dim3A_68, %broadcast_in_dim3A_71 in 1 : vector<1x1024xf32>, vector<1x1024xf32> -> vector<1x2048xf32>
    %reshape3A = vector.shape_cast %bitcast_convert_type3A : vector<512x1024xf32> to vector<512x8x128xf32>
    %reduce_min3A = arith.constant dense<0x7F800000> : vector<512x8xf32>
    %reduce_min3A_73 = vector.multi_reduction <minimumf>, %reshape3A, %reduce_min3A [2] : vector<512x8x128xf32> to vector<512x8xf32>
    %reshape3A_74 = vector.shape_cast %bitcast_convert_type3A_59 : vector<512x1024xf32> to vector<512x8x128xf32>
    %reduce_min3A_75 = arith.constant dense<0x7F800000> : vector<512x8xf32>
    %reduce_min3A_76 = vector.multi_reduction <minimumf>, %reshape3A_74, %reduce_min3A_75 [2] : vector<512x8x128xf32> to vector<512x8xf32>
    %min3A = arith.minimumf %reduce_min3A_73, %reduce_min3A_76 : vector<512x8xf32>
    %mul3A_77 = arith.mulf %get3A_1, %min3A : vector<512x8xf32>
    %reduce_sum3A_78 = arith.constant dense<0.000000e+00> : vector<8xf32>
    %reduce_sum3A_79 = vector.multi_reduction <add>, %mul3A_77, %reduce_sum3A_78 [0] : vector<512x8xf32> to vector<8xf32>
    %broadcast_in_dim3A_80 = vector.shape_cast %reduce_sum3A_79 : vector<8xf32> to vector<1x8xf32>
    %eq3A = arith.constant 0 : i32
    %eq3A_81 = arith.cmpi eq, %arg0, %eq3A : i32
    %get3A_82 = arith.constant 0 : index
    %get3A_83 = arith.constant 0 : index
    %get3A_84 = vector.load %arg4[%get3A_82, %get3A_83] : memref<1x2048xf32, #tpu.memory_space<vmem>>, vector<1x2048xf32>
    %jit3A = arith.constant 0.000000e+00 : f32
    %broadcast_in_dim3A_85 = vector.broadcast %jit3A : f32 to vector<1x2048xf32>
    %select_n3A = arith.select %eq3A_81, %broadcast_in_dim3A_85, %get3A_84 : vector<1x2048xf32>
    %add3A_86 = arith.addf %select_n3A, %concatenate3A_72 : vector<1x2048xf32>
    %swap3A = arith.constant 0 : index
    %swap3A_87 = arith.constant 0 : index
    %swap3A_88 = vector.load %arg4[%swap3A, %swap3A_87] : memref<1x2048xf32, #tpu.memory_space<vmem>>, vector<1x2048xf32>
    tpu.vector_store %arg4[%swap3A, %swap3A_87], %add3A_86 {strides = array<i32>} : memref<1x2048xf32, #tpu.memory_space<vmem>>, vector<1x2048xf32>,
    %eq3A_89 = arith.constant 0 : i32
    %eq3A_90 = arith.cmpi eq, %arg0, %eq3A_89 : i32
    %get3A_91 = arith.constant 0 : index
    %get3A_92 = arith.constant 0 : index
    %get3A_93 = vector.load %arg5[%get3A_91, %get3A_92] : memref<1x8xf32, #tpu.memory_space<vmem>>, vector<1x8xf32>
    %jit3A_94 = arith.constant 0.000000e+00 : f32
    %broadcast_in_dim3A_95 = vector.broadcast %jit3A_94 : f32 to vector<1x8xf32>
    %select_n3A_96 = arith.select %eq3A_90, %broadcast_in_dim3A_95, %get3A_93 : vector<1x8xf32>
    %add3A_97 = arith.addf %select_n3A_96, %broadcast_in_dim3A_80 : vector<1x8xf32>
    %swap3A_98 = arith.constant 0 : index
    %swap3A_99 = arith.constant 0 : index
    %swap3A_100 = vector.load %arg5[%swap3A_98, %swap3A_99] : memref<1x8xf32, #tpu.memory_space<vmem>>, vector<1x8xf32>
    tpu.vector_store %arg5[%swap3A_98, %swap3A_99], %add3A_97 {strides = array<i32>} : memref<1x8xf32, #tpu.memory_space<vmem>>, vector<1x8xf32>,
    return
  }
  func.func @transform_0(%arg0: i32) -> (i32, i32) {
    %c0_i32 = arith.constant 0 : i32
    %c0_i32_0 = arith.constant 0 : i32
    return %arg0, %c0_i32 : i32, i32
  }
  func.func @transform_1(%arg0: i32) -> (i32, i32) {
    %c0_i32 = arith.constant 0 : i32
    %c0_i32_0 = arith.constant 0 : i32
    return %arg0, %c0_i32 : i32, i32
  }
  func.func @transform_2(%arg0: i32) -> (i32, i32) {
    %c0_i32 = arith.constant 0 : i32
    %c0_i32_0 = arith.constant 0 : i32
    return %arg0, %c0_i32 : i32, i32
  }
  func.func @transform_3(%arg0: i32) -> (i32, i32) {
    %c0_i32 = arith.constant 0 : i32
    %c0_i32_0 = arith.constant 0 : i32
    %c0_i32_1 = arith.constant 0 : i32
    return %c0_i32, %c0_i32_0 : i32, i32
  }
  func.func @transform_4(%arg0: i32) -> (i32, i32) {
    %c0_i32 = arith.constant 0 : i32
    %c0_i32_0 = arith.constant 0 : i32
    %c0_i32_1 = arith.constant 0 : i32
    return %c0_i32, %c0_i32_0 : i32, i32
  }
}

module attributes {stable_mosaic.version = 14 : i64} {
  func.func @_final1_body(%arg0: i32, %arg1: memref<512x1024xi32, #tpu.memory_space<vmem>>, %arg2: memref<512x8xf32, #tpu.memory_space<vmem>>, %arg3: memref<512x8xf32, #tpu.memory_space<vmem>>, %arg4: memref<1x2048xf32, #tpu.memory_space<vmem>>, %arg5: memref<1x8xf32, #tpu.memory_space<vmem>>, %arg6: memref<1x8xf32, #tpu.memory_space<vmem>>, %arg7: memref<1x1xf32, #tpu.memory_space<smem>>, %arg8: memref<1x2048xf32, #tpu.memory_space<vmem>>, %arg9: memref<1x8xf32, #tpu.memory_space<vmem>>) attributes {dimension_semantics = [#tpu.dimension_semantics<arbitrary>], iteration_bounds = array<i64: 4>, scalar_prefetch = 0 : i64, scratch_operands = 2 : i64, tpu.core_type = #tpu.core_type<tc>, window_params = [{transform_indices = @transform_0, window_bounds = array<i64: 512, 1024>}, {transform_indices = @transform_1, window_bounds = array<i64: 512, 8>}, {transform_indices = @transform_2, window_bounds = array<i64: 512, 8>}, {pipeline_mode = #tpu.pipeline_mode<synchronous>, transform_indices = @transform_3, window_bounds = array<i64: 1, 2048>}, {pipeline_mode = #tpu.pipeline_mode<synchronous>, transform_indices = @transform_4, window_bounds = array<i64: 1, 8>}, {pipeline_mode = #tpu.pipeline_mode<synchronous>, transform_indices = @transform_5, window_bounds = array<i64: 1, 8>}, {transform_indices = @transform_6, window_bounds = array<i64: 1, 1>}]} {
    %get3A = arith.constant 0 : index
    %get3A_0 = arith.constant 0 : index
    %get3A_1 = vector.load %arg2[%get3A, %get3A_0] : memref<512x8xf32, #tpu.memory_space<vmem>>, vector<512x8xf32>
    %get3A_2 = arith.constant 0 : index
    %get3A_3 = arith.constant 0 : index
    %get3A_4 = vector.load %arg3[%get3A_2, %get3A_3] : memref<512x8xf32, #tpu.memory_space<vmem>>, vector<512x8xf32>
    %slice3A = vector.extract_strided_slice %get3A_1 {offsets = [0, 0], sizes = [512, 1], strides = [1, 1]} : vector<512x8xf32> to vector<512x1xf32>
    %broadcast_in_dim3A = vector.shape_cast %slice3A : vector<512x1xf32> to vector<512x1xf32>
    %broadcast_in_dim3A_5 = vector.broadcast %broadcast_in_dim3A : vector<512x1xf32> to vector<512x128xf32>
    %slice3A_6 = vector.extract_strided_slice %get3A_1 {offsets = [0, 1], sizes = [512, 1], strides = [1, 1]} : vector<512x8xf32> to vector<512x1xf32>
    %broadcast_in_dim3A_7 = vector.shape_cast %slice3A_6 : vector<512x1xf32> to vector<512x1xf32>
    %broadcast_in_dim3A_8 = vector.broadcast %broadcast_in_dim3A_7 : vector<512x1xf32> to vector<512x128xf32>
    %slice3A_9 = vector.extract_strided_slice %get3A_1 {offsets = [0, 2], sizes = [512, 1], strides = [1, 1]} : vector<512x8xf32> to vector<512x1xf32>
    %broadcast_in_dim3A_10 = vector.shape_cast %slice3A_9 : vector<512x1xf32> to vector<512x1xf32>
    %broadcast_in_dim3A_11 = vector.broadcast %broadcast_in_dim3A_10 : vector<512x1xf32> to vector<512x128xf32>
    %slice3A_12 = vector.extract_strided_slice %get3A_1 {offsets = [0, 3], sizes = [512, 1], strides = [1, 1]} : vector<512x8xf32> to vector<512x1xf32>
    %broadcast_in_dim3A_13 = vector.shape_cast %slice3A_12 : vector<512x1xf32> to vector<512x1xf32>
    %broadcast_in_dim3A_14 = vector.broadcast %broadcast_in_dim3A_13 : vector<512x1xf32> to vector<512x128xf32>
    %slice3A_15 = vector.extract_strided_slice %get3A_1 {offsets = [0, 4], sizes = [512, 1], strides = [1, 1]} : vector<512x8xf32> to vector<512x1xf32>
    %broadcast_in_dim3A_16 = vector.shape_cast %slice3A_15 : vector<512x1xf32> to vector<512x1xf32>
    %broadcast_in_dim3A_17 = vector.broadcast %broadcast_in_dim3A_16 : vector<512x1xf32> to vector<512x128xf32>
    %slice3A_18 = vector.extract_strided_slice %get3A_1 {offsets = [0, 5], sizes = [512, 1], strides = [1, 1]} : vector<512x8xf32> to vector<512x1xf32>
    %broadcast_in_dim3A_19 = vector.shape_cast %slice3A_18 : vector<512x1xf32> to vector<512x1xf32>
    %broadcast_in_dim3A_20 = vector.broadcast %broadcast_in_dim3A_19 : vector<512x1xf32> to vector<512x128xf32>
    %slice3A_21 = vector.extract_strided_slice %get3A_1 {offsets = [0, 6], sizes = [512, 1], strides = [1, 1]} : vector<512x8xf32> to vector<512x1xf32>
    %broadcast_in_dim3A_22 = vector.shape_cast %slice3A_21 : vector<512x1xf32> to vector<512x1xf32>
    %broadcast_in_dim3A_23 = vector.broadcast %broadcast_in_dim3A_22 : vector<512x1xf32> to vector<512x128xf32>
    %slice3A_24 = vector.extract_strided_slice %get3A_1 {offsets = [0, 7], sizes = [512, 1], strides = [1, 1]} : vector<512x8xf32> to vector<512x1xf32>
    %broadcast_in_dim3A_25 = vector.shape_cast %slice3A_24 : vector<512x1xf32> to vector<512x1xf32>
    %broadcast_in_dim3A_26 = vector.broadcast %broadcast_in_dim3A_25 : vector<512x1xf32> to vector<512x128xf32>
    %concatenate3A = tpu.concatenate %broadcast_in_dim3A_5, %broadcast_in_dim3A_8, %broadcast_in_dim3A_11, %broadcast_in_dim3A_14, %broadcast_in_dim3A_17, %broadcast_in_dim3A_20, %broadcast_in_dim3A_23, %broadcast_in_dim3A_26 in 1 : vector<512x128xf32>, vector<512x128xf32>, vector<512x128xf32>, vector<512x128xf32>, vector<512x128xf32>, vector<512x128xf32>, vector<512x128xf32>, vector<512x128xf32> -> vector<512x1024xf32>
    %slice3A_27 = vector.extract_strided_slice %get3A_4 {offsets = [0, 0], sizes = [512, 1], strides = [1, 1]} : vector<512x8xf32> to vector<512x1xf32>
    %broadcast_in_dim3A_28 = vector.shape_cast %slice3A_27 : vector<512x1xf32> to vector<512x1xf32>
    %broadcast_in_dim3A_29 = vector.broadcast %broadcast_in_dim3A_28 : vector<512x1xf32> to vector<512x128xf32>
    %slice3A_30 = vector.extract_strided_slice %get3A_4 {offsets = [0, 1], sizes = [512, 1], strides = [1, 1]} : vector<512x8xf32> to vector<512x1xf32>
    %broadcast_in_dim3A_31 = vector.shape_cast %slice3A_30 : vector<512x1xf32> to vector<512x1xf32>
    %broadcast_in_dim3A_32 = vector.broadcast %broadcast_in_dim3A_31 : vector<512x1xf32> to vector<512x128xf32>
    %slice3A_33 = vector.extract_strided_slice %get3A_4 {offsets = [0, 2], sizes = [512, 1], strides = [1, 1]} : vector<512x8xf32> to vector<512x1xf32>
    %broadcast_in_dim3A_34 = vector.shape_cast %slice3A_33 : vector<512x1xf32> to vector<512x1xf32>
    %broadcast_in_dim3A_35 = vector.broadcast %broadcast_in_dim3A_34 : vector<512x1xf32> to vector<512x128xf32>
    %slice3A_36 = vector.extract_strided_slice %get3A_4 {offsets = [0, 3], sizes = [512, 1], strides = [1, 1]} : vector<512x8xf32> to vector<512x1xf32>
    %broadcast_in_dim3A_37 = vector.shape_cast %slice3A_36 : vector<512x1xf32> to vector<512x1xf32>
    %broadcast_in_dim3A_38 = vector.broadcast %broadcast_in_dim3A_37 : vector<512x1xf32> to vector<512x128xf32>
    %slice3A_39 = vector.extract_strided_slice %get3A_4 {offsets = [0, 4], sizes = [512, 1], strides = [1, 1]} : vector<512x8xf32> to vector<512x1xf32>
    %broadcast_in_dim3A_40 = vector.shape_cast %slice3A_39 : vector<512x1xf32> to vector<512x1xf32>
    %broadcast_in_dim3A_41 = vector.broadcast %broadcast_in_dim3A_40 : vector<512x1xf32> to vector<512x128xf32>
    %slice3A_42 = vector.extract_strided_slice %get3A_4 {offsets = [0, 5], sizes = [512, 1], strides = [1, 1]} : vector<512x8xf32> to vector<512x1xf32>
    %broadcast_in_dim3A_43 = vector.shape_cast %slice3A_42 : vector<512x1xf32> to vector<512x1xf32>
    %broadcast_in_dim3A_44 = vector.broadcast %broadcast_in_dim3A_43 : vector<512x1xf32> to vector<512x128xf32>
    %slice3A_45 = vector.extract_strided_slice %get3A_4 {offsets = [0, 6], sizes = [512, 1], strides = [1, 1]} : vector<512x8xf32> to vector<512x1xf32>
    %broadcast_in_dim3A_46 = vector.shape_cast %slice3A_45 : vector<512x1xf32> to vector<512x1xf32>
    %broadcast_in_dim3A_47 = vector.broadcast %broadcast_in_dim3A_46 : vector<512x1xf32> to vector<512x128xf32>
    %slice3A_48 = vector.extract_strided_slice %get3A_4 {offsets = [0, 7], sizes = [512, 1], strides = [1, 1]} : vector<512x8xf32> to vector<512x1xf32>
    %broadcast_in_dim3A_49 = vector.shape_cast %slice3A_48 : vector<512x1xf32> to vector<512x1xf32>
    %broadcast_in_dim3A_50 = vector.broadcast %broadcast_in_dim3A_49 : vector<512x1xf32> to vector<512x128xf32>
    %concatenate3A_51 = tpu.concatenate %broadcast_in_dim3A_29, %broadcast_in_dim3A_32, %broadcast_in_dim3A_35, %broadcast_in_dim3A_38, %broadcast_in_dim3A_41, %broadcast_in_dim3A_44, %broadcast_in_dim3A_47, %broadcast_in_dim3A_50 in 1 : vector<512x128xf32>, vector<512x128xf32>, vector<512x128xf32>, vector<512x128xf32>, vector<512x128xf32>, vector<512x128xf32>, vector<512x128xf32>, vector<512x128xf32> -> vector<512x1024xf32>
    %get3A_52 = arith.constant 0 : index
    %get3A_53 = arith.constant 0 : index
    %get3A_54 = vector.load %arg1[%get3A_52, %get3A_53] : memref<512x1024xi32, #tpu.memory_space<vmem>>, vector<512x1024xi32>
    %shift_left3A = arith.constant 16 : i32
    %shift_left3A_55 = vector.broadcast %shift_left3A : i32 to vector<512x1024xi32>
    %shift_left3A_56 = arith.shli %get3A_54, %shift_left3A_55 : vector<512x1024xi32>
    %bitcast_convert_type3A = tpu.bitcast %shift_left3A_56 : vector<512x1024xi32> -> vector<512x1024xf32>
    %and3A = arith.constant -65536 : i32
    %and3A_57 = vector.broadcast %and3A : i32 to vector<512x1024xi32>
    %and3A_58 = arith.andi %get3A_54, %and3A_57 : vector<512x1024xi32>
    %bitcast_convert_type3A_59 = tpu.bitcast %and3A_58 : vector<512x1024xi32> -> vector<512x1024xf32>
    %mul3A = arith.mulf %bitcast_convert_type3A, %concatenate3A : vector<512x1024xf32>
    %add3A = arith.addf %mul3A, %concatenate3A_51 : vector<512x1024xf32>
    %div3A = arith.constant 1.000000e+00 : f32
    %div3A_60 = vector.broadcast %div3A : f32 to vector<512x1024xf32>
    %div3A_61 = arith.divf %div3A_60, %add3A : vector<512x1024xf32>
    %mul3A_62 = arith.mulf %bitcast_convert_type3A_59, %concatenate3A : vector<512x1024xf32>
    %add3A_63 = arith.addf %mul3A_62, %concatenate3A_51 : vector<512x1024xf32>
    %div3A_64 = arith.constant 1.000000e+00 : f32
    %div3A_65 = vector.broadcast %div3A_64 : f32 to vector<512x1024xf32>
    %div3A_66 = arith.divf %div3A_65, %add3A_63 : vector<512x1024xf32>
    %reduce_sum3A = arith.constant dense<0.000000e+00> : vector<1024xf32>
    %reduce_sum3A_67 = vector.multi_reduction <add>, %div3A_61, %reduce_sum3A [0] : vector<512x1024xf32> to vector<1024xf32>
    %broadcast_in_dim3A_68 = vector.shape_cast %reduce_sum3A_67 : vector<1024xf32> to vector<1x1024xf32>
    %reduce_sum3A_69 = arith.constant dense<0.000000e+00> : vector<1024xf32>
    %reduce_sum3A_70 = vector.multi_reduction <add>, %div3A_66, %reduce_sum3A_69 [0] : vector<512x1024xf32> to vector<1024xf32>
    %broadcast_in_dim3A_71 = vector.shape_cast %reduce_sum3A_70 : vector<1024xf32> to vector<1x1024xf32>
    %concatenate3A_72 = tpu.concatenate %broadcast_in_dim3A_68, %broadcast_in_dim3A_71 in 1 : vector<1x1024xf32>, vector<1x1024xf32> -> vector<1x2048xf32>
    %reshape3A = vector.shape_cast %bitcast_convert_type3A : vector<512x1024xf32> to vector<512x8x128xf32>
    %reduce_min3A = arith.constant dense<0x7F800000> : vector<512x8xf32>
    %reduce_min3A_73 = vector.multi_reduction <minimumf>, %reshape3A, %reduce_min3A [2] : vector<512x8x128xf32> to vector<512x8xf32>
    %reshape3A_74 = vector.shape_cast %bitcast_convert_type3A_59 : vector<512x1024xf32> to vector<512x8x128xf32>
    %reduce_min3A_75 = arith.constant dense<0x7F800000> : vector<512x8xf32>
    %reduce_min3A_76 = vector.multi_reduction <minimumf>, %reshape3A_74, %reduce_min3A_75 [2] : vector<512x8x128xf32> to vector<512x8xf32>
    %min3A = arith.minimumf %reduce_min3A_73, %reduce_min3A_76 : vector<512x8xf32>
    %mul3A_77 = arith.mulf %get3A_1, %min3A : vector<512x8xf32>
    %reduce_sum3A_78 = arith.constant dense<0.000000e+00> : vector<8xf32>
    %reduce_sum3A_79 = vector.multi_reduction <add>, %mul3A_77, %reduce_sum3A_78 [0] : vector<512x8xf32> to vector<8xf32>
    %broadcast_in_dim3A_80 = vector.shape_cast %reduce_sum3A_79 : vector<8xf32> to vector<1x8xf32>
    %eq3A = arith.constant 0 : i32
    %eq3A_81 = arith.cmpi eq, %arg0, %eq3A : i32
    %get3A_82 = arith.constant 0 : index
    %get3A_83 = arith.constant 0 : index
    %get3A_84 = vector.load %arg4[%get3A_82, %get3A_83] : memref<1x2048xf32, #tpu.memory_space<vmem>>, vector<1x2048xf32>
    %get3A_85 = arith.constant 0 : index
    %get3A_86 = arith.constant 0 : index
    %get3A_87 = vector.load %arg8[%get3A_85, %get3A_86] : memref<1x2048xf32, #tpu.memory_space<vmem>>, vector<1x2048xf32>
    %select_n3A = arith.select %eq3A_81, %get3A_84, %get3A_87 : vector<1x2048xf32>
    %add3A_88 = arith.addf %select_n3A, %concatenate3A_72 : vector<1x2048xf32>
    %swap3A = arith.constant 0 : index
    %swap3A_89 = arith.constant 0 : index
    %swap3A_90 = vector.load %arg8[%swap3A, %swap3A_89] : memref<1x2048xf32, #tpu.memory_space<vmem>>, vector<1x2048xf32>
    tpu.vector_store %arg8[%swap3A, %swap3A_89], %add3A_88 {strides = array<i32>} : memref<1x2048xf32, #tpu.memory_space<vmem>>, vector<1x2048xf32>,
    %eq3A_91 = arith.constant 0 : i32
    %eq3A_92 = arith.cmpi eq, %arg0, %eq3A_91 : i32
    %get3A_93 = arith.constant 0 : index
    %get3A_94 = arith.constant 0 : index
    %get3A_95 = vector.load %arg5[%get3A_93, %get3A_94] : memref<1x8xf32, #tpu.memory_space<vmem>>, vector<1x8xf32>
    %get3A_96 = arith.constant 0 : index
    %get3A_97 = arith.constant 0 : index
    %get3A_98 = vector.load %arg9[%get3A_96, %get3A_97] : memref<1x8xf32, #tpu.memory_space<vmem>>, vector<1x8xf32>
    %select_n3A_99 = arith.select %eq3A_92, %get3A_95, %get3A_98 : vector<1x8xf32>
    %add3A_100 = arith.addf %select_n3A_99, %broadcast_in_dim3A_80 : vector<1x8xf32>
    %swap3A_101 = arith.constant 0 : index
    %swap3A_102 = arith.constant 0 : index
    %swap3A_103 = vector.load %arg9[%swap3A_101, %swap3A_102] : memref<1x8xf32, #tpu.memory_space<vmem>>, vector<1x8xf32>
    tpu.vector_store %arg9[%swap3A_101, %swap3A_102], %add3A_100 {strides = array<i32>} : memref<1x8xf32, #tpu.memory_space<vmem>>, vector<1x8xf32>,
    %eq3A_104 = arith.constant 3 : i32
    %eq3A_105 = arith.cmpi eq, %arg0, %eq3A_104 : i32
    %convert_element_type3A = arith.extui %eq3A_105 : i1 to i32
    %cond3A = arith.constant 0 : i32
    %cond3A_106 = arith.cmpi ne, %convert_element_type3A, %cond3A : i32
    scf.if %cond3A_106 {
      %get3A_107 = arith.constant 0 : index
      %get3A_108 = arith.constant 0 : index
      %get3A_109 = vector.load %arg8[%get3A_107, %get3A_108] : memref<1x2048xf32, #tpu.memory_space<vmem>>, vector<1x2048xf32>
      %div3A_110 = arith.constant 4.096000e+03 : f32
      %div3A_111 = vector.broadcast %div3A_110 : f32 to vector<1x2048xf32>
      %div3A_112 = arith.divf %div3A_111, %get3A_109 : vector<1x2048xf32>
      %reduce_sum3A_113 = vector.shape_cast %div3A_112 : vector<1x2048xf32> to vector<1x1x2048xf32>
      %reduce_sum3A_114 = arith.constant dense<0.000000e+00> : vector<1xf32>
      %reduce_sum3A_115 = vector.multi_reduction <add>, %reduce_sum3A_113, %reduce_sum3A_114 [1, 2] : vector<1x1x2048xf32> to vector<1xf32>
      %reduce_sum3A_116 = vector.shape_cast %reduce_sum3A_115 : vector<1xf32> to vector<1x1x1xf32>
      %reduce_sum3A_117 = vector.extract %reduce_sum3A_116[0, 0, 0] : f32 from vector<1x1x1xf32>
      %mul3A_118 = arith.constant 4.8828125E-4 : f32
      %mul3A_119 = arith.mulf %reduce_sum3A_117, %mul3A_118 : f32
      %get3A_120 = arith.constant 0 : index
      %get3A_121 = arith.constant 0 : index
      %get3A_122 = vector.load %arg9[%get3A_120, %get3A_121] : memref<1x8xf32, #tpu.memory_space<vmem>>, vector<1x8xf32>
      %get3A_123 = arith.constant 0 : index
      %get3A_124 = arith.constant 0 : index
      %get3A_125 = vector.load %arg6[%get3A_123, %get3A_124] : memref<1x8xf32, #tpu.memory_space<vmem>>, vector<1x8xf32>
      %add3A_126 = arith.constant 9.99999997E-7 : f32
      %add3A_127 = vector.broadcast %add3A_126 : f32 to vector<1x8xf32>
      %add3A_128 = arith.addf %get3A_125, %add3A_127 : vector<1x8xf32>
      %div3A_129 = arith.divf %get3A_122, %add3A_128 : vector<1x8xf32>
      %reduce_sum3A_130 = vector.shape_cast %div3A_129 : vector<1x8xf32> to vector<1x1x8xf32>
      %reduce_sum3A_131 = arith.constant dense<0.000000e+00> : vector<1xf32>
      %reduce_sum3A_132 = vector.multi_reduction <add>, %reduce_sum3A_130, %reduce_sum3A_131 [1, 2] : vector<1x1x8xf32> to vector<1xf32>
      %reduce_sum3A_133 = vector.shape_cast %reduce_sum3A_132 : vector<1xf32> to vector<1x1x1xf32>
      %reduce_sum3A_134 = vector.extract %reduce_sum3A_133[0, 0, 0] : f32 from vector<1x1x1xf32>
      %mul3A_135 = arith.constant 1.250000e-01 : f32
      %mul3A_136 = arith.mulf %reduce_sum3A_134, %mul3A_135 : f32
      %add3A_137 = arith.addf %mul3A_136, %mul3A_119 : f32
      %swap3A_138 = arith.constant 0 : index
      %swap3A_139 = arith.constant 0 : index
      %swap3A_140 = memref.load %arg7[%swap3A_138, %swap3A_139] : memref<1x1xf32, #tpu.memory_space<smem>>
      memref.store %add3A_137, %arg7[%swap3A_138, %swap3A_139] : memref<1x1xf32, #tpu.memory_space<smem>>
    } else {
    }
    return
  }
  func.func @transform_0(%arg0: i32) -> (i32, i32) {
    %c0_i32 = arith.constant 0 : i32
    %c0_i32_0 = arith.constant 0 : i32
    return %arg0, %c0_i32 : i32, i32
  }
  func.func @transform_1(%arg0: i32) -> (i32, i32) {
    %add3A = arith.constant 4 : i32
    %add3A_0 = arith.addi %arg0, %add3A : i32
    %c0_i32 = arith.constant 0 : i32
    %c0_i32_1 = arith.constant 0 : i32
    return %add3A_0, %c0_i32 : i32, i32
  }
  func.func @transform_2(%arg0: i32) -> (i32, i32) {
    %add3A = arith.constant 4 : i32
    %add3A_0 = arith.addi %arg0, %add3A : i32
    %c0_i32 = arith.constant 0 : i32
    %c0_i32_1 = arith.constant 0 : i32
    return %add3A_0, %c0_i32 : i32, i32
  }
  func.func @transform_3(%arg0: i32) -> (i32, i32) {
    %c0_i32 = arith.constant 0 : i32
    %c0_i32_0 = arith.constant 0 : i32
    %c0_i32_1 = arith.constant 0 : i32
    return %c0_i32, %c0_i32_0 : i32, i32
  }
  func.func @transform_4(%arg0: i32) -> (i32, i32) {
    %c0_i32 = arith.constant 0 : i32
    %c0_i32_0 = arith.constant 0 : i32
    %c0_i32_1 = arith.constant 0 : i32
    return %c0_i32, %c0_i32_0 : i32, i32
  }
  func.func @transform_5(%arg0: i32) -> (i32, i32) {
    %c0_i32 = arith.constant 0 : i32
    %c0_i32_0 = arith.constant 0 : i32
    %c0_i32_1 = arith.constant 0 : i32
    return %c0_i32, %c0_i32_0 : i32, i32
  }
  func.func @transform_6(%arg0: i32) -> (i32, i32) {
    %c0_i32 = arith.constant 0 : i32
    %c0_i32_0 = arith.constant 0 : i32
    %c0_i32_1 = arith.constant 0 : i32
    return %c0_i32, %c0_i32_0 : i32, i32
  }
}

</mosaic_0001>

<sc_bundles>
// kernel: kernel.10.cloned.1.call-start
scs
__scs_entry_jumppad:
0x0: {  	(pc) =	sbr.rel $0x88, $3  }
0x1: {  	(tag) =	ssettag $0x0;
	lr =	simm.s32 $0x1  }
0x2: {  	[smem:$0x3F9E] =	sst lr;
	_ =	strace $0xD0000000  }
0x3: {  	_ = 	snop  }
0x4: {  	_ = 	snop  }
0x5: {  	_ = 	snop  }
0x6: {  	_ = 	snop  }
0x7: {  	_ = 	snop  }
__scs_overlays_trampoline_lowered:
0x8: {  	[smem:$0x3FAD] =	sst s0  }
0x9: {  	[smem:$0x3FAE] =	sst s1  }
0xa: {  	[smem:$0x3FAF] =	sst s2  }
0xb: {  	[smem:$0x3FB0] =	sst s3  }
0xc: {  	[smem:$0x3FB1] =	sst s4  }
0xd: {  	[smem:$0x3FB2] =	sst s5  }
0xe: {  	[smem:$0x3FB3] =	sst s6  }
0xf: {  	[smem:$0x3FB4] =	sst s7  }
0x10: {  	[smem:$0x3FB5] =	sst s8  }
0x11: {  	[smem:$0x3FB6] =	sst s9;
	s0 =	simm.s32 @!p0 $0x0  }
0x12: {  	s1 =	sld [smem:$0x3F9C];
	s0 =	simm.s32 @p0 $0x1  }
0x13: {  	[smem:$0x3FB7] =	sst s0;
	s0 =	simm.s32 @!p1 $0x0  }
0x14: {  	s2 =	sld [smem:$0x3F9B];
	s0 =	simm.s32 @p1 $0x1  }
0x15: {  	[smem:$0x3FB8] =	sst s0;
	s0 =	simm.s32 @!p2 $0x0  }
0x16: {  	s3 =	sld [smem:$0x3FDB];
	s0 =	simm.s32 @p2 $0x1  }
0x17: {  	s4 =	simm.s32 $0x1BF5;
	[smem:$0x3FBA] =	sst s0  }
0x18: {  	s0 =	sld [smem:$0x3F9D];
	_ =	swait.ge [sflag:s4], $0x0  }
0x19: {  	s7 =	sld [smem:$0x3F9E]  }
0x1a: {  	s8 =	sadd.s32 $0xFFFFE003, lr  }
0x1b: {  	s9 =	sadd.s32 $0xFFFFFEF7, lr;
	s5 =	simm.s32 $0xFFFFFFFF;
	p2 =	slt.u32 s8, $0xFFFFF086  }
0x1c: {  	p1 =	slt.u32 s9, $0xF7A;
	s5 =	simm.s32 @!p2 $0x0  }
0x1d: {  	s5 =	simm.s32 @p1 $0x1;
	p0 =	seq.s32 s7, s2  }
0x1e: {  	s7 =	smul.u32 @!p0 $0xF7A, s2;
	p2 =	seq.s32 @!p0 s5, $0x0  }
0x1f: {  	s9 =	smul.u32 $0xF7A, s1;
	s8 =	simm.s32 @!p0 $0x1BF5;
	p2 =	por !p2, p0  }
0x20: {  	[sflag:s8] =	ssyncset.s32 @!p0 $0xFFFFF086;
	s6 =	sadd.s32 @!p0 s3, s7;
	s7 =	simm.s32 @!p0 $0x108  }
0x21: {  	s3 =	sadd.s32 s3, s9;
	s6 =	sadd.s32 @!p0 $0x88, s6;
	s7 =	simm.s32 @p2 $0x1082  }
0x22: {  	[simem:s7], [sflag:s8] =	dma.local @!p0 [hbm:s6], $0xF7A  }
0x23: {  	s9 =	sor.u32 $0xD0000000, s2;
	s6 =	simm.s32 $0x108;
	_ =	swait.ge @!p0 [sflag:s8], $0x0  }
0x24: {  	s3 =	sadd.s32 $0x88, s3;
	s6 =	simm.s32 @!p1 $0x1082;
	[sflag:s4] =	ssyncset.s32 $0xFFFFF086  }
0x25: {  	[simem:s6], [sflag:s4] =	dma.local [hbm:s3], $0xF7A  }
0x26: {  	[smem:$0x3F9E] =	sst s1;
	(tag) =	ssettag s2;
	_ =	strace s9  }
0x27: {  	s1 =	sld [smem:$0x3FAE]  }
0x28: {  	s2 =	sld [smem:$0x3FAF]  }
0x29: {  	s4 =	sld [smem:$0x3FB1]  }
0x2a: {  	p0 =	seq.s32 s5, $0x0;
	s5 =	sld [smem:$0x3FB2]  }
0x2b: {  	s6 =	sld [smem:$0x3FB3]  }
0x2c: {  	s7 =	sld [smem:$0x3FB4]  }
0x2d: {  	s3 =	simm.s32 $0x108;
	s8 =	sld [smem:$0x3FB5]  }
0x2e: {  	s3 =	simm.s32 @!p0 $0x1082;
	s9 =	sld [smem:$0x3FB6]  }
0x2f: {  	lr =	sadd.s32 s0, s3;
	s0 =	sld [smem:$0x3FAD]  }
0x30: {  	s3 =	sld [smem:$0x3FB0]  }
0x31: {  	[smem:$0x3FB9] =	sst s10  }
0x32: {  	s10 =	sld [smem:$0x3FB7];
	_ =	sdelay $0x3  }
0x33: {  	p0 =	seq.s32 s10, $0x1;
	s10 =	sld [smem:$0x3FB9];
	_ =	sdelay $0x3  }
0x34: {  	[smem:$0x3FB9] =	sst s10  }
0x35: {  	s10 =	sld [smem:$0x3FB8];
	_ =	sdelay $0x3  }
0x36: {  	p1 =	seq.s32 s10, $0x1;
	s10 =	sld [smem:$0x3FB9];
	_ =	sdelay $0x3  }
0x37: {  	[smem:$0x3FB9] =	sst s10  }
0x38: {  	s10 =	sld [smem:$0x3FBA]  }
0x39: {  	_ = 	snop;
	(pc) =	sbr.ind lr, $3  }
0x3a: {  	_ = 	snop  }
0x3b: {  	_ = 	snop  }
0x3c: {  	p2 =	seq.s32 s10, $0x1;
	s10 =	sld [smem:$0x3FB9]  }
0x3d: {  	_ =	shalt  }
0x3e: {  	_ =	shalt  }
0x3f: {  	_ =	shalt  }
0x40: {  	_ =	shalt  }
0x41: {  	_ =	shalt  }
0x42: {  	_ =	shalt  }
0x43: {  	_ =	shalt  }
0x44: {  	_ =	shalt  }
0x45: {  	_ =	shalt  }
0x46: {  	_ =	shalt  }
0x47: {  	_ =	shalt  }
0x48: {  	_ =	shalt  }
0x49: {  	_ =	shalt  }
0x4a: {  	_ =	shalt  }
0x4b: {  	_ =	shalt  }
0x4c: {  	_ =	shalt  }
0x4d: {  	_ =	shalt  }
0x4e: {  	_ =	shalt  }
0x4f: {  	_ =	shalt  }
0x50: {  	_ =	shalt  }
0x51: {  	_ =	shalt  }
0x52: {  	_ =	shalt  }
0x53: {  	_ =	shalt  }
0x54: {  	_ =	shalt  }
0x55: {  	_ =	shalt  }
0x56: {  	_ =	shalt  }
0x57: {  	_ =	shalt  }
0x58: {  	_ =	shalt  }
0x59: {  	_ =	shalt  }
0x5a: {  	_ =	shalt  }
0x5b: {  	_ =	shalt  }
0x5c: {  	_ =	shalt  }
0x5d: {  	_ =	shalt  }
0x5e: {  	_ =	shalt  }
0x5f: {  	_ =	shalt  }
0x60: {  	_ =	shalt  }
0x61: {  	_ =	shalt  }
0x62: {  	_ =	shalt  }
0x63: {  	_ =	shalt  }
0x64: {  	_ =	shalt  }
0x65: {  	_ =	shalt  }
0x66: {  	_ =	shalt  }
0x67: {  	_ =	shalt  }
0x68: {  	_ =	shalt  }
0x69: {  	_ =	shalt  }
0x6a: {  	_ =	shalt  }
0x6b: {  	_ =	shalt  }
0x6c: {  	_ =	shalt  }
0x6d: {  	_ =	shalt  }
0x6e: {  	_ =	shalt  }
0x6f: {  	_ =	shalt  }
0x70: {  	_ =	shalt  }
0x71: {  	_ =	shalt  }
0x72: {  	_ =	shalt  }
0x73: {  	_ =	shalt  }
0x74: {  	_ =	shalt  }
0x75: {  	_ =	shalt  }
0x76: {  	_ =	shalt  }
0x77: {  	_ =	shalt  }
0x78: {  	_ =	shalt  }
0x79: {  	_ =	shalt  }
0x7a: {  	_ =	shalt  }
0x7b: {  	_ =	shalt  }
0x7c: {  	_ =	shalt  }
0x7d: {  	_ =	shalt  }
0x7e: {  	_ =	shalt  }
0x7f: {  	_ =	shalt  }
0x80: {  	_ =	shalt  }
0x81: {  	_ =	shalt  }
0x82: {  	_ =	shalt  }
0x83: {  	_ =	shalt  }
0x84: {  	_ =	shalt  }
0x85: {  	_ =	shalt  }
0x86: {  	_ =	shalt  }
0x87: {  	_ =	shalt  }
.Lfunc_end0:
.L_simem_size_0:
called_computation.1_lowered:
.L_overlay_start_0:
0x88: {  	s2 =	sld [smem:$0x3FD9]  }
0x89: {  	s3 =	sld [smem:$0x3FFE];
	_ =	sdelay $0x1  }
0x8a: {  	s1 =	srdreg.scid  }
0x8b: {  	s0 =	sand.u32 $0x1, s1  }
0x8c: {  	s17 =	sshll.u32 s0, $0xA;
	s2 =	sadd.s32 s3, s2  }
0x8d: {  	s2 =	sadd.s32 s2, s17  }
0x8e: {  	[smem:$0x3FC5] =	sst s2  }
0x8f: {  	_ = 	snop  }
0x90: {  	s18 =	sld [smem:$0x3FC7];
	(tm) =	ssettm $0x1  }
0x91: {  	s19 =	sld [smem:$0x3FFB];
	_ =	sdelay $0x3  }
0x92: {  	_ =	strace s19  }
0x93: {  	s2 =	sld [smem:$0x3FFC];
	_ =	sdelay $0x3  }
0x94: {  	_ =	strace s2  }
0x95: {  	s2 =	sld [smem:$0x3FFD];
	_ =	sdelay $0x3  }
0x96: {  	_ =	strace s2  }
0x97: {  	_ =	strace $0x8FFFFFFF  }
0x98: {  	s20 =	sld [smem:$0x3FDB];
	_ =	sdelay $0x1  }
0x99: {  	s4 =	simm.s32 $_scs_section_size  }
0x9a: {  	s5 =	simm.s32 $_size__tile_overlayer_lowered;
	s6 =	simm.s32 $_tile_overlayer_lowered  }
0x9b: {  	s7 =	simm.s32 $0x1BFF;
	s21 =	sshll.u32 s6, $0x1;
	s4 =	sadd.s32 s4, s20  }
0x9c: {  	s22 =	simm.s32 $0x0;
	s5 =	sshll.u32 s5, $0x1;
	s6 =	sadd.s32 s21, s4  }
0x9d: {  	[timem:s22], [sflag:s7] =	dma.local [hbm:s6], s5  }
0x9e: {  	_ =	swait.ge [sflag:s7], s5  }
0x9f: {  	s5 =	ssub.s32 $0x0, s5;
	[sflag:s7] =	ssyncset.done $0x0  }
0xa0: {  	[sflag:s7] =	ssyncadd.s32 s5;
	_ =	sdelay $0x1  }
0xa1: {  	s23 =	simm.s32 $0x1B8B  }
0xa2: {  	_ =	swait.ge [sflag:s23], $0x1  }
0xa3: {  	[sflag:s23] =	ssyncset.done $0x0  }
0xa4: {  	[sflag:s23] =	ssyncadd.s32 $0xFFFFFFFF  }
0xa5: {  	s5 =	sld [smem:$0x0]  }
0xa6: {  	s6 =	sand.u32 $0xFFFFFFFE, s1  }
0xa7: {  	p0 =	sne.s32 s1, s6  }
0xa8: {  	s6 =	sshll.u32 @p0 s6, $0xE  }
0xa9: {  	s6 =	sadd.s32 @p0 $0x11B8D, s6;
	s7 =	sshll.u32 @p0 s5, $0x11  }
0xaa: {  	s6 =	sor.u32 @p0 s7, s6  }
0xab: {  	[sflag:s6] =	ssyncadd.remote.s32 @p0 $0x1;
	_ =	sdelay $0x1  }
0xac: {  	s6 =	simm.s32 @p0 $0x1B8D  }
0xad: {  	_ =	swait.eq @p0 [sflag:s6], $0x1  }
0xae: {  	[sflag:s6] =	ssyncadd.s32 @p0 $0xFFFFFFFF  }
0xaf: {  	s7 =	sshll.u32 @!p0 s1, $0xE  }
0xb0: {  	s7 =	sor.u32 @!p0 $0x4000, s7;
	s6 =	simm.s32 @!p0 $0x1B8D  }
0xb1: {  	s5 =	sshll.u32 @!p0 s5, $0x11;
	s7 =	sadd.s32 @!p0 $0x11B8D, s7;
	_ =	swait.eq @!p0 [sflag:s6], $0x1  }
0xb2: {  	s5 =	sor.u32 @!p0 s5, s7;
	[sflag:s6] =	ssyncadd.s32 @!p0 $0xFFFFFFFF  }
0xb3: {  	s25 =	simm.s32 $0x1B8E;
	s24 =	sld [smem:$0x3FFE];
	[sflag:s5] =	ssyncadd.remote.s32 @!p0 $0x1  }
0xb4: {  	s26 =	simm.s32 $execute0_lowered;
	[smem:$0x3FD2] =	sst s25  }
0xb5: {  	s6 =	sshll.u32 s26, $0x1;
	_ =	strace $0x80000049;
	[dreg:$0x1] =	wrdreg $0xFFFFFFFF  }
0xb6: {  	s28 =	simm.s32 $_size_execute0_lowered;
	s4 =	sadd.s32 s4, s6;
	[dreg:$0x0] =	wrdreg $0x0  }
0xb7: {  	s6 =	sshll.u32 s28, $0x1;
	[dreg:$0x2] =	wrdreg s4  }
0xb8: {  	[dreg:$0x3] =	wrdreg s6  }
0xb9: {  	[dreg:$0x4] =	wrdreg $0xC0  }
0xba: {  	_ =	task [dreg:s22], $0x5FFFF  }
0xbb: {  	[dreg:$0x1] =	wrdreg $0xFFFFFFFF  }
0xbc: {  	[dreg:$0x0] =	wrdreg $0x60  }
0xbd: {  	[dreg:$0x2] =	wrdreg s18  }
0xbe: {  	[dreg:$0x3] =	wrdreg s24  }
0xbf: {  	[dreg:$0x4] =	wrdreg $0xA  }
0xc0: {  	_ =	task.clear_ibuf [dreg:s22], $0x5FFFF;
	_ =	strace $0x90000049  }
0xc1: {  	s29 =	simm.s32 $0xA;
	_ =	strace $0x8000004B  }
0xc2: {  	_ =	swait.ge [sflag:s29], $0x1  }
0xc3: {  	[sflag:s29] =	ssyncadd.s32 $0xFFFFFFFF  }
0xc4: {  	_ =	strace $0x9000004B  }
0xc5: {  	_ =	sfence  }
0xc6: {  	s30 =	sld [smem:$0x0];
	_ =	sdelay $0x2  }
0xc7: {  	s31 =	sshll.u32 s1, $0xD;
	s1 =	sshrl.u32 s1, $0x2  }
0xc8: {  	s4 =	sand.u32 $0x4000, s31;
	s1 =	sadd.s32 s1, s30  }
0xc9: {  	s0 =	sor.u32 s4, s0;
	s1 =	sshll.u32 s1, $0x11  }
0xca: {  	s0 =	sor.u32 s1, s0  }
0xcb: {  	s0 =	sadd.s32 $0x8F2B, s0  }
0xcc: {  	[sflag:s0] =	ssyncadd.remote.s32 $0x1  }
0xcd: {  	_ =	sfence.sel $0xFFFF  }
0xce: {  	[dreg:$0x0] =	wrdreg $0xFFFFFFFF;
	(pc) =	sbr.abs _section_cstart, $3  }
0xcf: {  	[dreg:$0x1] =	wrdreg $0xFFFFFFFF  }
0xd0: {  	_ =	task.clear_ibuf [dreg:s22], $0x2FFFF;
	_ =	strace $0x9FFFFFFF  }
0xd1: {  	(tm) =	ssettm $0x7FFFFFFF  }
tec
execute0_lowered:
.L_overlay_start_1:
0x0: {  	(tag) =	ssettag $0x1  }
0x1: {  	s1 =	rddreg [dreg:$0x0]  }
0x2: {  	s0 =	rddreg [dreg:$0x1];
	s3 =	simm.s32 $0x0;
	s4 =	srdreg.scid  }
0x3: {  	s2 =	stileid.u32;
	s13 =	simm.s32 $0x5;
	s14 =	simm.s32 $0x8000  }
0x4: {  	s15 =	simm.s32 $0x1;
	s16 =	simm.s32 $0x10000;
	s17 =	simm.s32 $0x2  }
0x5: {  	s18 =	simm.s32 $0x4;
	s19 =	simm.s32 $0x12000;
	s20 =	simm.s32 $0x3  }
0x6: {  	s21 =	simm.s32 $0x0;
	[smem:$0x7FF] =	sst s3;
	s4 =	sand.u32 $0x1, s4  }
0x7: {  	s7 =	sshll.u32 s2, $0x6;
	_ =	strace $0x8000004A;
	s6 =	ssub.s32 $0x2, s4  }
0x8: {  	s5 =	sshll.u32 s4, $0xA;
	s4 =	sadd.s32 $0x1800, s0;
	s8 =	sshrl.u32 s6, $0x1  }
0x9: {  	s10 =	sor.u32 s7, s5;
	s5 =	sadd.s32 $0x41A00, s0;
	s28 =	ssub.s32 s6, s8  }
0xa: {  	s29 =	sor.u32 $0x800, s10;
	s31 =	sshll.u32 s10, $0x7;
	s10 =	sshrl.u32 s10, $0x3  }
0xb: {  	s30 =	sshll.u32 s29, $0x9;
	s6 =	sshrl.u32 s29, $0x3;
	s8 =	sadd.s32 s5, s31  }
0xc: {  	s11 =	smax.u32 s28, $0x1;
	s7 =	sadd.s32 s1, s30;
	s9 =	sor.u32 $0x2, s6  }
.LBB2_1:
0xd: {  	s0 =	simm.s32 $0x14000  }
0xe: {  	[tilespmem:s0], [sflag:$0x5] =	stream.linear.gather [hbm4b:s4+s3], $0x800, $0x38;
	[tilespmem:$0x14800] =	vst v63  }
0xf: {  	_ =	swait.ge [sflag:s13], $0x800  }
0x10: {  	[sflag:s13] =	ssyncset.done $0x0  }
0x11: {  	s22 =	simm.s32 $0x0;
	[sflag:s13] =	ssyncadd.s32 $0xFFFFF800  }
0x12: {  	[tilespmem:s3], [sflag:$0x1] =	stream.linear.gather [hbm4b:s7+s3], $0x8000, $0x38;
	[tilespmem:$0x14800] =	vst v63  }
.LBB2_2:
0x13: {  	s23 =	sshllo.u32 s22, $0x1  }
0x14: {  	s0 =	sadd.s32 s6, s23  }
0x15: {  	s0 =	sshll.u32 s0, $0xC  }
0x16: {  	s0 =	sadd.s32 s1, s0  }
0x17: {  	[tilespmem:s14], [sflag:$0x2] =	stream.linear.gather [hbm4b:s0+s3], $0x8000, $0x38;
	[tilespmem:$0x14800] =	vst v63  }
0x18: {  	_ =	swait.ge [sflag:s15], $0x8000  }
0x19: {  	p0 =	seq.s32 s22, $0x0;
	[sflag:s15] =	ssyncset.done $0x0  }
0x1a: {  	s0 =	simm.s32 @!p0 $0x3;
	[sflag:s15] =	ssyncadd.s32 $0xFFFF8000  }
0x1b: {  	s24 =	sshll.u32 s22, $0x1;
	s25 =	simm.s32 $0x10;
	_ =	swait.ge @!p0 [sflag:s0], $0x2000  }
0x1c: {  	s26 =	simm.s32 $0x0;
	s28 =	simm.s32 $0x0;
	[sflag:s0] =	ssyncset.done @!p0 $0x0  }
0x1d: {  	s29 =	simm.s32 $0x0;
	s30 =	simm.s32 $0x10;
	[sflag:s0] =	ssyncadd.s32 @!p0 $0xFFFFE000  }
.LBB2_3:
0x1e: {  	s31 =	sshra.s32 s28, $0x2  }
0x1f: {  	v0 =	vld [tilespmem:s31+$0x14000]  }
0x20: {  	v1 =	vld [tilespmem:s31+$0x14010];
	_ =	sdelay $0x3  }
0x21: {  	v2 =	vshll.u32 v0, $0x3  }
0x22: {  	v0 =	vand.u32 $0x7F, v0;
	v3 =	vshll.u32 v1, $0x3;
	v2 =	vand.u32 $0xFFFFFC00, v2  }
0x23: {  	v1 =	vand.u32 $0x7F, v1;
	v21 =	vand.u32 $0xFFFFFC00, v3;
	v0 =	vor.u32 v0, v2  }
0x24: {  	v1 =	vor.u32 v1, v21;
	_ =	sdelay $0x3  }
0x25: {  	v22 =	vld.idx.msk [tilespmem:v0+s3+$0x0], $0xffff  }
0x26: {  	v23 =	vld.idx.msk [tilespmem:v1+s3+$0x0], $0xffff;
	_ =	sdelay $0x1  }
0x27: {  	v4 =	vor.u32 $0x80, v0  }
0x28: {  	s2 =	sadd.s32 $0xFFFFFFF0, s30;
	s0 =	sand.u32 $0x1C00, s28;
	v5 =	vor.u32 $0x80, v1  }
0x29: {  	s12 =	sand.u32 $0x60, s2;
	s0 =	sor.u32 $0x10000, s0  }
0x2a: {  	s12 =	sor.u32 s12, s0;
	v2 =	vpack.i.f32.bf16 v23, v22  }
0x2b: {  	[tilespmem:s12+$0x0] =	vst v2  }
0x2c: {  	v2 =	vld.idx.msk [tilespmem:v4+s3+$0x0], $0xffff  }
0x2d: {  	v24 =	vld.idx.msk [tilespmem:v5+s3+$0x0], $0xffff;
	_ =	sdelay $0x1  }
0x2e: {  	v25 =	vor.u32 $0x100, v0  }
0x2f: {  	v26 =	vor.u32 $0x100, v1;
	_ =	sdelay $0x1  }
0x30: {  	v2 =	vpack.i.f32.bf16 v24, v2  }
0x31: {  	[tilespmem:s12+$0x80] =	vst v2  }
0x32: {  	v2 =	vld.idx.msk [tilespmem:v25+s3+$0x0], $0xffff  }
0x33: {  	v27 =	vld.idx.msk [tilespmem:v26+s3+$0x0], $0xffff;
	_ =	sdelay $0x1  }
0x34: {  	v28 =	vor.u32 $0x180, v0  }
0x35: {  	v29 =	vor.u32 $0x180, v1;
	_ =	sdelay $0x1  }
0x36: {  	v2 =	vpack.i.f32.bf16 v27, v2  }
0x37: {  	[tilespmem:s12+$0x100] =	vst v2  }
0x38: {  	v2 =	vld.idx.msk [tilespmem:v28+s3+$0x0], $0xffff  }
0x39: {  	v30 =	vld.idx.msk [tilespmem:v29+s3+$0x0], $0xffff;
	_ =	sdelay $0x1  }
0x3a: {  	v31 =	vor.u32 $0x200, v0  }
0x3b: {  	v32 =	vor.u32 $0x200, v1;
	_ =	sdelay $0x1  }
0x3c: {  	v2 =	vpack.i.f32.bf16 v30, v2  }
0x3d: {  	[tilespmem:s12+$0x180] =	vst v2  }
0x3e: {  	v2 =	vld.idx.msk [tilespmem:v31+s3+$0x0], $0xffff  }
0x3f: {  	v33 =	vld.idx.msk [tilespmem:v32+s3+$0x0], $0xffff;
	_ =	sdelay $0x1  }
0x40: {  	v34 =	vor.u32 $0x280, v0  }
0x41: {  	v35 =	vor.u32 $0x280, v1;
	_ =	sdelay $0x1  }
0x42: {  	v2 =	vpack.i.f32.bf16 v33, v2  }
0x43: {  	[tilespmem:s12+$0x200] =	vst v2  }
0x44: {  	v2 =	vld.idx.msk [tilespmem:v34+s3+$0x0], $0xffff  }
0x45: {  	v36 =	vld.idx.msk [tilespmem:v35+s3+$0x0], $0xffff;
	_ =	sdelay $0x1  }
0x46: {  	v37 =	vor.u32 $0x300, v0  }
0x47: {  	v38 =	vor.u32 $0x300, v1;
	_ =	sdelay $0x1  }
0x48: {  	v2 =	vpack.i.f32.bf16 v36, v2  }
0x49: {  	[tilespmem:s12+$0x280] =	vst v2  }
0x4a: {  	v2 =	vld.idx.msk [tilespmem:v37+s3+$0x0], $0xffff  }
0x4b: {  	v39 =	vld.idx.msk [tilespmem:v38+s3+$0x0], $0xffff;
	_ =	sdelay $0x1  }
0x4c: {  	v0 =	vor.u32 $0x380, v0;
	s12 =	sand.u32 $0x3, s26  }
0x4d: {  	v1 =	vor.u32 $0x380, v1;
	s12 =	sshll.u32 s12, $0x5  }
0x4e: {  	s12 =	sadd.s32 s12, s28  }
0x4f: {  	s12 =	sor.u32 $0x300, s12;
	v2 =	vpack.i.f32.bf16 v39, v2  }
0x50: {  	[tilespmem:s12+$0x10000] =	vst v2  }
0x51: {  	v0 =	vld.idx.msk [tilespmem:v0+s3+$0x0], $0xffff  }
0x52: {  	v1 =	vld.idx.msk [tilespmem:v1+s3+$0x0], $0xffff;
	_ =	sdelay $0x3  }
0x53: {  	s2 =	sor.u32 s28, s2  }
0x54: {  	s2 =	sor.u32 $0x380, s2;
	v0 =	vpack.i.f32.bf16 v1, v0  }
0x55: {  	[tilespmem:s2+$0x10000] =	vst v0  }
0x56: {  	v0 =	vld [tilespmem:s31+$0x14020]  }
0x57: {  	v40 =	vld [tilespmem:s31+$0x14030];
	_ =	sdelay $0x3  }
0x58: {  	v41 =	vshll.u32 v0, $0x3  }
0x59: {  	v0 =	vand.u32 $0x7F, v0;
	v42 =	vshll.u32 v40, $0x3;
	v2 =	vand.u32 $0xFFFFFC00, v41  }
0x5a: {  	v1 =	vand.u32 $0x7F, v40;
	v43 =	vand.u32 $0xFFFFFC00, v42;
	v0 =	vor.u32 v0, v2  }
0x5b: {  	v1 =	vor.u32 v1, v43;
	_ =	sdelay $0x3  }
0x5c: {  	v44 =	vld.idx.msk [tilespmem:v0+s3+$0x0], $0xffff  }
0x5d: {  	v45 =	vld.idx.msk [tilespmem:v1+s3+$0x0], $0xffff;
	_ =	sdelay $0x1  }
0x5e: {  	v46 =	vor.u32 $0x80, v0  }
0x5f: {  	v47 =	vor.u32 $0x80, v1  }
0x60: {  	s31 =	sand.u32 $0x70, s30  }
0x61: {  	s0 =	sor.u32 s31, s0;
	v2 =	vpack.i.f32.bf16 v45, v44  }
0x62: {  	[tilespmem:s0+$0x0] =	vst v2  }
0x63: {  	v2 =	vld.idx.msk [tilespmem:v46+s3+$0x0], $0xffff  }
0x64: {  	v48 =	vld.idx.msk [tilespmem:v47+s3+$0x0], $0xffff;
	_ =	sdelay $0x1  }
0x65: {  	v49 =	vor.u32 $0x100, v0  }
0x66: {  	v50 =	vor.u32 $0x100, v1;
	_ =	sdelay $0x1  }
0x67: {  	v2 =	vpack.i.f32.bf16 v48, v2  }
0x68: {  	[tilespmem:s0+$0x80] =	vst v2  }
0x69: {  	v2 =	vld.idx.msk [tilespmem:v49+s3+$0x0], $0xffff  }
0x6a: {  	v51 =	vld.idx.msk [tilespmem:v50+s3+$0x0], $0xffff;
	_ =	sdelay $0x1  }
0x6b: {  	v52 =	vor.u32 $0x180, v0  }
0x6c: {  	v53 =	vor.u32 $0x180, v1;
	_ =	sdelay $0x1  }
0x6d: {  	v2 =	vpack.i.f32.bf16 v51, v2  }
0x6e: {  	[tilespmem:s0+$0x100] =	vst v2  }
0x6f: {  	v2 =	vld.idx.msk [tilespmem:v52+s3+$0x0], $0xffff  }
0x70: {  	v54 =	vld.idx.msk [tilespmem:v53+s3+$0x0], $0xffff;
	_ =	sdelay $0x1  }
0x71: {  	v55 =	vor.u32 $0x200, v0  }
0x72: {  	v56 =	vor.u32 $0x200, v1;
	_ =	sdelay $0x1  }
0x73: {  	v2 =	vpack.i.f32.bf16 v54, v2  }
0x74: {  	[tilespmem:s0+$0x180] =	vst v2  }
0x75: {  	v2 =	vld.idx.msk [tilespmem:v55+s3+$0x0], $0xffff  }
0x76: {  	v57 =	vld.idx.msk [tilespmem:v56+s3+$0x0], $0xffff;
	_ =	sdelay $0x1  }
0x77: {  	v58 =	vor.u32 $0x280, v0  }
0x78: {  	v59 =	vor.u32 $0x280, v1;
	_ =	sdelay $0x1  }
0x79: {  	v2 =	vpack.i.f32.bf16 v57, v2  }
0x7a: {  	[tilespmem:s0+$0x200] =	vst v2  }
0x7b: {  	v2 =	vld.idx.msk [tilespmem:v58+s3+$0x0], $0xffff  }
0x7c: {  	v60 =	vld.idx.msk [tilespmem:v59+s3+$0x0], $0xffff;
	_ =	sdelay $0x1  }
0x7d: {  	v61 =	vor.u32 $0x300, v0  }
0x7e: {  	v62 =	vor.u32 $0x300, v1;
	_ =	sdelay $0x1  }
0x7f: {  	v2 =	vpack.i.f32.bf16 v60, v2  }
0x80: {  	[tilespmem:s0+$0x280] =	vst v2  }
0x81: {  	v2 =	vld.idx.msk [tilespmem:v61+s3+$0x0], $0xffff  }
0x82: {  	v63 =	vld.idx.msk [tilespmem:v62+s3+$0x0], $0xffff;
	_ =	sdelay $0x1  }
0x83: {  	s12 =	sand.u32 $0x7, s29;
	v0 =	vor.u32 $0x380, v0  }
0x84: {  	v1 =	vor.u32 $0x380, v1;
	s0 =	sshll.u32 s12, $0x4  }
0x85: {  	s0 =	sadd.s32 s0, s25  }
0x86: {  	s31 =	sor.u32 $0x300, s0;
	v2 =	vpack.i.f32.bf16 v63, v2  }
0x87: {  	[tilespmem:s31+$0x10000] =	vst v2  }
0x88: {  	v0 =	vld.idx.msk [tilespmem:v0+s3+$0x0], $0xffff  }
0x89: {  	v1 =	vld.idx.msk [tilespmem:v1+s3+$0x0], $0xffff  }
0x8a: {  	p1 =	sne.s32 s30, $0x3F0  }
.Ltmp0:
0x8b: {  	_ = 	snop;
	(pc) =	sbr.rel @p1 .LBB2_3-.Ltmp0, $3  }
0x8c: {  	_ =	sdelay $0x1  }
0x8d: {  	s26 =	sadd.s32 $0x1, s26;
	s28 =	sadd.s32 $0x100, s28;
	s0 =	sor.u32 $0x380, s0;
	v0 =	vpack.i.f32.bf16 v1, v0  }
0x8e: {  	s29 =	sadd.s32 $0x2, s29;
	s30 =	sadd.s32 $0x20, s30;
	s25 =	sadd.s32 $0x100, s25;
	[tilespmem:s0+$0x10000] =	vst v0  }
0x8f: {  	p1 =	sne.s32 s22, $0x3  }
.Ltmp1:
0x90: {  	_ = 	snop;
	(pc) =	sbr.rel @p1 .LBB2_6-.Ltmp1, $4  }
0x91: {  	_ = 	snop  }
0x92: {  	s0 =	sshll.u32 s22, $0xB  }
0x93: {  	s0 =	sadd.s32 s0, s8  }
0x94: {  	[hbm4b:s0+s3] =	stream.linear.scatter [tilespmem:s16], [sflag:$0x3], $0x2000, $0x38;
	[tilespmem:$0x14800] =	vst v63  }
.Ltmp2:
0x95: {  	(pc) =	sbr.rel .LBB2_7-.Ltmp2, $4  }
0x96: {  	_ = 	snop  }
0x97: {  	_ =	swait.ge [sflag:s17], $0x8000  }
0x98: {  	[sflag:s17] =	ssyncset.done $0x0  }
0x99: {  	[sflag:s17] =	ssyncadd.s32 $0xFFFF8000  }
.LBB2_6:
0x9a: {  	s0 =	sadd.s32 s24, s9  }
0x9b: {  	s0 =	sshll.u32 s0, $0xC  }
0x9c: {  	s0 =	sand.u32 $0x1FFFE000, s0  }
.Ltmp3:
0x9d: {  	s0 =	sadd.s32 s1, s0;
	(pc) =	sbr.rel @p0 .LBB2_8-.Ltmp3, $4  }
0x9e: {  	[tilespmem:s3], [sflag:$0x1] =	stream.linear.gather [hbm4b:s0+s3], $0x8000, $0x38;
	[tilespmem:$0x14800] =	vst v63  }
0x9f: {  	_ =	swait.ge [sflag:s17], $0x8000  }
0xa0: {  	[sflag:s17] =	ssyncset.done $0x0  }
0xa1: {  	[sflag:s17] =	ssyncadd.s32 $0xFFFF8000  }
.LBB2_7:
0xa2: {  	_ =	swait.ge [sflag:s18], $0x2000  }
0xa3: {  	[sflag:s18] =	ssyncset.done $0x0  }
0xa4: {  	[sflag:s18] =	ssyncadd.s32 $0xFFFFE000  }
.LBB2_8:
0xa5: {  	s24 =	simm.s32 $0x10;
	s25 =	simm.s32 $0x0  }
0xa6: {  	s26 =	simm.s32 $0x0;
	s28 =	simm.s32 $0x0;
	s29 =	simm.s32 $0x10  }
.LBB2_9:
0xa7: {  	s30 =	sshra.s32 s26, $0x2  }
0xa8: {  	v0 =	vld [tilespmem:s30+$0x14000]  }
0xa9: {  	v1 =	vld [tilespmem:s30+$0x14010];
	_ =	sdelay $0x3  }
0xaa: {  	v2 =	vshll.u32 v0, $0x3  }
0xab: {  	v0 =	vand.u32 $0x7F, v0;
	v3 =	vshll.u32 v1, $0x3;
	v2 =	vand.u32 $0xFFFFFC00, v2  }
0xac: {  	v1 =	vand.u32 $0x7F, v1;
	v21 =	vand.u32 $0xFFFFFC00, v3;
	v0 =	vor.u32 v0, v2  }
0xad: {  	v1 =	vor.u32 v1, v21;
	_ =	sdelay $0x3  }
0xae: {  	v22 =	vld.idx.msk [tilespmem:v0+s14+$0x0], $0xffff  }
0xaf: {  	v23 =	vld.idx.msk [tilespmem:v1+s14+$0x0], $0xffff;
	_ =	sdelay $0x1  }
0xb0: {  	v4 =	vor.u32 $0x80, v0  }
0xb1: {  	s2 =	sadd.s32 $0xFFFFFFF0, s29;
	s0 =	sand.u32 $0x1C00, s26;
	v5 =	vor.u32 $0x80, v1  }
0xb2: {  	s12 =	sand.u32 $0x60, s2;
	s0 =	sor.u32 $0x12000, s0  }
0xb3: {  	s12 =	sor.u32 s12, s0;
	v2 =	vpack.i.f32.bf16 v23, v22  }
0xb4: {  	[tilespmem:s12+$0x0] =	vst v2  }
0xb5: {  	v2 =	vld.idx.msk [tilespmem:v4+s14+$0x0], $0xffff  }
0xb6: {  	v24 =	vld.idx.msk [tilespmem:v5+s14+$0x0], $0xffff;
	_ =	sdelay $0x1  }
0xb7: {  	v25 =	vor.u32 $0x100, v0  }
0xb8: {  	v26 =	vor.u32 $0x100, v1;
	_ =	sdelay $0x1  }
0xb9: {  	v2 =	vpack.i.f32.bf16 v24, v2  }
0xba: {  	[tilespmem:s12+$0x80] =	vst v2  }
0xbb: {  	v2 =	vld.idx.msk [tilespmem:v25+s14+$0x0], $0xffff  }
0xbc: {  	v27 =	vld.idx.msk [tilespmem:v26+s14+$0x0], $0xffff;
	_ =	sdelay $0x1  }
0xbd: {  	v28 =	vor.u32 $0x180, v0  }
0xbe: {  	v29 =	vor.u32 $0x180, v1;
	_ =	sdelay $0x1  }
0xbf: {  	v2 =	vpack.i.f32.bf16 v27, v2  }
0xc0: {  	[tilespmem:s12+$0x100] =	vst v2  }
0xc1: {  	v2 =	vld.idx.msk [tilespmem:v28+s14+$0x0], $0xffff  }
0xc2: {  	v30 =	vld.idx.msk [tilespmem:v29+s14+$0x0], $0xffff;
	_ =	sdelay $0x1  }
0xc3: {  	v31 =	vor.u32 $0x200, v0  }
0xc4: {  	v32 =	vor.u32 $0x200, v1;
	_ =	sdelay $0x1  }
0xc5: {  	v2 =	vpack.i.f32.bf16 v30, v2  }
0xc6: {  	[tilespmem:s12+$0x180] =	vst v2  }
0xc7: {  	v2 =	vld.idx.msk [tilespmem:v31+s14+$0x0], $0xffff  }
0xc8: {  	v33 =	vld.idx.msk [tilespmem:v32+s14+$0x0], $0xffff;
	_ =	sdelay $0x1  }
0xc9: {  	v34 =	vor.u32 $0x280, v0  }
0xca: {  	v35 =	vor.u32 $0x280, v1;
	_ =	sdelay $0x1  }
0xcb: {  	v2 =	vpack.i.f32.bf16 v33, v2  }
0xcc: {  	[tilespmem:s12+$0x200] =	vst v2  }
0xcd: {  	v2 =	vld.idx.msk [tilespmem:v34+s14+$0x0], $0xffff  }
0xce: {  	v36 =	vld.idx.msk [tilespmem:v35+s14+$0x0], $0xffff;
	_ =	sdelay $0x1  }
0xcf: {  	v37 =	vor.u32 $0x300, v0  }
0xd0: {  	v38 =	vor.u32 $0x300, v1;
	_ =	sdelay $0x1  }
0xd1: {  	v2 =	vpack.i.f32.bf16 v36, v2  }
0xd2: {  	[tilespmem:s12+$0x280] =	vst v2  }
0xd3: {  	v2 =	vld.idx.msk [tilespmem:v37+s14+$0x0], $0xffff  }
0xd4: {  	v39 =	vld.idx.msk [tilespmem:v38+s14+$0x0], $0xffff;
	_ =	sdelay $0x1  }
0xd5: {  	s31 =	sand.u32 $0x3, s25;
	v0 =	vor.u32 $0x380, v0  }
0xd6: {  	v1 =	vor.u32 $0x380, v1;
	s12 =	sshll.u32 s31, $0x5  }
0xd7: {  	s12 =	sadd.s32 s12, s26  }
0xd8: {  	s12 =	sor.u32 $0x300, s12;
	v2 =	vpack.i.f32.bf16 v39, v2  }
0xd9: {  	[tilespmem:s12+$0x12000] =	vst v2  }
0xda: {  	v0 =	vld.idx.msk [tilespmem:v0+s14+$0x0], $0xffff  }
0xdb: {  	v1 =	vld.idx.msk [tilespmem:v1+s14+$0x0], $0xffff;
	_ =	sdelay $0x3  }
0xdc: {  	s2 =	sor.u32 s26, s2  }
0xdd: {  	s2 =	sor.u32 $0x380, s2;
	v0 =	vpack.i.f32.bf16 v1, v0  }
0xde: {  	[tilespmem:s2+$0x12000] =	vst v0  }
0xdf: {  	v0 =	vld [tilespmem:s30+$0x14020]  }
0xe0: {  	v40 =	vld [tilespmem:s30+$0x14030];
	_ =	sdelay $0x3  }
0xe1: {  	v41 =	vshll.u32 v0, $0x3  }
0xe2: {  	v0 =	vand.u32 $0x7F, v0;
	v42 =	vshll.u32 v40, $0x3;
	v2 =	vand.u32 $0xFFFFFC00, v41  }
0xe3: {  	v1 =	vand.u32 $0x7F, v40;
	v43 =	vand.u32 $0xFFFFFC00, v42;
	v0 =	vor.u32 v0, v2  }
0xe4: {  	v1 =	vor.u32 v1, v43;
	_ =	sdelay $0x3  }
0xe5: {  	v44 =	vld.idx.msk [tilespmem:v0+s14+$0x0], $0xffff  }
0xe6: {  	v45 =	vld.idx.msk [tilespmem:v1+s14+$0x0], $0xffff;
	_ =	sdelay $0x1  }
0xe7: {  	v46 =	vor.u32 $0x80, v0  }
0xe8: {  	v47 =	vor.u32 $0x80, v1  }
0xe9: {  	s12 =	sand.u32 $0x70, s29  }
0xea: {  	s0 =	sor.u32 s12, s0;
	v2 =	vpack.i.f32.bf16 v45, v44  }
0xeb: {  	[tilespmem:s0+$0x0] =	vst v2  }
0xec: {  	v2 =	vld.idx.msk [tilespmem:v46+s14+$0x0], $0xffff  }
0xed: {  	v48 =	vld.idx.msk [tilespmem:v47+s14+$0x0], $0xffff;
	_ =	sdelay $0x1  }
0xee: {  	v49 =	vor.u32 $0x100, v0  }
0xef: {  	v50 =	vor.u32 $0x100, v1;
	_ =	sdelay $0x1  }
0xf0: {  	v2 =	vpack.i.f32.bf16 v48, v2  }
0xf1: {  	[tilespmem:s0+$0x80] =	vst v2  }
0xf2: {  	v2 =	vld.idx.msk [tilespmem:v49+s14+$0x0], $0xffff  }
0xf3: {  	v51 =	vld.idx.msk [tilespmem:v50+s14+$0x0], $0xffff;
	_ =	sdelay $0x1  }
0xf4: {  	v52 =	vor.u32 $0x180, v0  }
0xf5: {  	v53 =	vor.u32 $0x180, v1;
	_ =	sdelay $0x1  }
0xf6: {  	v2 =	vpack.i.f32.bf16 v51, v2  }
0xf7: {  	[tilespmem:s0+$0x100] =	vst v2  }
0xf8: {  	v2 =	vld.idx.msk [tilespmem:v52+s14+$0x0], $0xffff  }
0xf9: {  	v54 =	vld.idx.msk [tilespmem:v53+s14+$0x0], $0xffff;
	_ =	sdelay $0x1  }
0xfa: {  	v55 =	vor.u32 $0x200, v0  }
0xfb: {  	v56 =	vor.u32 $0x200, v1;
	_ =	sdelay $0x1  }
0xfc: {  	v2 =	vpack.i.f32.bf16 v54, v2  }
0xfd: {  	[tilespmem:s0+$0x180] =	vst v2  }
0xfe: {  	v2 =	vld.idx.msk [tilespmem:v55+s14+$0x0], $0xffff  }
0xff: {  	v57 =	vld.idx.msk [tilespmem:v56+s14+$0x0], $0xffff;
	_ =	sdelay $0x1  }
0x100: {  	v58 =	vor.u32 $0x280, v0  }
0x101: {  	v59 =	vor.u32 $0x280, v1;
	_ =	sdelay $0x1  }
0x102: {  	v2 =	vpack.i.f32.bf16 v57, v2  }
0x103: {  	[tilespmem:s0+$0x200] =	vst v2  }
0x104: {  	v2 =	vld.idx.msk [tilespmem:v58+s14+$0x0], $0xffff  }
0x105: {  	v60 =	vld.idx.msk [tilespmem:v59+s14+$0x0], $0xffff;
	_ =	sdelay $0x1  }
0x106: {  	v61 =	vor.u32 $0x300, v0  }
0x107: {  	v62 =	vor.u32 $0x300, v1;
	_ =	sdelay $0x1  }
0x108: {  	v2 =	vpack.i.f32.bf16 v60, v2  }
0x109: {  	[tilespmem:s0+$0x280] =	vst v2  }
0x10a: {  	v2 =	vld.idx.msk [tilespmem:v61+s14+$0x0], $0xffff  }
0x10b: {  	v63 =	vld.idx.msk [tilespmem:v62+s14+$0x0], $0xffff;
	_ =	sdelay $0x1  }
0x10c: {  	s30 =	sand.u32 $0x7, s28;
	v0 =	vor.u32 $0x380, v0  }
0x10d: {  	v1 =	vor.u32 $0x380, v1;
	s0 =	sshll.u32 s30, $0x4  }
0x10e: {  	s0 =	sadd.s32 s0, s24  }
0x10f: {  	s31 =	sor.u32 $0x300, s0;
	v2 =	vpack.i.f32.bf16 v63, v2  }
0x110: {  	[tilespmem:s31+$0x12000] =	vst v2  }
0x111: {  	v0 =	vld.idx.msk [tilespmem:v0+s14+$0x0], $0xffff  }
0x112: {  	v1 =	vld.idx.msk [tilespmem:v1+s14+$0x0], $0xffff  }
0x113: {  	p0 =	sne.s32 s29, $0x3F0  }
.Ltmp4:
0x114: {  	_ = 	snop;
	(pc) =	sbr.rel @p0 .LBB2_9-.Ltmp4, $3  }
0x115: {  	_ =	sdelay $0x1  }
0x116: {  	s25 =	sadd.s32 $0x1, s25;
	s26 =	sadd.s32 $0x100, s26;
	s0 =	sor.u32 $0x380, s0;
	v0 =	vpack.i.f32.bf16 v1, v0  }
0x117: {  	s29 =	sadd.s32 $0x20, s29;
	s28 =	sadd.s32 $0x2, s28;
	s24 =	sadd.s32 $0x100, s24;
	[tilespmem:s0+$0x12000] =	vst v0  }
0x118: {  	s22 =	sadd.s32 $0x1, s22  }
0x119: {  	p0 =	sne.s32 s22, $0x4  }
.Ltmp5:
0x11a: {  	_ = 	snop;
	(pc) =	sbr.rel @p0 .LBB2_2-.Ltmp5, $4  }
0x11b: {  	s0 =	sadd.s32 s10, s23  }
0x11c: {  	s0 =	sshll.u32 s0, $0xA  }
0x11d: {  	s0 =	sadd.s32 s5, s0  }
0x11e: {  	[hbm4b:s0+s3] =	stream.linear.scatter [tilespmem:s19], [sflag:$0x4], $0x2000, $0x38;
	[tilespmem:$0x14800] =	vst v63  }
0x11f: {  	s21 =	sadd.s32 $0x1, s21  }
0x120: {  	_ =	swait.ge [sflag:s20], $0x2000;
	p0 =	sne.s32 s21, s11  }
.Ltmp6:
0x121: {  	[sflag:s20] =	ssyncset.done $0x0;
	(pc) =	sbr.rel @p0 .LBB2_1-.Ltmp6, $4  }
0x122: {  	[sflag:s20] =	ssyncadd.s32 $0xFFFFE000  }
0x123: {  	_ =	swait.ge [sflag:s18], $0x2000  }
0x124: {  	[sflag:s18] =	ssyncset.done $0x0  }
0x125: {  	[sflag:s18] =	ssyncadd.s32 $0xFFFFE000  }
0x126: {  	_ =	sfence.sel $0x180000  }
0x127: {  	[bflag:$0x0] =	sbarrier.arrive $0xFFFF  }
0x128: {  	_ =	strace $0x9000004A  }
0x129: {  	s0 =	stileid.u32;
	[bflag:$0x2] =	sbarrier.arrive $0xFFFF  }
0x12a: {  	p0 =	sne.s32 s0, $0x0;
	s0 =	rddreg [dreg:$0x2]  }
0x12b: {  	s0 =	sadd.s32 @!p0 $0x100000, s0  }
0x12c: {  	[sflag:s0] =	ssyncadd.tile.s32 @!p0 $0x1;
	_ =	shalt  }
.Lfunc_end2:
_tile_overlayer_lowered:
.L_overlay_start_2:
0x12d: {  	(tag) =	ssettag $0x2  }
0x12e: {  	s0 =	rddreg [dreg:$0x0];
	s2 =	stileid.u32  }
0x12f: {  	s1 =	rddreg [dreg:$0x1];
	p0 =	sne.s32 s2, $0x0  }
0x130: {  	s3 =	rddreg [dreg:$0x2];
	[bflag:$0x3] =	sbarrier.arrive $0xFFFF;
	s2 =	simm.s32 @!p0 $0x1C05  }
0x131: {  	[timem:s3], [sflag:s2] =	dma.local @!p0 [hbm:s0], s1  }
0x132: {  	s0 =	simm.s32 @!p0 $0x5  }
0x133: {  	_ =	swait.ge @!p0 [sflag:s0], s1  }
0x134: {  	s1 =	ssub.s32 @!p0 $0x0, s1;
	[sflag:s0] =	ssyncset.done @!p0 $0x0  }
0x135: {  	[sflag:s0] =	ssyncadd.s32 @!p0 s1  }
0x136: {  	[bflag:$0x3] =	sbarrier.arrive $0xFFFF  }
0x137: {  	_ =	shalt  }

// kernel: kernel.7.cloned.1.call-start
scs
__scs_entry_jumppad:
0x0: {  	(pc) =	sbr.rel $0x88, $3  }
0x1: {  	(tag) =	ssettag $0x0;
	lr =	simm.s32 $0x1  }
0x2: {  	[smem:$0x3F9E] =	sst lr;
	_ =	strace $0xD0000000  }
0x3: {  	_ = 	snop  }
0x4: {  	_ = 	snop  }
0x5: {  	_ = 	snop  }
0x6: {  	_ = 	snop  }
0x7: {  	_ = 	snop  }
__scs_overlays_trampoline_lowered:
0x8: {  	[smem:$0x3FAD] =	sst s0  }
0x9: {  	[smem:$0x3FAE] =	sst s1  }
0xa: {  	[smem:$0x3FAF] =	sst s2  }
0xb: {  	[smem:$0x3FB0] =	sst s3  }
0xc: {  	[smem:$0x3FB1] =	sst s4  }
0xd: {  	[smem:$0x3FB2] =	sst s5  }
0xe: {  	[smem:$0x3FB3] =	sst s6  }
0xf: {  	[smem:$0x3FB4] =	sst s7  }
0x10: {  	[smem:$0x3FB5] =	sst s8  }
0x11: {  	[smem:$0x3FB6] =	sst s9;
	s0 =	simm.s32 @!p0 $0x0  }
0x12: {  	s1 =	sld [smem:$0x3F9C];
	s0 =	simm.s32 @p0 $0x1  }
0x13: {  	[smem:$0x3FB7] =	sst s0;
	s0 =	simm.s32 @!p1 $0x0  }
0x14: {  	s2 =	sld [smem:$0x3F9B];
	s0 =	simm.s32 @p1 $0x1  }
0x15: {  	[smem:$0x3FB8] =	sst s0;
	s0 =	simm.s32 @!p2 $0x0  }
0x16: {  	s3 =	sld [smem:$0x3FDB];
	s0 =	simm.s32 @p2 $0x1  }
0x17: {  	s4 =	simm.s32 $0x1BF5;
	[smem:$0x3FBA] =	sst s0  }
0x18: {  	s0 =	sld [smem:$0x3F9D];
	_ =	swait.ge [sflag:s4], $0x0  }
0x19: {  	s7 =	sld [smem:$0x3F9E]  }
0x1a: {  	s8 =	sadd.s32 $0xFFFFE003, lr  }
0x1b: {  	s9 =	sadd.s32 $0xFFFFFEF7, lr;
	s5 =	simm.s32 $0xFFFFFFFF;
	p2 =	slt.u32 s8, $0xFFFFF086  }
0x1c: {  	p1 =	slt.u32 s9, $0xF7A;
	s5 =	simm.s32 @!p2 $0x0  }
0x1d: {  	s5 =	simm.s32 @p1 $0x1;
	p0 =	seq.s32 s7, s2  }
0x1e: {  	s7 =	smul.u32 @!p0 $0xF7A, s2;
	p2 =	seq.s32 @!p0 s5, $0x0  }
0x1f: {  	s9 =	smul.u32 $0xF7A, s1;
	s8 =	simm.s32 @!p0 $0x1BF5;
	p2 =	por !p2, p0  }
0x20: {  	[sflag:s8] =	ssyncset.s32 @!p0 $0xFFFFF086;
	s6 =	sadd.s32 @!p0 s3, s7;
	s7 =	simm.s32 @!p0 $0x108  }
0x21: {  	s3 =	sadd.s32 s3, s9;
	s6 =	sadd.s32 @!p0 $0x88, s6;
	s7 =	simm.s32 @p2 $0x1082  }
0x22: {  	[simem:s7], [sflag:s8] =	dma.local @!p0 [hbm:s6], $0xF7A  }
0x23: {  	s9 =	sor.u32 $0xD0000000, s2;
	s6 =	simm.s32 $0x108;
	_ =	swait.ge @!p0 [sflag:s8], $0x0  }
0x24: {  	s3 =	sadd.s32 $0x88, s3;
	s6 =	simm.s32 @!p1 $0x1082;
	[sflag:s4] =	ssyncset.s32 $0xFFFFF086  }
0x25: {  	[simem:s6], [sflag:s4] =	dma.local [hbm:s3], $0xF7A  }
0x26: {  	[smem:$0x3F9E] =	sst s1;
	(tag) =	ssettag s2;
	_ =	strace s9  }
0x27: {  	s1 =	sld [smem:$0x3FAE]  }
0x28: {  	s2 =	sld [smem:$0x3FAF]  }
0x29: {  	s4 =	sld [smem:$0x3FB1]  }
0x2a: {  	p0 =	seq.s32 s5, $0x0;
	s5 =	sld [smem:$0x3FB2]  }
0x2b: {  	s6 =	sld [smem:$0x3FB3]  }
0x2c: {  	s7 =	sld [smem:$0x3FB4]  }
0x2d: {  	s3 =	simm.s32 $0x108;
	s8 =	sld [smem:$0x3FB5]  }
0x2e: {  	s3 =	simm.s32 @!p0 $0x1082;
	s9 =	sld [smem:$0x3FB6]  }
0x2f: {  	lr =	sadd.s32 s0, s3;
	s0 =	sld [smem:$0x3FAD]  }
0x30: {  	s3 =	sld [smem:$0x3FB0]  }
0x31: {  	[smem:$0x3FB9] =	sst s10  }
0x32: {  	s10 =	sld [smem:$0x3FB7];
	_ =	sdelay $0x3  }
0x33: {  	p0 =	seq.s32 s10, $0x1;
	s10 =	sld [smem:$0x3FB9];
	_ =	sdelay $0x3  }
0x34: {  	[smem:$0x3FB9] =	sst s10  }
0x35: {  	s10 =	sld [smem:$0x3FB8];
	_ =	sdelay $0x3  }
0x36: {  	p1 =	seq.s32 s10, $0x1;
	s10 =	sld [smem:$0x3FB9];
	_ =	sdelay $0x3  }
0x37: {  	[smem:$0x3FB9] =	sst s10  }
0x38: {  	s10 =	sld [smem:$0x3FBA]  }
0x39: {  	_ = 	snop;
	(pc) =	sbr.ind lr, $3  }
0x3a: {  	_ = 	snop  }
0x3b: {  	_ = 	snop  }
0x3c: {  	p2 =	seq.s32 s10, $0x1;
	s10 =	sld [smem:$0x3FB9]  }
0x3d: {  	_ =	shalt  }
0x3e: {  	_ =	shalt  }
0x3f: {  	_ =	shalt  }
0x40: {  	_ =	shalt  }
0x41: {  	_ =	shalt  }
0x42: {  	_ =	shalt  }
0x43: {  	_ =	shalt  }
0x44: {  	_ =	shalt  }
0x45: {  	_ =	shalt  }
0x46: {  	_ =	shalt  }
0x47: {  	_ =	shalt  }
0x48: {  	_ =	shalt  }
0x49: {  	_ =	shalt  }
0x4a: {  	_ =	shalt  }
0x4b: {  	_ =	shalt  }
0x4c: {  	_ =	shalt  }
0x4d: {  	_ =	shalt  }
0x4e: {  	_ =	shalt  }
0x4f: {  	_ =	shalt  }
0x50: {  	_ =	shalt  }
0x51: {  	_ =	shalt  }
0x52: {  	_ =	shalt  }
0x53: {  	_ =	shalt  }
0x54: {  	_ =	shalt  }
0x55: {  	_ =	shalt  }
0x56: {  	_ =	shalt  }
0x57: {  	_ =	shalt  }
0x58: {  	_ =	shalt  }
0x59: {  	_ =	shalt  }
0x5a: {  	_ =	shalt  }
0x5b: {  	_ =	shalt  }
0x5c: {  	_ =	shalt  }
0x5d: {  	_ =	shalt  }
0x5e: {  	_ =	shalt  }
0x5f: {  	_ =	shalt  }
0x60: {  	_ =	shalt  }
0x61: {  	_ =	shalt  }
0x62: {  	_ =	shalt  }
0x63: {  	_ =	shalt  }
0x64: {  	_ =	shalt  }
0x65: {  	_ =	shalt  }
0x66: {  	_ =	shalt  }
0x67: {  	_ =	shalt  }
0x68: {  	_ =	shalt  }
0x69: {  	_ =	shalt  }
0x6a: {  	_ =	shalt  }
0x6b: {  	_ =	shalt  }
0x6c: {  	_ =	shalt  }
0x6d: {  	_ =	shalt  }
0x6e: {  	_ =	shalt  }
0x6f: {  	_ =	shalt  }
0x70: {  	_ =	shalt  }
0x71: {  	_ =	shalt  }
0x72: {  	_ =	shalt  }
0x73: {  	_ =	shalt  }
0x74: {  	_ =	shalt  }
0x75: {  	_ =	shalt  }
0x76: {  	_ =	shalt  }
0x77: {  	_ =	shalt  }
0x78: {  	_ =	shalt  }
0x79: {  	_ =	shalt  }
0x7a: {  	_ =	shalt  }
0x7b: {  	_ =	shalt  }
0x7c: {  	_ =	shalt  }
0x7d: {  	_ =	shalt  }
0x7e: {  	_ =	shalt  }
0x7f: {  	_ =	shalt  }
0x80: {  	_ =	shalt  }
0x81: {  	_ =	shalt  }
0x82: {  	_ =	shalt  }
0x83: {  	_ =	shalt  }
0x84: {  	_ =	shalt  }
0x85: {  	_ =	shalt  }
0x86: {  	_ =	shalt  }
0x87: {  	_ =	shalt  }
.Lfunc_end0:
.L_simem_size_0:
called_computation_lowered:
.L_overlay_start_0:
0x88: {  	s2 =	sld [smem:$0x3FD9]  }
0x89: {  	s3 =	sld [smem:$0x3FFE];
	_ =	sdelay $0x1  }
0x8a: {  	s1 =	srdreg.scid  }
0x8b: {  	s0 =	sand.u32 $0x1, s1  }
0x8c: {  	s17 =	sshll.u32 s0, $0xA;
	s2 =	sadd.s32 s3, s2  }
0x8d: {  	s2 =	sadd.s32 s2, s17  }
0x8e: {  	[smem:$0x3FC5] =	sst s2  }
0x8f: {  	_ = 	snop  }
0x90: {  	s2 =	sld [smem:$0x3FC7];
	(tm) =	ssettm $0x1  }
0x91: {  	s18 =	sld [smem:$0x3FFB];
	_ =	sdelay $0x3  }
0x92: {  	_ =	strace s18  }
0x93: {  	s3 =	sld [smem:$0x3FFC];
	_ =	sdelay $0x3  }
0x94: {  	_ =	strace s3  }
0x95: {  	s3 =	sld [smem:$0x3FFD];
	_ =	sdelay $0x3  }
0x96: {  	_ =	strace s3  }
0x97: {  	_ =	strace $0x8FFFFFFF  }
0x98: {  	s19 =	sld [smem:$0x3FDB];
	_ =	sdelay $0x1  }
0x99: {  	s4 =	simm.s32 $_scs_section_size  }
0x9a: {  	s5 =	simm.s32 $_size__tile_overlayer_lowered;
	s6 =	simm.s32 $_tile_overlayer_lowered  }
0x9b: {  	s22 =	simm.s32 $0x1BFF;
	s21 =	sshll.u32 s6, $0x1;
	s3 =	sadd.s32 s4, s19  }
0x9c: {  	s7 =	simm.s32 $0x0;
	s20 =	sshll.u32 s5, $0x1;
	s5 =	sadd.s32 s21, s3  }
0x9d: {  	[timem:s7], [sflag:s22] =	dma.local [hbm:s5], s20  }
0x9e: {  	_ =	swait.ge [sflag:s22], s20  }
0x9f: {  	s4 =	ssub.s32 $0x0, s20;
	[sflag:s22] =	ssyncset.done $0x0  }
0xa0: {  	[sflag:s22] =	ssyncadd.s32 s4;
	_ =	sdelay $0x1  }
0xa1: {  	s23 =	simm.s32 $0x1B8B  }
0xa2: {  	_ =	swait.ge [sflag:s23], $0x1  }
0xa3: {  	[sflag:s23] =	ssyncset.done $0x0  }
0xa4: {  	s25 =	simm.s32 $0x1B8E;
	s24 =	sld [smem:$0x3FFE];
	[sflag:s23] =	ssyncadd.s32 $0xFFFFFFFF  }
0xa5: {  	s26 =	simm.s32 $execute0_lowered;
	[smem:$0x3FD2] =	sst s25  }
0xa6: {  	s5 =	sshll.u32 s26, $0x1;
	_ =	strace $0x80000046;
	[dreg:$0x1] =	wrdreg $0xFFFFFFFF  }
0xa7: {  	s28 =	simm.s32 $_size_execute0_lowered;
	s3 =	sadd.s32 s3, s5;
	[dreg:$0x0] =	wrdreg $0x0  }
0xa8: {  	s5 =	sshll.u32 s28, $0x1;
	[dreg:$0x2] =	wrdreg s3  }
0xa9: {  	[dreg:$0x3] =	wrdreg s5  }
0xaa: {  	[dreg:$0x4] =	wrdreg $0xC0  }
0xab: {  	_ =	task [dreg:s7], $0x5FFFF  }
0xac: {  	[dreg:$0x1] =	wrdreg $0xFFFFFFFF  }
0xad: {  	[dreg:$0x0] =	wrdreg $0x60  }
0xae: {  	[dreg:$0x2] =	wrdreg s2  }
0xaf: {  	[dreg:$0x3] =	wrdreg s24  }
0xb0: {  	[dreg:$0x4] =	wrdreg $0x9  }
0xb1: {  	_ =	task.clear_ibuf [dreg:s7], $0x5FFFF;
	_ =	strace $0x90000046  }
0xb2: {  	s29 =	simm.s32 $0x9;
	_ =	strace $0x80000048  }
0xb3: {  	_ =	swait.ge [sflag:s29], $0x1  }
0xb4: {  	[sflag:s29] =	ssyncadd.s32 $0xFFFFFFFF  }
0xb5: {  	_ =	strace $0x90000048  }
0xb6: {  	_ =	sfence  }
0xb7: {  	s30 =	sld [smem:$0x0];
	_ =	sdelay $0x2  }
0xb8: {  	s31 =	sshll.u32 s1, $0xD;
	s1 =	sshrl.u32 s1, $0x2  }
0xb9: {  	s3 =	sand.u32 $0x4000, s31;
	s1 =	sadd.s32 s1, s30  }
0xba: {  	s0 =	sor.u32 s3, s0;
	s1 =	sshll.u32 s1, $0x11  }
0xbb: {  	s0 =	sor.u32 s1, s0  }
0xbc: {  	s0 =	sadd.s32 $0x8F2B, s0  }
0xbd: {  	[sflag:s0] =	ssyncadd.remote.s32 $0x1  }
0xbe: {  	_ =	sfence.sel $0xFFFF  }
0xbf: {  	[dreg:$0x0] =	wrdreg $0xFFFFFFFF;
	(pc) =	sbr.abs _section_cstart, $3  }
0xc0: {  	[dreg:$0x1] =	wrdreg $0xFFFFFFFF  }
0xc1: {  	_ =	task.clear_ibuf [dreg:s7], $0x2FFFF;
	_ =	strace $0x9FFFFFFF  }
0xc2: {  	(tm) =	ssettm $0x7FFFFFFF  }
0xc3: {  	_ =	shalt  }
tec
execute0_lowered:
.L_overlay_start_1:
0x0: {  	(tag) =	ssettag $0x1  }
0x1: {  	s1 =	rddreg [dreg:$0x0]  }
0x2: {  	s5 =	rddreg [dreg:$0x1];
	s2 =	simm.s32 $0x0;
	s3 =	srdreg.scid  }
0x3: {  	s0 =	stileid.u32;
	s12 =	simm.s32 $0x5;
	s13 =	simm.s32 $0x8000  }
0x4: {  	s14 =	simm.s32 $0x1;
	s15 =	simm.s32 $0x10000;
	s16 =	simm.s32 $0x2  }
0x5: {  	s17 =	simm.s32 $0x4;
	s18 =	simm.s32 $0x12000;
	s19 =	simm.s32 $0x3  }
0x6: {  	s20 =	simm.s32 $0x0;
	[smem:$0x7FF] =	sst s2;
	s6 =	sand.u32 $0x1, s3  }
0x7: {  	s4 =	sadd.s32 $0x1800, s5;
	s9 =	sshll.u32 s0, $0x6;
	s7 =	ssub.s32 $0x2, s6  }
0x8: {  	s5 =	sadd.s32 $0x1A00, s5;
	s6 =	sshll.u32 s6, $0xA;
	s8 =	sshrl.u32 s7, $0x1  }
0x9: {  	_ =	strace $0x80000047;
	s6 =	sor.u32 s9, s6;
	s10 =	ssub.s32 s7, s8  }
0xa: {  	s30 =	sshll.u32 s6, $0x9;
	s11 =	sshrl.u32 s6, $0x3;
	s31 =	sshll.u32 s6, $0x7  }
0xb: {  	s6 =	sadd.s32 s1, s30;
	s7 =	sadd.s32 s5, s31;
	s8 =	sor.u32 $0x2, s11  }
0xc: {  	s9 =	smax.u32 s10, $0x1;
	s10 =	sor.u32 $0x1, s11;
	s11 =	simm.s32 $0x14000  }
.LBB2_1:
0xd: {  	[tilespmem:s11], [sflag:$0x5] =	stream.linear.gather [hbm4b:s4+s2], $0x800, $0x38;
	[tilespmem:$0x14800] =	vst v63  }
0xe: {  	_ =	swait.ge [sflag:s12], $0x800  }
0xf: {  	[sflag:s12] =	ssyncset.done $0x0  }
0x10: {  	s21 =	simm.s32 $0x0;
	[sflag:s12] =	ssyncadd.s32 $0xFFFFF800  }
0x11: {  	[tilespmem:s2], [sflag:$0x1] =	stream.linear.gather [hbm4b:s6+s2], $0x8000, $0x38;
	[tilespmem:$0x14800] =	vst v63  }
.LBB2_2:
0x12: {  	s23 =	sshll.u32 s21, $0x1  }
0x13: {  	s22 =	sor.u32 s10, s23  }
0x14: {  	s24 =	sshll.u32 s22, $0xC  }
0x15: {  	s24 =	sadd.s32 s1, s24  }
0x16: {  	[tilespmem:s13], [sflag:$0x2] =	stream.linear.gather [hbm4b:s24+s2], $0x8000, $0x38;
	[tilespmem:$0x14800] =	vst v63  }
0x17: {  	_ =	swait.ge [sflag:s14], $0x8000  }
0x18: {  	p0 =	seq.s32 s21, $0x0;
	[sflag:s14] =	ssyncset.done $0x0  }
0x19: {  	s24 =	simm.s32 @!p0 $0x3;
	[sflag:s14] =	ssyncadd.s32 $0xFFFF8000  }
0x1a: {  	s25 =	simm.s32 $0x0;
	_ =	swait.ge @!p0 [sflag:s24], $0x2000  }
0x1b: {  	s26 =	simm.s32 $0x0;
	s28 =	simm.s32 $0x0;
	[sflag:s24] =	ssyncset.done @!p0 $0x0  }
0x1c: {  	s29 =	simm.s32 $0x10;
	[sflag:s24] =	ssyncadd.s32 @!p0 $0xFFFFE000;
	s24 =	simm.s32 $0x10  }
.LBB2_3:
0x1d: {  	s30 =	sshra.s32 s26, $0x2  }
0x1e: {  	v0 =	vld [tilespmem:s30+$0x14000]  }
0x1f: {  	v1 =	vld [tilespmem:s30+$0x14010];
	_ =	sdelay $0x3  }
0x20: {  	v2 =	vshll.u32 v0, $0x3  }
0x21: {  	v0 =	vand.u32 $0x7F, v0;
	v3 =	vshll.u32 v1, $0x3;
	v2 =	vand.u32 $0xFFFFFC00, v2  }
0x22: {  	v1 =	vand.u32 $0x7F, v1;
	v21 =	vand.u32 $0xFFFFFC00, v3;
	v0 =	vor.u32 v0, v2  }
0x23: {  	v1 =	vor.u32 v1, v21;
	_ =	sdelay $0x3  }
0x24: {  	v22 =	vld.idx.msk [tilespmem:v0+s2+$0x0], $0xffff  }
0x25: {  	v23 =	vld.idx.msk [tilespmem:v1+s2+$0x0], $0xffff;
	_ =	sdelay $0x1  }
0x26: {  	v4 =	vor.u32 $0x80, v0  }
0x27: {  	s0 =	sadd.s32 $0xFFFFFFF0, s29;
	s31 =	sand.u32 $0x1C00, s26;
	v5 =	vor.u32 $0x80, v1  }
0x28: {  	s3 =	sand.u32 $0x60, s0;
	s31 =	sor.u32 $0x10000, s31  }
0x29: {  	s3 =	sor.u32 s3, s31;
	v2 =	vpack.i.f32.bf16 v23, v22  }
0x2a: {  	[tilespmem:s3+$0x0] =	vst v2  }
0x2b: {  	v2 =	vld.idx.msk [tilespmem:v4+s2+$0x0], $0xffff  }
0x2c: {  	v24 =	vld.idx.msk [tilespmem:v5+s2+$0x0], $0xffff;
	_ =	sdelay $0x1  }
0x2d: {  	v25 =	vor.u32 $0x100, v0  }
0x2e: {  	v26 =	vor.u32 $0x100, v1;
	_ =	sdelay $0x1  }
0x2f: {  	v2 =	vpack.i.f32.bf16 v24, v2  }
0x30: {  	[tilespmem:s3+$0x80] =	vst v2  }
0x31: {  	v2 =	vld.idx.msk [tilespmem:v25+s2+$0x0], $0xffff  }
0x32: {  	v27 =	vld.idx.msk [tilespmem:v26+s2+$0x0], $0xffff;
	_ =	sdelay $0x1  }
0x33: {  	v28 =	vor.u32 $0x180, v0  }
0x34: {  	v29 =	vor.u32 $0x180, v1;
	_ =	sdelay $0x1  }
0x35: {  	v2 =	vpack.i.f32.bf16 v27, v2  }
0x36: {  	[tilespmem:s3+$0x100] =	vst v2  }
0x37: {  	v2 =	vld.idx.msk [tilespmem:v28+s2+$0x0], $0xffff  }
0x38: {  	v30 =	vld.idx.msk [tilespmem:v29+s2+$0x0], $0xffff;
	_ =	sdelay $0x1  }
0x39: {  	v31 =	vor.u32 $0x200, v0  }
0x3a: {  	v32 =	vor.u32 $0x200, v1;
	_ =	sdelay $0x1  }
0x3b: {  	v2 =	vpack.i.f32.bf16 v30, v2  }
0x3c: {  	[tilespmem:s3+$0x180] =	vst v2  }
0x3d: {  	v2 =	vld.idx.msk [tilespmem:v31+s2+$0x0], $0xffff  }
0x3e: {  	v33 =	vld.idx.msk [tilespmem:v32+s2+$0x0], $0xffff;
	_ =	sdelay $0x1  }
0x3f: {  	v34 =	vor.u32 $0x280, v0  }
0x40: {  	v35 =	vor.u32 $0x280, v1;
	_ =	sdelay $0x1  }
0x41: {  	v2 =	vpack.i.f32.bf16 v33, v2  }
0x42: {  	[tilespmem:s3+$0x200] =	vst v2  }
0x43: {  	v2 =	vld.idx.msk [tilespmem:v34+s2+$0x0], $0xffff  }
0x44: {  	v36 =	vld.idx.msk [tilespmem:v35+s2+$0x0], $0xffff;
	_ =	sdelay $0x1  }
0x45: {  	v37 =	vor.u32 $0x300, v0  }
0x46: {  	v38 =	vor.u32 $0x300, v1;
	_ =	sdelay $0x1  }
0x47: {  	v2 =	vpack.i.f32.bf16 v36, v2  }
0x48: {  	[tilespmem:s3+$0x280] =	vst v2  }
0x49: {  	v2 =	vld.idx.msk [tilespmem:v37+s2+$0x0], $0xffff  }
0x4a: {  	v39 =	vld.idx.msk [tilespmem:v38+s2+$0x0], $0xffff;
	_ =	sdelay $0x1  }
0x4b: {  	v0 =	vor.u32 $0x380, v0;
	s3 =	sand.u32 $0x3, s25  }
0x4c: {  	v1 =	vor.u32 $0x380, v1;
	s3 =	sshll.u32 s3, $0x5  }
0x4d: {  	s3 =	sadd.s32 s3, s26  }
0x4e: {  	s3 =	sor.u32 $0x300, s3;
	v2 =	vpack.i.f32.bf16 v39, v2  }
0x4f: {  	[tilespmem:s3+$0x10000] =	vst v2  }
0x50: {  	v0 =	vld.idx.msk [tilespmem:v0+s2+$0x0], $0xffff  }
0x51: {  	v1 =	vld.idx.msk [tilespmem:v1+s2+$0x0], $0xffff;
	_ =	sdelay $0x3  }
0x52: {  	s0 =	sor.u32 s26, s0  }
0x53: {  	s0 =	sor.u32 $0x380, s0;
	v0 =	vpack.i.f32.bf16 v1, v0  }
0x54: {  	[tilespmem:s0+$0x10000] =	vst v0  }
0x55: {  	v0 =	vld [tilespmem:s30+$0x14020]  }
0x56: {  	v40 =	vld [tilespmem:s30+$0x14030];
	_ =	sdelay $0x3  }
0x57: {  	v41 =	vshll.u32 v0, $0x3  }
0x58: {  	v0 =	vand.u32 $0x7F, v0;
	v42 =	vshll.u32 v40, $0x3;
	v2 =	vand.u32 $0xFFFFFC00, v41  }
0x59: {  	v1 =	vand.u32 $0x7F, v40;
	v43 =	vand.u32 $0xFFFFFC00, v42;
	v0 =	vor.u32 v0, v2  }
0x5a: {  	v1 =	vor.u32 v1, v43;
	_ =	sdelay $0x3  }
0x5b: {  	v44 =	vld.idx.msk [tilespmem:v0+s2+$0x0], $0xffff  }
0x5c: {  	v45 =	vld.idx.msk [tilespmem:v1+s2+$0x0], $0xffff;
	_ =	sdelay $0x1  }
0x5d: {  	v46 =	vor.u32 $0x80, v0  }
0x5e: {  	v47 =	vor.u32 $0x80, v1  }
0x5f: {  	s3 =	sand.u32 $0x70, s29  }
0x60: {  	s0 =	sor.u32 s3, s31;
	v2 =	vpack.i.f32.bf16 v45, v44  }
0x61: {  	[tilespmem:s0+$0x0] =	vst v2  }
0x62: {  	v2 =	vld.idx.msk [tilespmem:v46+s2+$0x0], $0xffff  }
0x63: {  	v48 =	vld.idx.msk [tilespmem:v47+s2+$0x0], $0xffff;
	_ =	sdelay $0x1  }
0x64: {  	v49 =	vor.u32 $0x100, v0  }
0x65: {  	v50 =	vor.u32 $0x100, v1;
	_ =	sdelay $0x1  }
0x66: {  	v2 =	vpack.i.f32.bf16 v48, v2  }
0x67: {  	[tilespmem:s0+$0x80] =	vst v2  }
0x68: {  	v2 =	vld.idx.msk [tilespmem:v49+s2+$0x0], $0xffff  }
0x69: {  	v51 =	vld.idx.msk [tilespmem:v50+s2+$0x0], $0xffff;
	_ =	sdelay $0x1  }
0x6a: {  	v52 =	vor.u32 $0x180, v0  }
0x6b: {  	v53 =	vor.u32 $0x180, v1;
	_ =	sdelay $0x1  }
0x6c: {  	v2 =	vpack.i.f32.bf16 v51, v2  }
0x6d: {  	[tilespmem:s0+$0x100] =	vst v2  }
0x6e: {  	v2 =	vld.idx.msk [tilespmem:v52+s2+$0x0], $0xffff  }
0x6f: {  	v54 =	vld.idx.msk [tilespmem:v53+s2+$0x0], $0xffff;
	_ =	sdelay $0x1  }
0x70: {  	v55 =	vor.u32 $0x200, v0  }
0x71: {  	v56 =	vor.u32 $0x200, v1;
	_ =	sdelay $0x1  }
0x72: {  	v2 =	vpack.i.f32.bf16 v54, v2  }
0x73: {  	[tilespmem:s0+$0x180] =	vst v2  }
0x74: {  	v2 =	vld.idx.msk [tilespmem:v55+s2+$0x0], $0xffff  }
0x75: {  	v57 =	vld.idx.msk [tilespmem:v56+s2+$0x0], $0xffff;
	_ =	sdelay $0x1  }
0x76: {  	v58 =	vor.u32 $0x280, v0  }
0x77: {  	v59 =	vor.u32 $0x280, v1;
	_ =	sdelay $0x1  }
0x78: {  	v2 =	vpack.i.f32.bf16 v57, v2  }
0x79: {  	[tilespmem:s0+$0x200] =	vst v2  }
0x7a: {  	v2 =	vld.idx.msk [tilespmem:v58+s2+$0x0], $0xffff  }
0x7b: {  	v60 =	vld.idx.msk [tilespmem:v59+s2+$0x0], $0xffff;
	_ =	sdelay $0x1  }
0x7c: {  	v61 =	vor.u32 $0x300, v0  }
0x7d: {  	v62 =	vor.u32 $0x300, v1;
	_ =	sdelay $0x1  }
0x7e: {  	v2 =	vpack.i.f32.bf16 v60, v2  }
0x7f: {  	[tilespmem:s0+$0x280] =	vst v2  }
0x80: {  	v2 =	vld.idx.msk [tilespmem:v61+s2+$0x0], $0xffff  }
0x81: {  	v63 =	vld.idx.msk [tilespmem:v62+s2+$0x0], $0xffff;
	_ =	sdelay $0x1  }
0x82: {  	s30 =	sand.u32 $0x7, s28;
	v0 =	vor.u32 $0x380, v0  }
0x83: {  	v1 =	vor.u32 $0x380, v1;
	s0 =	sshll.u32 s30, $0x4  }
0x84: {  	s0 =	sadd.s32 s0, s24  }
0x85: {  	s31 =	sor.u32 $0x300, s0;
	v2 =	vpack.i.f32.bf16 v63, v2  }
0x86: {  	[tilespmem:s31+$0x10000] =	vst v2  }
0x87: {  	v0 =	vld.idx.msk [tilespmem:v0+s2+$0x0], $0xffff  }
0x88: {  	v1 =	vld.idx.msk [tilespmem:v1+s2+$0x0], $0xffff  }
0x89: {  	p1 =	sne.s32 s29, $0x3F0  }
.Ltmp0:
0x8a: {  	_ = 	snop;
	(pc) =	sbr.rel @p1 .LBB2_3-.Ltmp0, $3  }
0x8b: {  	_ =	sdelay $0x1  }
0x8c: {  	s25 =	sadd.s32 $0x1, s25;
	s26 =	sadd.s32 $0x100, s26;
	s0 =	sor.u32 $0x380, s0;
	v0 =	vpack.i.f32.bf16 v1, v0  }
0x8d: {  	s29 =	sadd.s32 $0x20, s29;
	s28 =	sadd.s32 $0x2, s28;
	s24 =	sadd.s32 $0x100, s24;
	[tilespmem:s0+$0x10000] =	vst v0  }
0x8e: {  	p1 =	sne.s32 s21, $0x3  }
.Ltmp1:
0x8f: {  	_ = 	snop;
	(pc) =	sbr.rel @p1 .LBB2_6-.Ltmp1, $4  }
0x90: {  	_ = 	snop  }
0x91: {  	s0 =	sshll.u32 s21, $0xB  }
0x92: {  	s0 =	sadd.s32 s0, s7  }
0x93: {  	[hbm4b:s0+s2] =	stream.linear.scatter [tilespmem:s15], [sflag:$0x3], $0x2000, $0x38;
	[tilespmem:$0x14800] =	vst v63  }
.Ltmp2:
0x94: {  	(pc) =	sbr.rel .LBB2_7-.Ltmp2, $4  }
0x95: {  	_ = 	snop  }
0x96: {  	_ =	swait.ge [sflag:s16], $0x8000  }
0x97: {  	[sflag:s16] =	ssyncset.done $0x0  }
0x98: {  	[sflag:s16] =	ssyncadd.s32 $0xFFFF8000  }
.LBB2_6:
0x99: {  	s0 =	sadd.s32 s23, s8  }
0x9a: {  	s0 =	sshll.u32 s0, $0xC  }
0x9b: {  	s0 =	sand.u32 $0x1FFFE000, s0  }
.Ltmp3:
0x9c: {  	s0 =	sadd.s32 s1, s0;
	(pc) =	sbr.rel @p0 .LBB2_8-.Ltmp3, $4  }
0x9d: {  	[tilespmem:s2], [sflag:$0x1] =	stream.linear.gather [hbm4b:s0+s2], $0x8000, $0x38;
	[tilespmem:$0x14800] =	vst v63  }
0x9e: {  	_ =	swait.ge [sflag:s16], $0x8000  }
0x9f: {  	[sflag:s16] =	ssyncset.done $0x0  }
0xa0: {  	[sflag:s16] =	ssyncadd.s32 $0xFFFF8000  }
.LBB2_7:
0xa1: {  	_ =	swait.ge [sflag:s17], $0x2000  }
0xa2: {  	[sflag:s17] =	ssyncset.done $0x0  }
0xa3: {  	[sflag:s17] =	ssyncadd.s32 $0xFFFFE000  }
.LBB2_8:
0xa4: {  	s23 =	simm.s32 $0x10;
	s24 =	simm.s32 $0x0  }
0xa5: {  	s25 =	simm.s32 $0x0;
	s26 =	simm.s32 $0x0;
	s28 =	simm.s32 $0x10  }
.LBB2_9:
0xa6: {  	s29 =	sshra.s32 s25, $0x2  }
0xa7: {  	v0 =	vld [tilespmem:s29+$0x14000]  }
0xa8: {  	v1 =	vld [tilespmem:s29+$0x14010];
	_ =	sdelay $0x3  }
0xa9: {  	v2 =	vshll.u32 v0, $0x3  }
0xaa: {  	v0 =	vand.u32 $0x7F, v0;
	v3 =	vshll.u32 v1, $0x3;
	v2 =	vand.u32 $0xFFFFFC00, v2  }
0xab: {  	v1 =	vand.u32 $0x7F, v1;
	v21 =	vand.u32 $0xFFFFFC00, v3;
	v0 =	vor.u32 v0, v2  }
0xac: {  	v1 =	vor.u32 v1, v21;
	_ =	sdelay $0x3  }
0xad: {  	v22 =	vld.idx.msk [tilespmem:v0+s13+$0x0], $0xffff  }
0xae: {  	v23 =	vld.idx.msk [tilespmem:v1+s13+$0x0], $0xffff;
	_ =	sdelay $0x1  }
0xaf: {  	v4 =	vor.u32 $0x80, v0  }
0xb0: {  	s0 =	sadd.s32 $0xFFFFFFF0, s28;
	s3 =	sand.u32 $0x1C00, s25;
	v5 =	vor.u32 $0x80, v1  }
0xb1: {  	s31 =	sand.u32 $0x60, s0;
	s30 =	sor.u32 $0x12000, s3  }
0xb2: {  	s3 =	sor.u32 s31, s30;
	v2 =	vpack.i.f32.bf16 v23, v22  }
0xb3: {  	[tilespmem:s3+$0x0] =	vst v2  }
0xb4: {  	v2 =	vld.idx.msk [tilespmem:v4+s13+$0x0], $0xffff  }
0xb5: {  	v24 =	vld.idx.msk [tilespmem:v5+s13+$0x0], $0xffff;
	_ =	sdelay $0x1  }
0xb6: {  	v25 =	vor.u32 $0x100, v0  }
0xb7: {  	v26 =	vor.u32 $0x100, v1;
	_ =	sdelay $0x1  }
0xb8: {  	v2 =	vpack.i.f32.bf16 v24, v2  }
0xb9: {  	[tilespmem:s3+$0x80] =	vst v2  }
0xba: {  	v2 =	vld.idx.msk [tilespmem:v25+s13+$0x0], $0xffff  }
0xbb: {  	v27 =	vld.idx.msk [tilespmem:v26+s13+$0x0], $0xffff;
	_ =	sdelay $0x1  }
0xbc: {  	v28 =	vor.u32 $0x180, v0  }
0xbd: {  	v29 =	vor.u32 $0x180, v1;
	_ =	sdelay $0x1  }
0xbe: {  	v2 =	vpack.i.f32.bf16 v27, v2  }
0xbf: {  	[tilespmem:s3+$0x100] =	vst v2  }
0xc0: {  	v2 =	vld.idx.msk [tilespmem:v28+s13+$0x0], $0xffff  }
0xc1: {  	v30 =	vld.idx.msk [tilespmem:v29+s13+$0x0], $0xffff;
	_ =	sdelay $0x1  }
0xc2: {  	v31 =	vor.u32 $0x200, v0  }
0xc3: {  	v32 =	vor.u32 $0x200, v1;
	_ =	sdelay $0x1  }
0xc4: {  	v2 =	vpack.i.f32.bf16 v30, v2  }
0xc5: {  	[tilespmem:s3+$0x180] =	vst v2  }
0xc6: {  	v2 =	vld.idx.msk [tilespmem:v31+s13+$0x0], $0xffff  }
0xc7: {  	v33 =	vld.idx.msk [tilespmem:v32+s13+$0x0], $0xffff;
	_ =	sdelay $0x1  }
0xc8: {  	v34 =	vor.u32 $0x280, v0  }
0xc9: {  	v35 =	vor.u32 $0x280, v1;
	_ =	sdelay $0x1  }
0xca: {  	v2 =	vpack.i.f32.bf16 v33, v2  }
0xcb: {  	[tilespmem:s3+$0x200] =	vst v2  }
0xcc: {  	v2 =	vld.idx.msk [tilespmem:v34+s13+$0x0], $0xffff  }
0xcd: {  	v36 =	vld.idx.msk [tilespmem:v35+s13+$0x0], $0xffff;
	_ =	sdelay $0x1  }
0xce: {  	v37 =	vor.u32 $0x300, v0  }
0xcf: {  	v38 =	vor.u32 $0x300, v1;
	_ =	sdelay $0x1  }
0xd0: {  	v2 =	vpack.i.f32.bf16 v36, v2  }
0xd1: {  	[tilespmem:s3+$0x280] =	vst v2  }
0xd2: {  	v2 =	vld.idx.msk [tilespmem:v37+s13+$0x0], $0xffff  }
0xd3: {  	v39 =	vld.idx.msk [tilespmem:v38+s13+$0x0], $0xffff;
	_ =	sdelay $0x1  }
0xd4: {  	s31 =	sand.u32 $0x3, s24;
	v0 =	vor.u32 $0x380, v0  }
0xd5: {  	v1 =	vor.u32 $0x380, v1;
	s3 =	sshll.u32 s31, $0x5  }
0xd6: {  	s3 =	sadd.s32 s3, s25  }
0xd7: {  	s3 =	sor.u32 $0x300, s3;
	v2 =	vpack.i.f32.bf16 v39, v2  }
0xd8: {  	[tilespmem:s3+$0x12000] =	vst v2  }
0xd9: {  	v0 =	vld.idx.msk [tilespmem:v0+s13+$0x0], $0xffff  }
0xda: {  	v1 =	vld.idx.msk [tilespmem:v1+s13+$0x0], $0xffff;
	_ =	sdelay $0x3  }
0xdb: {  	s0 =	sor.u32 s25, s0  }
0xdc: {  	s0 =	sor.u32 $0x380, s0;
	v0 =	vpack.i.f32.bf16 v1, v0  }
0xdd: {  	[tilespmem:s0+$0x12000] =	vst v0  }
0xde: {  	v0 =	vld [tilespmem:s29+$0x14020]  }
0xdf: {  	v40 =	vld [tilespmem:s29+$0x14030];
	_ =	sdelay $0x3  }
0xe0: {  	v41 =	vshll.u32 v0, $0x3  }
0xe1: {  	v0 =	vand.u32 $0x7F, v0;
	v42 =	vshll.u32 v40, $0x3;
	v2 =	vand.u32 $0xFFFFFC00, v41  }
0xe2: {  	v1 =	vand.u32 $0x7F, v40;
	v43 =	vand.u32 $0xFFFFFC00, v42;
	v0 =	vor.u32 v0, v2  }
0xe3: {  	v1 =	vor.u32 v1, v43;
	_ =	sdelay $0x3  }
0xe4: {  	v44 =	vld.idx.msk [tilespmem:v0+s13+$0x0], $0xffff  }
0xe5: {  	v45 =	vld.idx.msk [tilespmem:v1+s13+$0x0], $0xffff;
	_ =	sdelay $0x1  }
0xe6: {  	v46 =	vor.u32 $0x80, v0  }
0xe7: {  	v47 =	vor.u32 $0x80, v1  }
0xe8: {  	s29 =	sand.u32 $0x70, s28  }
0xe9: {  	s0 =	sor.u32 s29, s30;
	v2 =	vpack.i.f32.bf16 v45, v44  }
0xea: {  	[tilespmem:s0+$0x0] =	vst v2  }
0xeb: {  	v2 =	vld.idx.msk [tilespmem:v46+s13+$0x0], $0xffff  }
0xec: {  	v48 =	vld.idx.msk [tilespmem:v47+s13+$0x0], $0xffff;
	_ =	sdelay $0x1  }
0xed: {  	v49 =	vor.u32 $0x100, v0  }
0xee: {  	v50 =	vor.u32 $0x100, v1;
	_ =	sdelay $0x1  }
0xef: {  	v2 =	vpack.i.f32.bf16 v48, v2  }
0xf0: {  	[tilespmem:s0+$0x80] =	vst v2  }
0xf1: {  	v2 =	vld.idx.msk [tilespmem:v49+s13+$0x0], $0xffff  }
0xf2: {  	v51 =	vld.idx.msk [tilespmem:v50+s13+$0x0], $0xffff;
	_ =	sdelay $0x1  }
0xf3: {  	v52 =	vor.u32 $0x180, v0  }
0xf4: {  	v53 =	vor.u32 $0x180, v1;
	_ =	sdelay $0x1  }
0xf5: {  	v2 =	vpack.i.f32.bf16 v51, v2  }
0xf6: {  	[tilespmem:s0+$0x100] =	vst v2  }
0xf7: {  	v2 =	vld.idx.msk [tilespmem:v52+s13+$0x0], $0xffff  }
0xf8: {  	v54 =	vld.idx.msk [tilespmem:v53+s13+$0x0], $0xffff;
	_ =	sdelay $0x1  }
0xf9: {  	v55 =	vor.u32 $0x200, v0  }
0xfa: {  	v56 =	vor.u32 $0x200, v1;
	_ =	sdelay $0x1  }
0xfb: {  	v2 =	vpack.i.f32.bf16 v54, v2  }
0xfc: {  	[tilespmem:s0+$0x180] =	vst v2  }
0xfd: {  	v2 =	vld.idx.msk [tilespmem:v55+s13+$0x0], $0xffff  }
0xfe: {  	v57 =	vld.idx.msk [tilespmem:v56+s13+$0x0], $0xffff;
	_ =	sdelay $0x1  }
0xff: {  	v58 =	vor.u32 $0x280, v0  }
0x100: {  	v59 =	vor.u32 $0x280, v1;
	_ =	sdelay $0x1  }
0x101: {  	v2 =	vpack.i.f32.bf16 v57, v2  }
0x102: {  	[tilespmem:s0+$0x200] =	vst v2  }
0x103: {  	v2 =	vld.idx.msk [tilespmem:v58+s13+$0x0], $0xffff  }
0x104: {  	v60 =	vld.idx.msk [tilespmem:v59+s13+$0x0], $0xffff;
	_ =	sdelay $0x1  }
0x105: {  	v61 =	vor.u32 $0x300, v0  }
0x106: {  	v62 =	vor.u32 $0x300, v1;
	_ =	sdelay $0x1  }
0x107: {  	v2 =	vpack.i.f32.bf16 v60, v2  }
0x108: {  	[tilespmem:s0+$0x280] =	vst v2  }
0x109: {  	v2 =	vld.idx.msk [tilespmem:v61+s13+$0x0], $0xffff  }
0x10a: {  	v63 =	vld.idx.msk [tilespmem:v62+s13+$0x0], $0xffff;
	_ =	sdelay $0x1  }
0x10b: {  	s30 =	sand.u32 $0x7, s26;
	v0 =	vor.u32 $0x380, v0  }
0x10c: {  	v1 =	vor.u32 $0x380, v1;
	s0 =	sshll.u32 s30, $0x4  }
0x10d: {  	s0 =	sadd.s32 s0, s23  }
0x10e: {  	s31 =	sor.u32 $0x300, s0;
	v2 =	vpack.i.f32.bf16 v63, v2  }
0x10f: {  	[tilespmem:s31+$0x12000] =	vst v2  }
0x110: {  	v0 =	vld.idx.msk [tilespmem:v0+s13+$0x0], $0xffff  }
0x111: {  	v1 =	vld.idx.msk [tilespmem:v1+s13+$0x0], $0xffff  }
0x112: {  	p0 =	sne.s32 s28, $0x3F0  }
.Ltmp4:
0x113: {  	_ = 	snop;
	(pc) =	sbr.rel @p0 .LBB2_9-.Ltmp4, $3  }
0x114: {  	_ =	sdelay $0x1  }
0x115: {  	s24 =	sadd.s32 $0x1, s24;
	s25 =	sadd.s32 $0x100, s25;
	s0 =	sor.u32 $0x380, s0;
	v0 =	vpack.i.f32.bf16 v1, v0  }
0x116: {  	s28 =	sadd.s32 $0x20, s28;
	s26 =	sadd.s32 $0x2, s26;
	s23 =	sadd.s32 $0x100, s23;
	[tilespmem:s0+$0x12000] =	vst v0  }
0x117: {  	s21 =	sadd.s32 $0x1, s21  }
0x118: {  	p0 =	sne.s32 s21, $0x4  }
.Ltmp5:
0x119: {  	_ = 	snop;
	(pc) =	sbr.rel @p0 .LBB2_2-.Ltmp5, $4  }
0x11a: {  	_ = 	snop  }
0x11b: {  	s0 =	sshll.u32 s22, $0xA  }
0x11c: {  	s0 =	sadd.s32 s5, s0  }
0x11d: {  	[hbm4b:s0+s2] =	stream.linear.scatter [tilespmem:s18], [sflag:$0x4], $0x2000, $0x38;
	[tilespmem:$0x14800] =	vst v63  }
0x11e: {  	s20 =	sadd.s32 $0x1, s20  }
0x11f: {  	_ =	swait.ge [sflag:s19], $0x2000;
	p0 =	sne.s32 s20, s9  }
.Ltmp6:
0x120: {  	[sflag:s19] =	ssyncset.done $0x0;
	(pc) =	sbr.rel @p0 .LBB2_1-.Ltmp6, $4  }
0x121: {  	[sflag:s19] =	ssyncadd.s32 $0xFFFFE000  }
0x122: {  	_ =	swait.ge [sflag:s17], $0x2000  }
0x123: {  	[sflag:s17] =	ssyncset.done $0x0  }
0x124: {  	[sflag:s17] =	ssyncadd.s32 $0xFFFFE000  }
0x125: {  	_ =	sfence.sel $0x180000  }
0x126: {  	[bflag:$0x0] =	sbarrier.arrive $0xFFFF  }
0x127: {  	_ =	strace $0x90000047  }
0x128: {  	s0 =	stileid.u32;
	[bflag:$0x2] =	sbarrier.arrive $0xFFFF  }
0x129: {  	p0 =	sne.s32 s0, $0x0;
	s0 =	rddreg [dreg:$0x2]  }
0x12a: {  	s0 =	sadd.s32 @!p0 $0x100000, s0  }
0x12b: {  	[sflag:s0] =	ssyncadd.tile.s32 @!p0 $0x1;
	_ =	shalt  }
.Lfunc_end2:
_tile_overlayer_lowered:
.L_overlay_start_2:
0x12c: {  	(tag) =	ssettag $0x2  }
0x12d: {  	s0 =	rddreg [dreg:$0x0];
	s2 =	stileid.u32  }
0x12e: {  	s1 =	rddreg [dreg:$0x1];
	p0 =	sne.s32 s2, $0x0  }
0x12f: {  	s3 =	rddreg [dreg:$0x2];
	[bflag:$0x3] =	sbarrier.arrive $0xFFFF;
	s2 =	simm.s32 @!p0 $0x1C05  }
0x130: {  	[timem:s3], [sflag:s2] =	dma.local @!p0 [hbm:s0], s1  }
0x131: {  	s0 =	simm.s32 @!p0 $0x5  }
0x132: {  	_ =	swait.ge @!p0 [sflag:s0], s1  }
0x133: {  	s1 =	ssub.s32 @!p0 $0x0, s1;
	[sflag:s0] =	ssyncset.done @!p0 $0x0  }
0x134: {  	[sflag:s0] =	ssyncadd.s32 @!p0 s1  }
0x135: {  	[bflag:$0x3] =	sbarrier.arrive $0xFFFF  }
0x136: {  	_ =	shalt  }

</sc_bundles>
